<compile_context>
chip_gen: v7x
topology: tpu7x:2x2x1
jax: 0.10.2.dev20260603
libtpu: 0.0.44.dev20260713+nightly
codegen_flags: <defaults>
</compile_context>

<pallas_src>
import functools

import jax
import jax.numpy as jnp
from jax import lax
from jax.experimental import pallas as pl
from jax.experimental.pallas import tpu as pltpu
from jax.experimental.pallas import tpu_sc as plsc

_N = 10000
_E = 320000
_D = 128
_DH = 64

_NC = 2
_NS = 16
_CHUNK = 128
_BCH = 40
_NBANK = 4
_CPW = _NBANK * _BCH
_EPAD = _NS * _CPW * _CHUNK
_ACC_ROWS = 10256
_ZROWS = 648
_TAIL = _ACC_ROWS - 15 * _ZROWS
_XROWS = 632
_XTAIL = _N - 15 * _XROWS


@functools.partial(
    pl.kernel,
    mesh=plsc.VectorSubcoreMesh(core_axis_name="c", subcore_axis_name="s"),
    compiler_params=pltpu.CompilerParams(use_tc_tiling_on_sc=False),
    out_type=jax.ShapeDtypeStruct((_ACC_ROWS, _D), jnp.float32),
    scratch_types=[
        pltpu.VMEM((2, _BCH, _CHUNK), jnp.int32),
        pltpu.VMEM((2, _BCH, _CHUNK), jnp.int32),
        pltpu.VMEM((3, _CHUNK, _DH), jnp.float32),
        pltpu.VMEM_SHARED((_N, _DH), jnp.float32),
        pltpu.VMEM_SHARED((_ACC_ROWS, _DH), jnp.float32),
        pltpu.SemaphoreType.DMA,
        pltpu.SemaphoreType.DMA,
        pltpu.SemaphoreType.DMA,
        pltpu.SemaphoreType.DMA,
        pltpu.SemaphoreType.DMA,
        pltpu.SemaphoreType.DMA,
        pltpu.SemaphoreType.DMA,
        pltpu.SemaphoreType.DMA,
        pltpu.SemaphoreType.DMA,
        pltpu.SemaphoreType.DMA,
        pltpu.SemaphoreType.DMA,
    ],
)
def _sc_agg(xc_hbm, src_hbm, dst_hbm, zeros_hbm, out_hbm,
            src_v, dst_v, rows_v, x_sh, acc_sh,
            sem0, sem1, sem2, ssem0, ssem1, ssem2, bsem0, bsem1,
            gsem0, gsem1, gsem2):
    sems = (sem0, sem1, sem2)
    gsems = (gsem0, gsem1, gsem2)
    ssems = (ssem0, ssem1, ssem2)
    bsems = (bsem0, bsem1)
    cid = lax.axis_index("c")
    sid = lax.axis_index("s")

    @pl.when(sid < 15)
    def _():
        pltpu.sync_copy(xc_hbm.at[pl.ds(sid * _XROWS, _XROWS),
                                  pl.ds(cid * _DH, _DH)],
                        x_sh.at[pl.ds(sid * _XROWS, _XROWS)])
        pltpu.sync_copy(zeros_hbm, acc_sh.at[pl.ds(sid * _ZROWS, _ZROWS)])

    @pl.when(sid == 15)
    def _():
        pltpu.sync_copy(xc_hbm.at[pl.ds(15 * _XROWS, _XTAIL),
                                  pl.ds(cid * _DH, _DH)],
                        x_sh.at[pl.ds(15 * _XROWS, _XTAIL)])
        pltpu.sync_copy(zeros_hbm.at[pl.ds(0, _TAIL)],
                        acc_sh.at[pl.ds(15 * _ZROWS, _TAIL)])

    for k in range(2):
        pltpu.async_copy(src_hbm.at[k, :, sid], src_v.at[k], bsems[k])
        pltpu.async_copy(dst_hbm.at[k, :, sid], dst_v.at[k], bsems[k])
    plsc.subcore_barrier()

    for k in range(_NBANK):
        s = k % 2
        pltpu.make_async_copy(src_hbm.at[k, :, sid], src_v.at[s],
                              bsems[s]).wait()
        pltpu.make_async_copy(dst_hbm.at[k, :, sid], dst_v.at[s],
                              bsems[s]).wait()

        for b in range(2):
            pltpu.async_copy(x_sh.at[src_v.at[s, b, pl.ds(0, 64)]],
                             rows_v.at[b, pl.ds(0, 64)], sems[b])
            pltpu.async_copy(x_sh.at[src_v.at[s, b, pl.ds(64, 64)]],
                             rows_v.at[b, pl.ds(64, 64)], gsems[b])

        def step(g, carry):
            for b in range(3):
                j = g * 3 + b
                bn = (b + 2) % 3
                pltpu.make_async_copy(
                    x_sh.at[src_v.at[s, j, pl.ds(0, 64)]],
                    rows_v.at[b, pl.ds(0, 64)], sems[b]).wait()
                pltpu.make_async_copy(
                    x_sh.at[src_v.at[s, j, pl.ds(64, 64)]],
                    rows_v.at[b, pl.ds(64, 64)], gsems[b]).wait()
                pltpu.async_copy(rows_v.at[b], acc_sh.at[dst_v.at[s, j]],
                                 ssems[b], add=True)
                if b == 0:
                    @pl.when(g > 0)
                    def _():
                        pltpu.make_async_copy(
                            rows_v.at[bn], acc_sh.at[dst_v.at[s, j - 1]],
                            ssems[bn]).wait()
                else:
                    pltpu.make_async_copy(
                        rows_v.at[bn], acc_sh.at[dst_v.at[s, j - 1]],
                        ssems[bn]).wait()
                if b == 2:
                    @pl.when(g < _BCH // 3 - 1)
                    def _():
                        pltpu.async_copy(x_sh.at[src_v.at[s, j + 2, pl.ds(0, 64)]],
                                         rows_v.at[bn, pl.ds(0, 64)], sems[bn])
                        pltpu.async_copy(
                            x_sh.at[src_v.at[s, j + 2, pl.ds(64, 64)]],
                            rows_v.at[bn, pl.ds(64, 64)], gsems[bn])
                else:
                    pltpu.async_copy(x_sh.at[src_v.at[s, j + 2, pl.ds(0, 64)]],
                                     rows_v.at[bn, pl.ds(0, 64)], sems[bn])
                    pltpu.async_copy(
                        x_sh.at[src_v.at[s, j + 2, pl.ds(64, 64)]],
                        rows_v.at[bn, pl.ds(64, 64)], gsems[bn])
            return carry

        lax.fori_loop(0, _BCH // 3, step, 0)
        j = _BCH - 1
        pltpu.make_async_copy(
            x_sh.at[src_v.at[s, j, pl.ds(0, 64)]],
            rows_v.at[0, pl.ds(0, 64)], sems[0]).wait()
        pltpu.make_async_copy(
            x_sh.at[src_v.at[s, j, pl.ds(64, 64)]],
            rows_v.at[0, pl.ds(64, 64)], gsems[0]).wait()
        pltpu.async_copy(rows_v.at[0], acc_sh.at[dst_v.at[s, j]],
                         ssems[0], add=True)
        pltpu.make_async_copy(
            rows_v.at[2], acc_sh.at[dst_v.at[s, j - 1]], ssems[2]).wait()
        pltpu.make_async_copy(
            rows_v.at[0], acc_sh.at[dst_v.at[s, j]], ssems[0]).wait()
        if k + 2 < _NBANK:
            pltpu.async_copy(src_hbm.at[k + 2, :, sid], src_v.at[s], bsems[s])
            pltpu.async_copy(dst_hbm.at[k + 2, :, sid], dst_v.at[s], bsems[s])

    plsc.subcore_barrier()

    @pl.when(sid < 15)
    def _():
        pltpu.sync_copy(acc_sh.at[pl.ds(sid * _ZROWS, _ZROWS)],
                        out_hbm.at[pl.ds(sid * _ZROWS, _ZROWS),
                                   pl.ds(cid * _DH, _DH)])

    @pl.when(sid == 15)
    def _():
        pltpu.sync_copy(acc_sh.at[pl.ds(15 * _ZROWS, _TAIL)],
                        out_hbm.at[pl.ds(15 * _ZROWS, _TAIL),
                                   pl.ds(cid * _DH, _DH)])


def _mlp_body(x_ref, p_ref, w1_ref, b1_ref, w2_ref, b2_ref, g_ref, be_ref,
              o_ref):
    h = x_ref[...] + p_ref[:_N]
    h = lax.dot_general(h, w1_ref[...], (((1,), (1,)), ((), ())),
                        preferred_element_type=jnp.float32) + b1_ref[...]
    h = jnp.maximum(h, 0.0)
    h = lax.dot_general(h, w2_ref[...], (((1,), (1,)), ((), ())),
                        preferred_element_type=jnp.float32) + b2_ref[...]
    h = jnp.maximum(h, 0.0)
    mean = jnp.mean(h, axis=0, keepdims=True)
    var = jnp.mean(jnp.square(h - mean), axis=0, keepdims=True)
    o_ref[...] = (h - mean) * lax.rsqrt(var + 1e-5) * g_ref[...] + be_ref[...]


def kernel(x, edge_index, W1, b1, W2, b2, gamma, beta):
    src = edge_index[0].astype(jnp.int32)
    dst = edge_index[1].astype(jnp.int32)
    pad = _EPAD - _E
    src_p = jnp.concatenate([src, jnp.zeros((pad,), jnp.int32)])
    dst_fill = _N + (jnp.arange(pad, dtype=jnp.int32) % (_ACC_ROWS - _N))
    dst_p = jnp.concatenate([dst, dst_fill])
    src_p = src_p.reshape(_NBANK, _BCH, _NS, _CHUNK)
    dst_p = dst_p.reshape(_NBANK, _BCH, _NS, _CHUNK)
    zeros = jnp.zeros((_ZROWS, _DH), jnp.float32)

    agg = _sc_agg(x, src_p, dst_p, zeros)

    return pl.pallas_call(
        _mlp_body,
        out_shape=jax.ShapeDtypeStruct((_N, _D), jnp.float32),
    )(x, agg, W1, b1.reshape(1, _D), W2, b2.reshape(1, _D),
      gamma.reshape(1, _D), beta.reshape(1, _D))

# --- scband reference (transcript-rebuilt; emitter-appended) ---
"""Pipeline reference for scband-ginlayer-53919019434037 (READ-ONLY COPY).

The authoritative reference and input builder live on the scoring server;
editing this copy changes nothing except your own understanding.
"""

import jax, jax.numpy as jnp
import numpy as np

N = 10000
E = 320000
D_IN = 128
D_OUT = 128


def setup_inputs(seed: int = 0) -> dict:
    key = jax.random.key(seed)
    k_x, k_e, k_w1, k_b1, k_w2, k_b2 = jax.random.split(key, 6)
    x = jax.random.normal(k_x, (N, D_IN), dtype=jnp.float32)
    edge_index = jax.random.randint(k_e, (2, E), 0, N, dtype=jnp.int64)
    # MLP params (kaiming-ish uniform like torch defaults)
    lim1 = 1.0 / np.sqrt(D_IN)
    W1 = jax.random.uniform(k_w1, (D_OUT, D_IN), dtype=jnp.float32, minval=-lim1, maxval=lim1)
    b1 = jax.random.uniform(k_b1, (D_OUT,), dtype=jnp.float32, minval=-lim1, maxval=lim1)
    lim2 = 1.0 / np.sqrt(D_OUT)
    W2 = jax.random.uniform(k_w2, (D_OUT, D_OUT), dtype=jnp.float32, minval=-lim2, maxval=lim2)
    b2 = jax.random.uniform(k_b2, (D_OUT,), dtype=jnp.float32, minval=-lim2, maxval=lim2)
    gamma = jnp.ones((D_OUT,), dtype=jnp.float32)
    beta = jnp.zeros((D_OUT,), dtype=jnp.float32)
    return {"x": x, "edge_index": edge_index, "W1": W1, "b1": b1, "W2": W2, "b2": b2, "gamma": gamma, "beta": beta}


def reference(x, edge_index, W1, b1, W2, b2, gamma, beta):
    # GINConv with eps=0: h = mlp((1+eps)*x + sum_{j in N(i)} x_j)
    src = edge_index[0]
    dst = edge_index[1]
    agg = jnp.zeros_like(x).at[dst].add(x[src])  # scatter-add over destination nodes
    h = x + agg
    # MLP: Linear -> ReLU -> Linear
    h = jnp.maximum(h @ W1.T + b1, 0.0)
    h = h @ W2.T + b2
    # outer ReLU
    h = jnp.maximum(h, 0.0)
    # BatchNorm1d (training mode: batch statistics, biased variance, eps=1e-5)
    mean = jnp.mean(h, axis=0)
    var = jnp.var(h, axis=0)
    h = (h - mean) / jnp.sqrt(var + 1e-5) * gamma + beta
    return h

if __name__ == "__main__":
    import jax
    _d = setup_inputs()
    print(jax.jit(kernel)(*tuple(_d.values())))

</pallas_src>

<mosaic_0001>
#map = affine_map<(d0, d1) -> (0, 0)>
#map1 = affine_map<(d0, d1) -> (0, 0, 0, 0)>
module attributes {stable_mosaic.version = 14 : i64} {
  func.func @_sc_agg(%arg0: i32, %arg1: i32, %arg2: memref<10000x128xf32, #tpu.memory_space<hbm>>, %arg3: memref<4x40x16x128xi32, #tpu.memory_space<hbm>>, %arg4: memref<4x40x16x128xi32, #tpu.memory_space<hbm>>, %arg5: memref<648x64xf32, #tpu.memory_space<hbm>>, %arg6: memref<10256x128xf32, #tpu.memory_space<hbm>>, %arg7: memref<2x40x128xi32, #tpu.memory_space<vmem>>, %arg8: memref<2x40x128xi32, #tpu.memory_space<vmem>>, %arg9: memref<3x128x64xf32, #tpu.memory_space<vmem>>, %arg10: memref<10000x64xf32, #tpu.memory_space<vmem_shared>>, %arg11: memref<10256x64xf32, #tpu.memory_space<vmem_shared>>, %arg12: memref<!tpu.dma_semaphore, #tpu.memory_space<semaphore_mem>>, %arg13: memref<!tpu.dma_semaphore, #tpu.memory_space<semaphore_mem>>, %arg14: memref<!tpu.dma_semaphore, #tpu.memory_space<semaphore_mem>>, %arg15: memref<!tpu.dma_semaphore, #tpu.memory_space<semaphore_mem>>, %arg16: memref<!tpu.dma_semaphore, #tpu.memory_space<semaphore_mem>>, %arg17: memref<!tpu.dma_semaphore, #tpu.memory_space<semaphore_mem>>, %arg18: memref<!tpu.dma_semaphore, #tpu.memory_space<semaphore_mem>>, %arg19: memref<!tpu.dma_semaphore, #tpu.memory_space<semaphore_mem>>, %arg20: memref<!tpu.dma_semaphore, #tpu.memory_space<semaphore_mem>>, %arg21: memref<!tpu.dma_semaphore, #tpu.memory_space<semaphore_mem>>, %arg22: memref<!tpu.dma_semaphore, #tpu.memory_space<semaphore_mem>>) attributes {dimension_semantics = [#tpu.dimension_semantics<core_parallel>, #tpu.dimension_semantics<subcore_parallel>], iteration_bounds = array<i64: 2, 16>, scalar_prefetch = 0 : i64, scratch_operands = 16 : i64, tpu.core_type = #tpu.core_type<sc_vector_subcore>, window_params = [{transform_indices = #map}, {transform_indices = #map1}, {transform_indices = #map1}, {transform_indices = #map}, {transform_indices = #map}]} {
    %lt3A = arith.constant 15 : i32
    %lt3A_0 = arith.cmpi slt, %arg1, %lt3A : i32
    %convert_element_type3A = arith.extui %lt3A_0 : i1 to i32
    %cond3A = arith.constant 0 : i32
    %cond3A_1 = arith.cmpi ne, %convert_element_type3A, %cond3A : i32
    scf.if %cond3A_1 {
      %mul3A = arith.constant 632 : i32
      %mul3A_794 = arith.muli %arg1, %mul3A : i32
      %mul3A_795 = arith.constant 64 : i32
      %mul3A_796 = arith.muli %arg0, %mul3A_795 : i32
      %mul3A_797 = arith.constant 632 : i32
      %mul3A_798 = arith.muli %arg1, %mul3A_797 : i32
      "tpu.region"() ({
        %run_scoped3A = tpu.sem_alloc : memref<!tpu.dma_semaphore, #tpu.memory_space<semaphore_mem>>
        %dma_start3A_801 = arith.constant 0 : i32
        %dma_start3A_802 = tpu.memref_slice %arg10[%mul3A_798, %dma_start3A_801] : memref<10000x64xf32, #tpu.memory_space<vmem_shared>> -> memref<632x64xf32, #tpu.memory_space<vmem_shared>>
        %dma_start3A_803 = tpu.memref_slice %arg2[%mul3A_794, %mul3A_796] : memref<10000x128xf32, #tpu.memory_space<hbm>> -> memref<632x64xf32, #tpu.memory_space<hbm>>
        tpu.enqueue_dma source(%dma_start3A_803 : memref<632x64xf32, #tpu.memory_space<hbm>>) target(%dma_start3A_802 : memref<632x64xf32, #tpu.memory_space<vmem_shared>>) target_semaphore(%run_scoped3A : memref<!tpu.dma_semaphore, #tpu.memory_space<semaphore_mem>>)
        %dma_wait3A_804 = arith.constant 0 : i32
        %dma_wait3A_805 = tpu.memref_slice %arg10[%mul3A_798, %dma_wait3A_804] : memref<10000x64xf32, #tpu.memory_space<vmem_shared>> -> memref<632x64xf32, #tpu.memory_space<vmem_shared>>
        %dma_wait3A_806 = tpu.memref_slice %arg2[%mul3A_794, %mul3A_796] : memref<10000x128xf32, #tpu.memory_space<hbm>> -> memref<632x64xf32, #tpu.memory_space<hbm>>
        tpu.wait_dma2 semaphore(%run_scoped3A : memref<!tpu.dma_semaphore, #tpu.memory_space<semaphore_mem>>) src(%dma_wait3A_806 : memref<632x64xf32, #tpu.memory_space<hbm>>) dst(%dma_wait3A_805 : memref<632x64xf32, #tpu.memory_space<vmem_shared>>)
        tpu.yield
      }) : () -> ()
      %mul3A_799 = arith.constant 648 : i32
      %mul3A_800 = arith.muli %arg1, %mul3A_799 : i32
      "tpu.region"() ({
        %run_scoped3A = tpu.sem_alloc : memref<!tpu.dma_semaphore, #tpu.memory_space<semaphore_mem>>
        %dma_start3A_801 = arith.constant 0 : i32
        %dma_start3A_802 = tpu.memref_slice %arg11[%mul3A_800, %dma_start3A_801] : memref<10256x64xf32, #tpu.memory_space<vmem_shared>> -> memref<648x64xf32, #tpu.memory_space<vmem_shared>>
        tpu.enqueue_dma source(%arg5 : memref<648x64xf32, #tpu.memory_space<hbm>>) target(%dma_start3A_802 : memref<648x64xf32, #tpu.memory_space<vmem_shared>>) target_semaphore(%run_scoped3A : memref<!tpu.dma_semaphore, #tpu.memory_space<semaphore_mem>>)
        %dma_wait3A_803 = arith.constant 0 : i32
        %dma_wait3A_804 = tpu.memref_slice %arg11[%mul3A_800, %dma_wait3A_803] : memref<10256x64xf32, #tpu.memory_space<vmem_shared>> -> memref<648x64xf32, #tpu.memory_space<vmem_shared>>
        tpu.wait_dma2 semaphore(%run_scoped3A : memref<!tpu.dma_semaphore, #tpu.memory_space<semaphore_mem>>) src(%arg5 : memref<648x64xf32, #tpu.memory_space<hbm>>) dst(%dma_wait3A_804 : memref<648x64xf32, #tpu.memory_space<vmem_shared>>)
        tpu.yield
      }) : () -> ()
    } else {
    }
    %eq3A = arith.constant 15 : i32
    %eq3A_2 = arith.cmpi eq, %arg1, %eq3A : i32
    %convert_element_type3A_3 = arith.extui %eq3A_2 : i1 to i32
    %cond3A_4 = arith.constant 0 : i32
    %cond3A_5 = arith.cmpi ne, %convert_element_type3A_3, %cond3A_4 : i32
    scf.if %cond3A_5 {
      %mul3A = arith.constant 64 : i32
      %mul3A_794 = arith.muli %arg0, %mul3A : i32
      "tpu.region"() ({
        %run_scoped3A = tpu.sem_alloc : memref<!tpu.dma_semaphore, #tpu.memory_space<semaphore_mem>>
        %dma_start3A_795 = arith.constant 9480 : i32
        %dma_start3A_796 = arith.constant 0 : i32
        %dma_start3A_797 = tpu.memref_slice %arg10[%dma_start3A_795, %dma_start3A_796] : memref<10000x64xf32, #tpu.memory_space<vmem_shared>> -> memref<520x64xf32, #tpu.memory_space<vmem_shared>>
        %dma_start3A_798 = arith.constant 9480 : i32
        %dma_start3A_799 = tpu.memref_slice %arg2[%dma_start3A_798, %mul3A_794] : memref<10000x128xf32, #tpu.memory_space<hbm>> -> memref<520x64xf32, #tpu.memory_space<hbm>>
        tpu.enqueue_dma source(%dma_start3A_799 : memref<520x64xf32, #tpu.memory_space<hbm>>) target(%dma_start3A_797 : memref<520x64xf32, #tpu.memory_space<vmem_shared>>) target_semaphore(%run_scoped3A : memref<!tpu.dma_semaphore, #tpu.memory_space<semaphore_mem>>)
        %dma_wait3A_800 = arith.constant 9480 : i32
        %dma_wait3A_801 = arith.constant 0 : i32
        %dma_wait3A_802 = tpu.memref_slice %arg10[%dma_wait3A_800, %dma_wait3A_801] : memref<10000x64xf32, #tpu.memory_space<vmem_shared>> -> memref<520x64xf32, #tpu.memory_space<vmem_shared>>
        %dma_wait3A_803 = arith.constant 9480 : i32
        %dma_wait3A_804 = tpu.memref_slice %arg2[%dma_wait3A_803, %mul3A_794] : memref<10000x128xf32, #tpu.memory_space<hbm>> -> memref<520x64xf32, #tpu.memory_space<hbm>>
        tpu.wait_dma2 semaphore(%run_scoped3A : memref<!tpu.dma_semaphore, #tpu.memory_space<semaphore_mem>>) src(%dma_wait3A_804 : memref<520x64xf32, #tpu.memory_space<hbm>>) dst(%dma_wait3A_802 : memref<520x64xf32, #tpu.memory_space<vmem_shared>>)
        tpu.yield
      }) : () -> ()
      "tpu.region"() ({
        %run_scoped3A = tpu.sem_alloc : memref<!tpu.dma_semaphore, #tpu.memory_space<semaphore_mem>>
        %dma_start3A_795 = arith.constant 9720 : i32
        %dma_start3A_796 = arith.constant 0 : i32
        %dma_start3A_797 = tpu.memref_slice %arg11[%dma_start3A_795, %dma_start3A_796] : memref<10256x64xf32, #tpu.memory_space<vmem_shared>> -> memref<536x64xf32, #tpu.memory_space<vmem_shared>>
        %dma_start3A_798 = arith.constant 0 : i32
        %dma_start3A_799 = arith.constant 0 : i32
        %dma_start3A_800 = tpu.memref_slice %arg5[%dma_start3A_798, %dma_start3A_799] : memref<648x64xf32, #tpu.memory_space<hbm>> -> memref<536x64xf32, #tpu.memory_space<hbm>>
        tpu.enqueue_dma source(%dma_start3A_800 : memref<536x64xf32, #tpu.memory_space<hbm>>) target(%dma_start3A_797 : memref<536x64xf32, #tpu.memory_space<vmem_shared>>) target_semaphore(%run_scoped3A : memref<!tpu.dma_semaphore, #tpu.memory_space<semaphore_mem>>)
        %dma_wait3A_801 = arith.constant 9720 : i32
        %dma_wait3A_802 = arith.constant 0 : i32
        %dma_wait3A_803 = tpu.memref_slice %arg11[%dma_wait3A_801, %dma_wait3A_802] : memref<10256x64xf32, #tpu.memory_space<vmem_shared>> -> memref<536x64xf32, #tpu.memory_space<vmem_shared>>
        %dma_wait3A_804 = arith.constant 0 : i32
        %dma_wait3A_805 = arith.constant 0 : i32
        %dma_wait3A_806 = tpu.memref_slice %arg5[%dma_wait3A_804, %dma_wait3A_805] : memref<648x64xf32, #tpu.memory_space<hbm>> -> memref<536x64xf32, #tpu.memory_space<hbm>>
        tpu.wait_dma2 semaphore(%run_scoped3A : memref<!tpu.dma_semaphore, #tpu.memory_space<semaphore_mem>>) src(%dma_wait3A_806 : memref<536x64xf32, #tpu.memory_space<hbm>>) dst(%dma_wait3A_803 : memref<536x64xf32, #tpu.memory_space<vmem_shared>>)
        tpu.yield
      }) : () -> ()
    } else {
    }
    %dma_start3A = arith.constant 0 : i32
    %dma_start3A_6 = arith.constant 0 : i32
    %dma_start3A_7 = arith.constant 0 : i32
    %dma_start3A_8 = arith.constant 0 : i32
    %dma_start3A_9 = tpu.memref_slice %arg7[%dma_start3A_6, %dma_start3A_7, %dma_start3A_8] : memref<2x40x128xi32, #tpu.memory_space<vmem>> -> memref<1x40x128xi32, #tpu.memory_space<vmem>>
    %dma_start3A_10 = tpu.memref_squeeze %dma_start3A_9 : memref<1x40x128xi32, #tpu.memory_space<vmem>> -> memref<40x128xi32, #tpu.memory_space<vmem>>
    %dma_start3A_11 = arith.constant 0 : i32
    %dma_start3A_12 = arith.constant 0 : i32
    %dma_start3A_13 = tpu.memref_slice %arg3[%dma_start3A, %dma_start3A_11, %arg1, %dma_start3A_12] : memref<4x40x16x128xi32, #tpu.memory_space<hbm>> -> memref<1x40x1x128xi32, #tpu.memory_space<hbm>>
    %dma_start3A_14 = tpu.memref_squeeze %dma_start3A_13 : memref<1x40x1x128xi32, #tpu.memory_space<hbm>> -> memref<40x128xi32, #tpu.memory_space<hbm>>
    %dma_start3A_15 = arith.constant 0 : i32
    %dma_start3A_16 = arith.constant 0 : i32
    %dma_start3A_17 = tpu.memref_slice %arg7[%dma_start3A_6, %dma_start3A_15, %dma_start3A_16] : memref<2x40x128xi32, #tpu.memory_space<vmem>> -> memref<1x40x128xi32, #tpu.memory_space<vmem>>
    %dma_start3A_18 = tpu.memref_squeeze %dma_start3A_17 : memref<1x40x128xi32, #tpu.memory_space<vmem>> -> memref<40x128xi32, #tpu.memory_space<vmem>>
    %dma_start3A_19 = arith.constant 0 : i32
    %dma_start3A_20 = arith.constant 0 : i32
    %dma_start3A_21 = tpu.memref_slice %arg3[%dma_start3A, %dma_start3A_19, %arg1, %dma_start3A_20] : memref<4x40x16x128xi32, #tpu.memory_space<hbm>> -> memref<1x40x1x128xi32, #tpu.memory_space<hbm>>
    %dma_start3A_22 = tpu.memref_squeeze %dma_start3A_21 : memref<1x40x1x128xi32, #tpu.memory_space<hbm>> -> memref<40x128xi32, #tpu.memory_space<hbm>>
    tpu.enqueue_dma source(%dma_start3A_22 : memref<40x128xi32, #tpu.memory_space<hbm>>) target(%dma_start3A_18 : memref<40x128xi32, #tpu.memory_space<vmem>>) target_semaphore(%arg18 : memref<!tpu.dma_semaphore, #tpu.memory_space<semaphore_mem>>)
    %dma_start3A_23 = arith.constant 0 : i32
    %dma_start3A_24 = arith.constant 0 : i32
    %dma_start3A_25 = arith.constant 0 : i32
    %dma_start3A_26 = arith.constant 0 : i32
    %dma_start3A_27 = tpu.memref_slice %arg8[%dma_start3A_24, %dma_start3A_25, %dma_start3A_26] : memref<2x40x128xi32, #tpu.memory_space<vmem>> -> memref<1x40x128xi32, #tpu.memory_space<vmem>>
    %dma_start3A_28 = tpu.memref_squeeze %dma_start3A_27 : memref<1x40x128xi32, #tpu.memory_space<vmem>> -> memref<40x128xi32, #tpu.memory_space<vmem>>
    %dma_start3A_29 = arith.constant 0 : i32
    %dma_start3A_30 = arith.constant 0 : i32
    %dma_start3A_31 = tpu.memref_slice %arg4[%dma_start3A_23, %dma_start3A_29, %arg1, %dma_start3A_30] : memref<4x40x16x128xi32, #tpu.memory_space<hbm>> -> memref<1x40x1x128xi32, #tpu.memory_space<hbm>>
    %dma_start3A_32 = tpu.memref_squeeze %dma_start3A_31 : memref<1x40x1x128xi32, #tpu.memory_space<hbm>> -> memref<40x128xi32, #tpu.memory_space<hbm>>
    %dma_start3A_33 = arith.constant 0 : i32
    %dma_start3A_34 = arith.constant 0 : i32
    %dma_start3A_35 = tpu.memref_slice %arg8[%dma_start3A_24, %dma_start3A_33, %dma_start3A_34] : memref<2x40x128xi32, #tpu.memory_space<vmem>> -> memref<1x40x128xi32, #tpu.memory_space<vmem>>
    %dma_start3A_36 = tpu.memref_squeeze %dma_start3A_35 : memref<1x40x128xi32, #tpu.memory_space<vmem>> -> memref<40x128xi32, #tpu.memory_space<vmem>>
    %dma_start3A_37 = arith.constant 0 : i32
    %dma_start3A_38 = arith.constant 0 : i32
    %dma_start3A_39 = tpu.memref_slice %arg4[%dma_start3A_23, %dma_start3A_37, %arg1, %dma_start3A_38] : memref<4x40x16x128xi32, #tpu.memory_space<hbm>> -> memref<1x40x1x128xi32, #tpu.memory_space<hbm>>
    %dma_start3A_40 = tpu.memref_squeeze %dma_start3A_39 : memref<1x40x1x128xi32, #tpu.memory_space<hbm>> -> memref<40x128xi32, #tpu.memory_space<hbm>>
    tpu.enqueue_dma source(%dma_start3A_40 : memref<40x128xi32, #tpu.memory_space<hbm>>) target(%dma_start3A_36 : memref<40x128xi32, #tpu.memory_space<vmem>>) target_semaphore(%arg18 : memref<!tpu.dma_semaphore, #tpu.memory_space<semaphore_mem>>)
    %dma_start3A_41 = arith.constant 1 : i32
    %dma_start3A_42 = arith.constant 1 : i32
    %dma_start3A_43 = arith.constant 0 : i32
    %dma_start3A_44 = arith.constant 0 : i32
    %dma_start3A_45 = tpu.memref_slice %arg7[%dma_start3A_42, %dma_start3A_43, %dma_start3A_44] : memref<2x40x128xi32, #tpu.memory_space<vmem>> -> memref<1x40x128xi32, #tpu.memory_space<vmem>>
    %dma_start3A_46 = tpu.memref_squeeze %dma_start3A_45 : memref<1x40x128xi32, #tpu.memory_space<vmem>> -> memref<40x128xi32, #tpu.memory_space<vmem>>
    %dma_start3A_47 = arith.constant 0 : i32
    %dma_start3A_48 = arith.constant 0 : i32
    %dma_start3A_49 = tpu.memref_slice %arg3[%dma_start3A_41, %dma_start3A_47, %arg1, %dma_start3A_48] : memref<4x40x16x128xi32, #tpu.memory_space<hbm>> -> memref<1x40x1x128xi32, #tpu.memory_space<hbm>>
    %dma_start3A_50 = tpu.memref_squeeze %dma_start3A_49 : memref<1x40x1x128xi32, #tpu.memory_space<hbm>> -> memref<40x128xi32, #tpu.memory_space<hbm>>
    %dma_start3A_51 = arith.constant 0 : i32
    %dma_start3A_52 = arith.constant 0 : i32
    %dma_start3A_53 = tpu.memref_slice %arg7[%dma_start3A_42, %dma_start3A_51, %dma_start3A_52] : memref<2x40x128xi32, #tpu.memory_space<vmem>> -> memref<1x40x128xi32, #tpu.memory_space<vmem>>
    %dma_start3A_54 = tpu.memref_squeeze %dma_start3A_53 : memref<1x40x128xi32, #tpu.memory_space<vmem>> -> memref<40x128xi32, #tpu.memory_space<vmem>>
    %dma_start3A_55 = arith.constant 0 : i32
    %dma_start3A_56 = arith.constant 0 : i32
    %dma_start3A_57 = tpu.memref_slice %arg3[%dma_start3A_41, %dma_start3A_55, %arg1, %dma_start3A_56] : memref<4x40x16x128xi32, #tpu.memory_space<hbm>> -> memref<1x40x1x128xi32, #tpu.memory_space<hbm>>
    %dma_start3A_58 = tpu.memref_squeeze %dma_start3A_57 : memref<1x40x1x128xi32, #tpu.memory_space<hbm>> -> memref<40x128xi32, #tpu.memory_space<hbm>>
    tpu.enqueue_dma source(%dma_start3A_58 : memref<40x128xi32, #tpu.memory_space<hbm>>) target(%dma_start3A_54 : memref<40x128xi32, #tpu.memory_space<vmem>>) target_semaphore(%arg19 : memref<!tpu.dma_semaphore, #tpu.memory_space<semaphore_mem>>)
    %dma_start3A_59 = arith.constant 1 : i32
    %dma_start3A_60 = arith.constant 1 : i32
    %dma_start3A_61 = arith.constant 0 : i32
    %dma_start3A_62 = arith.constant 0 : i32
    %dma_start3A_63 = tpu.memref_slice %arg8[%dma_start3A_60, %dma_start3A_61, %dma_start3A_62] : memref<2x40x128xi32, #tpu.memory_space<vmem>> -> memref<1x40x128xi32, #tpu.memory_space<vmem>>
    %dma_start3A_64 = tpu.memref_squeeze %dma_start3A_63 : memref<1x40x128xi32, #tpu.memory_space<vmem>> -> memref<40x128xi32, #tpu.memory_space<vmem>>
    %dma_start3A_65 = arith.constant 0 : i32
    %dma_start3A_66 = arith.constant 0 : i32
    %dma_start3A_67 = tpu.memref_slice %arg4[%dma_start3A_59, %dma_start3A_65, %arg1, %dma_start3A_66] : memref<4x40x16x128xi32, #tpu.memory_space<hbm>> -> memref<1x40x1x128xi32, #tpu.memory_space<hbm>>
    %dma_start3A_68 = tpu.memref_squeeze %dma_start3A_67 : memref<1x40x1x128xi32, #tpu.memory_space<hbm>> -> memref<40x128xi32, #tpu.memory_space<hbm>>
    %dma_start3A_69 = arith.constant 0 : i32
    %dma_start3A_70 = arith.constant 0 : i32
    %dma_start3A_71 = tpu.memref_slice %arg8[%dma_start3A_60, %dma_start3A_69, %dma_start3A_70] : memref<2x40x128xi32, #tpu.memory_space<vmem>> -> memref<1x40x128xi32, #tpu.memory_space<vmem>>
    %dma_start3A_72 = tpu.memref_squeeze %dma_start3A_71 : memref<1x40x128xi32, #tpu.memory_space<vmem>> -> memref<40x128xi32, #tpu.memory_space<vmem>>
    %dma_start3A_73 = arith.constant 0 : i32
    %dma_start3A_74 = arith.constant 0 : i32
    %dma_start3A_75 = tpu.memref_slice %arg4[%dma_start3A_59, %dma_start3A_73, %arg1, %dma_start3A_74] : memref<4x40x16x128xi32, #tpu.memory_space<hbm>> -> memref<1x40x1x128xi32, #tpu.memory_space<hbm>>
    %dma_start3A_76 = tpu.memref_squeeze %dma_start3A_75 : memref<1x40x1x128xi32, #tpu.memory_space<hbm>> -> memref<40x128xi32, #tpu.memory_space<hbm>>
    tpu.enqueue_dma source(%dma_start3A_76 : memref<40x128xi32, #tpu.memory_space<hbm>>) target(%dma_start3A_72 : memref<40x128xi32, #tpu.memory_space<vmem>>) target_semaphore(%arg19 : memref<!tpu.dma_semaphore, #tpu.memory_space<semaphore_mem>>)
    %barrier3A = arith.constant 0 : index
    tpu.barrier barrier_id(%barrier3A)
    %dma_wait3A = arith.constant 0 : i32
    %dma_wait3A_77 = arith.constant 0 : i32
    %dma_wait3A_78 = arith.constant 0 : i32
    %dma_wait3A_79 = arith.constant 0 : i32
    %dma_wait3A_80 = tpu.memref_slice %arg7[%dma_wait3A_77, %dma_wait3A_78, %dma_wait3A_79] : memref<2x40x128xi32, #tpu.memory_space<vmem>> -> memref<1x40x128xi32, #tpu.memory_space<vmem>>
    %dma_wait3A_81 = tpu.memref_squeeze %dma_wait3A_80 : memref<1x40x128xi32, #tpu.memory_space<vmem>> -> memref<40x128xi32, #tpu.memory_space<vmem>>
    %dma_wait3A_82 = arith.constant 0 : i32
    %dma_wait3A_83 = arith.constant 0 : i32
    %dma_wait3A_84 = tpu.memref_slice %arg3[%dma_wait3A, %dma_wait3A_82, %arg1, %dma_wait3A_83] : memref<4x40x16x128xi32, #tpu.memory_space<hbm>> -> memref<1x40x1x128xi32, #tpu.memory_space<hbm>>
    %dma_wait3A_85 = tpu.memref_squeeze %dma_wait3A_84 : memref<1x40x1x128xi32, #tpu.memory_space<hbm>> -> memref<40x128xi32, #tpu.memory_space<hbm>>
    %dma_wait3A_86 = arith.constant 0 : i32
    %dma_wait3A_87 = arith.constant 0 : i32
    %dma_wait3A_88 = tpu.memref_slice %arg7[%dma_wait3A_77, %dma_wait3A_86, %dma_wait3A_87] : memref<2x40x128xi32, #tpu.memory_space<vmem>> -> memref<1x40x128xi32, #tpu.memory_space<vmem>>
    %dma_wait3A_89 = tpu.memref_squeeze %dma_wait3A_88 : memref<1x40x128xi32, #tpu.memory_space<vmem>> -> memref<40x128xi32, #tpu.memory_space<vmem>>
    %dma_wait3A_90 = arith.constant 0 : i32
    %dma_wait3A_91 = arith.constant 0 : i32
    %dma_wait3A_92 = tpu.memref_slice %arg3[%dma_wait3A, %dma_wait3A_90, %arg1, %dma_wait3A_91] : memref<4x40x16x128xi32, #tpu.memory_space<hbm>> -> memref<1x40x1x128xi32, #tpu.memory_space<hbm>>
    %dma_wait3A_93 = tpu.memref_squeeze %dma_wait3A_92 : memref<1x40x1x128xi32, #tpu.memory_space<hbm>> -> memref<40x128xi32, #tpu.memory_space<hbm>>
    tpu.wait_dma2 semaphore(%arg18 : memref<!tpu.dma_semaphore, #tpu.memory_space<semaphore_mem>>) src(%dma_wait3A_93 : memref<40x128xi32, #tpu.memory_space<hbm>>) dst(%dma_wait3A_89 : memref<40x128xi32, #tpu.memory_space<vmem>>)
    %dma_wait3A_94 = arith.constant 0 : i32
    %dma_wait3A_95 = arith.constant 0 : i32
    %dma_wait3A_96 = arith.constant 0 : i32
    %dma_wait3A_97 = arith.constant 0 : i32
    %dma_wait3A_98 = tpu.memref_slice %arg8[%dma_wait3A_95, %dma_wait3A_96, %dma_wait3A_97] : memref<2x40x128xi32, #tpu.memory_space<vmem>> -> memref<1x40x128xi32, #tpu.memory_space<vmem>>
    %dma_wait3A_99 = tpu.memref_squeeze %dma_wait3A_98 : memref<1x40x128xi32, #tpu.memory_space<vmem>> -> memref<40x128xi32, #tpu.memory_space<vmem>>
    %dma_wait3A_100 = arith.constant 0 : i32
    %dma_wait3A_101 = arith.constant 0 : i32
    %dma_wait3A_102 = tpu.memref_slice %arg4[%dma_wait3A_94, %dma_wait3A_100, %arg1, %dma_wait3A_101] : memref<4x40x16x128xi32, #tpu.memory_space<hbm>> -> memref<1x40x1x128xi32, #tpu.memory_space<hbm>>
    %dma_wait3A_103 = tpu.memref_squeeze %dma_wait3A_102 : memref<1x40x1x128xi32, #tpu.memory_space<hbm>> -> memref<40x128xi32, #tpu.memory_space<hbm>>
    %dma_wait3A_104 = arith.constant 0 : i32
    %dma_wait3A_105 = arith.constant 0 : i32
    %dma_wait3A_106 = tpu.memref_slice %arg8[%dma_wait3A_95, %dma_wait3A_104, %dma_wait3A_105] : memref<2x40x128xi32, #tpu.memory_space<vmem>> -> memref<1x40x128xi32, #tpu.memory_space<vmem>>
    %dma_wait3A_107 = tpu.memref_squeeze %dma_wait3A_106 : memref<1x40x128xi32, #tpu.memory_space<vmem>> -> memref<40x128xi32, #tpu.memory_space<vmem>>
    %dma_wait3A_108 = arith.constant 0 : i32
    %dma_wait3A_109 = arith.constant 0 : i32
    %dma_wait3A_110 = tpu.memref_slice %arg4[%dma_wait3A_94, %dma_wait3A_108, %arg1, %dma_wait3A_109] : memref<4x40x16x128xi32, #tpu.memory_space<hbm>> -> memref<1x40x1x128xi32, #tpu.memory_space<hbm>>
    %dma_wait3A_111 = tpu.memref_squeeze %dma_wait3A_110 : memref<1x40x1x128xi32, #tpu.memory_space<hbm>> -> memref<40x128xi32, #tpu.memory_space<hbm>>
    tpu.wait_dma2 semaphore(%arg18 : memref<!tpu.dma_semaphore, #tpu.memory_space<semaphore_mem>>) src(%dma_wait3A_111 : memref<40x128xi32, #tpu.memory_space<hbm>>) dst(%dma_wait3A_107 : memref<40x128xi32, #tpu.memory_space<vmem>>)
    %dma_start3A_112 = arith.constant 0 : i32
    %dma_start3A_113 = arith.constant 0 : i32
    %dma_start3A_114 = arith.constant 0 : i32
    %dma_start3A_115 = arith.constant 0 : i32
    %dma_start3A_116 = arith.constant 0 : i32
    %dma_start3A_117 = tpu.memref_slice %arg9[%dma_start3A_114, %dma_start3A_115, %dma_start3A_116] : memref<3x128x64xf32, #tpu.memory_space<vmem>> -> memref<1x64x64xf32, #tpu.memory_space<vmem>>
    %dma_start3A_118 = tpu.memref_squeeze %dma_start3A_117 : memref<1x64x64xf32, #tpu.memory_space<vmem>> -> memref<64x64xf32, #tpu.memory_space<vmem>>
    %dma_start3A_119 = arith.constant 0 : i32
    %dma_start3A_120 = tpu.memref_slice %arg7[%dma_start3A_112, %dma_start3A_113, %dma_start3A_119] : memref<2x40x128xi32, #tpu.memory_space<vmem>> -> memref<1x1x64xi32, #tpu.memory_space<vmem>>
    %dma_start3A_121 = tpu.memref_squeeze %dma_start3A_120 : memref<1x1x64xi32, #tpu.memory_space<vmem>> -> memref<64xi32, #tpu.memory_space<vmem>>
    %dma_start3A_122 = arith.constant 0 : i32
    %dma_start3A_123 = arith.constant 0 : i32
    %dma_start3A_124 = tpu.memref_slice %arg10[%dma_start3A_122, %dma_start3A_123] : memref<10000x64xf32, #tpu.memory_space<vmem_shared>> -> memref<10000x64xf32, #tpu.memory_space<vmem_shared>>
    tpu.enqueue_indirect_dma source(%dma_start3A_124 : memref<10000x64xf32, #tpu.memory_space<vmem_shared>>) target(%dma_start3A_118 : memref<64x64xf32, #tpu.memory_space<vmem>>) offsets(%dma_start3A_121 : memref<64xi32, #tpu.memory_space<vmem>>) semaphore(%arg12 : memref<!tpu.dma_semaphore, #tpu.memory_space<semaphore_mem>>)
    %dma_start3A_125 = arith.constant 0 : i32
    %dma_start3A_126 = arith.constant 0 : i32
    %dma_start3A_127 = arith.constant 0 : i32
    %dma_start3A_128 = arith.constant 64 : i32
    %dma_start3A_129 = arith.constant 0 : i32
    %dma_start3A_130 = tpu.memref_slice %arg9[%dma_start3A_127, %dma_start3A_128, %dma_start3A_129] : memref<3x128x64xf32, #tpu.memory_space<vmem>> -> memref<1x64x64xf32, #tpu.memory_space<vmem>>
    %dma_start3A_131 = tpu.memref_squeeze %dma_start3A_130 : memref<1x64x64xf32, #tpu.memory_space<vmem>> -> memref<64x64xf32, #tpu.memory_space<vmem>>
    %dma_start3A_132 = arith.constant 64 : i32
    %dma_start3A_133 = tpu.memref_slice %arg7[%dma_start3A_125, %dma_start3A_126, %dma_start3A_132] : memref<2x40x128xi32, #tpu.memory_space<vmem>> -> memref<1x1x64xi32, #tpu.memory_space<vmem>>
    %dma_start3A_134 = tpu.memref_squeeze %dma_start3A_133 : memref<1x1x64xi32, #tpu.memory_space<vmem>> -> memref<64xi32, #tpu.memory_space<vmem>>
    %dma_start3A_135 = arith.constant 0 : i32
    %dma_start3A_136 = arith.constant 0 : i32
    %dma_start3A_137 = tpu.memref_slice %arg10[%dma_start3A_135, %dma_start3A_136] : memref<10000x64xf32, #tpu.memory_space<vmem_shared>> -> memref<10000x64xf32, #tpu.memory_space<vmem_shared>>
    tpu.enqueue_indirect_dma source(%dma_start3A_137 : memref<10000x64xf32, #tpu.memory_space<vmem_shared>>) target(%dma_start3A_131 : memref<64x64xf32, #tpu.memory_space<vmem>>) offsets(%dma_start3A_134 : memref<64xi32, #tpu.memory_space<vmem>>) semaphore(%arg20 : memref<!tpu.dma_semaphore, #tpu.memory_space<semaphore_mem>>)
    %dma_start3A_138 = arith.constant 0 : i32
    %dma_start3A_139 = arith.constant 1 : i32
    %dma_start3A_140 = arith.constant 1 : i32
    %dma_start3A_141 = arith.constant 0 : i32
    %dma_start3A_142 = arith.constant 0 : i32
    %dma_start3A_143 = tpu.memref_slice %arg9[%dma_start3A_140, %dma_start3A_141, %dma_start3A_142] : memref<3x128x64xf32, #tpu.memory_space<vmem>> -> memref<1x64x64xf32, #tpu.memory_space<vmem>>
    %dma_start3A_144 = tpu.memref_squeeze %dma_start3A_143 : memref<1x64x64xf32, #tpu.memory_space<vmem>> -> memref<64x64xf32, #tpu.memory_space<vmem>>
    %dma_start3A_145 = arith.constant 0 : i32
    %dma_start3A_146 = tpu.memref_slice %arg7[%dma_start3A_138, %dma_start3A_139, %dma_start3A_145] : memref<2x40x128xi32, #tpu.memory_space<vmem>> -> memref<1x1x64xi32, #tpu.memory_space<vmem>>
    %dma_start3A_147 = tpu.memref_squeeze %dma_start3A_146 : memref<1x1x64xi32, #tpu.memory_space<vmem>> -> memref<64xi32, #tpu.memory_space<vmem>>
    %dma_start3A_148 = arith.constant 0 : i32
    %dma_start3A_149 = arith.constant 0 : i32
    %dma_start3A_150 = tpu.memref_slice %arg10[%dma_start3A_148, %dma_start3A_149] : memref<10000x64xf32, #tpu.memory_space<vmem_shared>> -> memref<10000x64xf32, #tpu.memory_space<vmem_shared>>
    tpu.enqueue_indirect_dma source(%dma_start3A_150 : memref<10000x64xf32, #tpu.memory_space<vmem_shared>>) target(%dma_start3A_144 : memref<64x64xf32, #tpu.memory_space<vmem>>) offsets(%dma_start3A_147 : memref<64xi32, #tpu.memory_space<vmem>>) semaphore(%arg13 : memref<!tpu.dma_semaphore, #tpu.memory_space<semaphore_mem>>)
    %dma_start3A_151 = arith.constant 0 : i32
    %dma_start3A_152 = arith.constant 1 : i32
    %dma_start3A_153 = arith.constant 1 : i32
    %dma_start3A_154 = arith.constant 64 : i32
    %dma_start3A_155 = arith.constant 0 : i32
    %dma_start3A_156 = tpu.memref_slice %arg9[%dma_start3A_153, %dma_start3A_154, %dma_start3A_155] : memref<3x128x64xf32, #tpu.memory_space<vmem>> -> memref<1x64x64xf32, #tpu.memory_space<vmem>>
    %dma_start3A_157 = tpu.memref_squeeze %dma_start3A_156 : memref<1x64x64xf32, #tpu.memory_space<vmem>> -> memref<64x64xf32, #tpu.memory_space<vmem>>
    %dma_start3A_158 = arith.constant 64 : i32
    %dma_start3A_159 = tpu.memref_slice %arg7[%dma_start3A_151, %dma_start3A_152, %dma_start3A_158] : memref<2x40x128xi32, #tpu.memory_space<vmem>> -> memref<1x1x64xi32, #tpu.memory_space<vmem>>
    %dma_start3A_160 = tpu.memref_squeeze %dma_start3A_159 : memref<1x1x64xi32, #tpu.memory_space<vmem>> -> memref<64xi32, #tpu.memory_space<vmem>>
    %dma_start3A_161 = arith.constant 0 : i32
    %dma_start3A_162 = arith.constant 0 : i32
    %dma_start3A_163 = tpu.memref_slice %arg10[%dma_start3A_161, %dma_start3A_162] : memref<10000x64xf32, #tpu.memory_space<vmem_shared>> -> memref<10000x64xf32, #tpu.memory_space<vmem_shared>>
    tpu.enqueue_indirect_dma source(%dma_start3A_163 : memref<10000x64xf32, #tpu.memory_space<vmem_shared>>) target(%dma_start3A_157 : memref<64x64xf32, #tpu.memory_space<vmem>>) offsets(%dma_start3A_160 : memref<64xi32, #tpu.memory_space<vmem>>) semaphore(%arg21 : memref<!tpu.dma_semaphore, #tpu.memory_space<semaphore_mem>>)
    %scan3A = arith.constant 0 : i32
    %scan3A_164 = arith.constant 0 : i32
    %scan3A_165 = arith.constant 13 : i32
    %scan3A_166 = arith.addi %scan3A_164, %scan3A_165 : i32
    %scan3A_167 = arith.constant 1 : i32
    scf.for %scan3A_794 = %scan3A_164 to %scan3A_166 step %scan3A_167  : i32 {
      %mul3A = arith.constant 3 : i32
      %mul3A_795 = arith.muli %scan3A_794, %mul3A : i32
      %add3A = arith.constant 0 : i32
      %add3A_796 = arith.addi %mul3A_795, %add3A : i32
      %dma_wait3A_797 = arith.constant 0 : i32
      %dma_wait3A_798 = arith.constant 0 : i32
      %dma_wait3A_799 = arith.constant 0 : i32
      %dma_wait3A_800 = arith.constant 0 : i32
      %dma_wait3A_801 = tpu.memref_slice %arg9[%dma_wait3A_798, %dma_wait3A_799, %dma_wait3A_800] : memref<3x128x64xf32, #tpu.memory_space<vmem>> -> memref<1x64x64xf32, #tpu.memory_space<vmem>>
      %dma_wait3A_802 = tpu.memref_squeeze %dma_wait3A_801 : memref<1x64x64xf32, #tpu.memory_space<vmem>> -> memref<64x64xf32, #tpu.memory_space<vmem>>
      %dma_wait3A_803 = arith.constant 0 : i32
      %dma_wait3A_804 = tpu.memref_slice %arg7[%dma_wait3A_797, %add3A_796, %dma_wait3A_803] : memref<2x40x128xi32, #tpu.memory_space<vmem>> -> memref<1x1x64xi32, #tpu.memory_space<vmem>>
      %dma_wait3A_805 = tpu.memref_squeeze %dma_wait3A_804 : memref<1x1x64xi32, #tpu.memory_space<vmem>> -> memref<64xi32, #tpu.memory_space<vmem>>
      %dma_wait3A_806 = arith.constant 0 : i32
      %dma_wait3A_807 = arith.constant 0 : i32
      %dma_wait3A_808 = tpu.memref_slice %arg10[%dma_wait3A_806, %dma_wait3A_807] : memref<10000x64xf32, #tpu.memory_space<vmem_shared>> -> memref<10000x64xf32, #tpu.memory_space<vmem_shared>>
      tpu.wait_indirect_dma semaphore(%arg12 : memref<!tpu.dma_semaphore, #tpu.memory_space<semaphore_mem>>) src(%dma_wait3A_808 : memref<10000x64xf32, #tpu.memory_space<vmem_shared>>) dst(%dma_wait3A_802 : memref<64x64xf32, #tpu.memory_space<vmem>>)
      %dma_wait3A_809 = arith.constant 0 : i32
      %dma_wait3A_810 = arith.constant 0 : i32
      %dma_wait3A_811 = arith.constant 64 : i32
      %dma_wait3A_812 = arith.constant 0 : i32
      %dma_wait3A_813 = tpu.memref_slice %arg9[%dma_wait3A_810, %dma_wait3A_811, %dma_wait3A_812] : memref<3x128x64xf32, #tpu.memory_space<vmem>> -> memref<1x64x64xf32, #tpu.memory_space<vmem>>
      %dma_wait3A_814 = tpu.memref_squeeze %dma_wait3A_813 : memref<1x64x64xf32, #tpu.memory_space<vmem>> -> memref<64x64xf32, #tpu.memory_space<vmem>>
      %dma_wait3A_815 = arith.constant 64 : i32
      %dma_wait3A_816 = tpu.memref_slice %arg7[%dma_wait3A_809, %add3A_796, %dma_wait3A_815] : memref<2x40x128xi32, #tpu.memory_space<vmem>> -> memref<1x1x64xi32, #tpu.memory_space<vmem>>
      %dma_wait3A_817 = tpu.memref_squeeze %dma_wait3A_816 : memref<1x1x64xi32, #tpu.memory_space<vmem>> -> memref<64xi32, #tpu.memory_space<vmem>>
      %dma_wait3A_818 = arith.constant 0 : i32
      %dma_wait3A_819 = arith.constant 0 : i32
      %dma_wait3A_820 = tpu.memref_slice %arg10[%dma_wait3A_818, %dma_wait3A_819] : memref<10000x64xf32, #tpu.memory_space<vmem_shared>> -> memref<10000x64xf32, #tpu.memory_space<vmem_shared>>
      tpu.wait_indirect_dma semaphore(%arg20 : memref<!tpu.dma_semaphore, #tpu.memory_space<semaphore_mem>>) src(%dma_wait3A_820 : memref<10000x64xf32, #tpu.memory_space<vmem_shared>>) dst(%dma_wait3A_814 : memref<64x64xf32, #tpu.memory_space<vmem>>)
      %dma_start3A_821 = arith.constant 0 : i32
      %dma_start3A_822 = arith.constant 0 : i32
      %dma_start3A_823 = arith.constant 0 : i32
      %dma_start3A_824 = arith.constant 0 : i32
      %dma_start3A_825 = tpu.memref_slice %arg9[%dma_start3A_821, %dma_start3A_823, %dma_start3A_824] : memref<3x128x64xf32, #tpu.memory_space<vmem>> -> memref<1x128x64xf32, #tpu.memory_space<vmem>>
      %dma_start3A_826 = tpu.memref_squeeze %dma_start3A_825 : memref<1x128x64xf32, #tpu.memory_space<vmem>> -> memref<128x64xf32, #tpu.memory_space<vmem>>
      %dma_start3A_827 = arith.constant 0 : i32
      %dma_start3A_828 = tpu.memref_slice %arg8[%dma_start3A_822, %add3A_796, %dma_start3A_827] : memref<2x40x128xi32, #tpu.memory_space<vmem>> -> memref<1x1x128xi32, #tpu.memory_space<vmem>>
      %dma_start3A_829 = tpu.memref_squeeze %dma_start3A_828 : memref<1x1x128xi32, #tpu.memory_space<vmem>> -> memref<128xi32, #tpu.memory_space<vmem>>
      %dma_start3A_830 = arith.constant 0 : i32
      %dma_start3A_831 = arith.constant 0 : i32
      %dma_start3A_832 = tpu.memref_slice %arg11[%dma_start3A_830, %dma_start3A_831] : memref<10256x64xf32, #tpu.memory_space<vmem_shared>> -> memref<10256x64xf32, #tpu.memory_space<vmem_shared>>
      tpu.enqueue_indirect_dma source(%dma_start3A_826 : memref<128x64xf32, #tpu.memory_space<vmem>>) target(%dma_start3A_832 : memref<10256x64xf32, #tpu.memory_space<vmem_shared>>) offsets(%dma_start3A_829 : memref<128xi32, #tpu.memory_space<vmem>>) semaphore(%arg15 : memref<!tpu.dma_semaphore, #tpu.memory_space<semaphore_mem>>) {add = true}
      %gt3A = arith.constant 0 : i32
      %gt3A_833 = arith.cmpi sgt, %scan3A_794, %gt3A : i32
      %convert_element_type3A_834 = arith.extui %gt3A_833 : i1 to i32
      %cond3A_835 = arith.constant 0 : i32
      %cond3A_836 = arith.cmpi ne, %convert_element_type3A_834, %cond3A_835 : i32
      scf.if %cond3A_836 {
        %sub3A_1005 = arith.constant 1 : i32
        %sub3A_1006 = arith.subi %add3A_796, %sub3A_1005 : i32
        %dma_wait3A_1007 = arith.constant 2 : i32
        %dma_wait3A_1008 = arith.constant 0 : i32
        %dma_wait3A_1009 = arith.constant 0 : i32
        %dma_wait3A_1010 = arith.constant 0 : i32
        %dma_wait3A_1011 = tpu.memref_slice %arg9[%dma_wait3A_1007, %dma_wait3A_1009, %dma_wait3A_1010] : memref<3x128x64xf32, #tpu.memory_space<vmem>> -> memref<1x128x64xf32, #tpu.memory_space<vmem>>
        %dma_wait3A_1012 = tpu.memref_squeeze %dma_wait3A_1011 : memref<1x128x64xf32, #tpu.memory_space<vmem>> -> memref<128x64xf32, #tpu.memory_space<vmem>>
        %dma_wait3A_1013 = arith.constant 0 : i32
        %dma_wait3A_1014 = tpu.memref_slice %arg8[%dma_wait3A_1008, %sub3A_1006, %dma_wait3A_1013] : memref<2x40x128xi32, #tpu.memory_space<vmem>> -> memref<1x1x128xi32, #tpu.memory_space<vmem>>
        %dma_wait3A_1015 = tpu.memref_squeeze %dma_wait3A_1014 : memref<1x1x128xi32, #tpu.memory_space<vmem>> -> memref<128xi32, #tpu.memory_space<vmem>>
        %dma_wait3A_1016 = arith.constant 0 : i32
        %dma_wait3A_1017 = arith.constant 0 : i32
        %dma_wait3A_1018 = tpu.memref_slice %arg11[%dma_wait3A_1016, %dma_wait3A_1017] : memref<10256x64xf32, #tpu.memory_space<vmem_shared>> -> memref<10256x64xf32, #tpu.memory_space<vmem_shared>>
        tpu.wait_indirect_dma semaphore(%arg17 : memref<!tpu.dma_semaphore, #tpu.memory_space<semaphore_mem>>) src(%dma_wait3A_1012 : memref<128x64xf32, #tpu.memory_space<vmem>>) dst(%dma_wait3A_1018 : memref<10256x64xf32, #tpu.memory_space<vmem_shared>>)
      } else {
      }
      %add3A_837 = arith.constant 2 : i32
      %add3A_838 = arith.addi %add3A_796, %add3A_837 : i32
      %dma_start3A_839 = arith.constant 0 : i32
      %dma_start3A_840 = arith.constant 2 : i32
      %dma_start3A_841 = arith.constant 0 : i32
      %dma_start3A_842 = arith.constant 0 : i32
      %dma_start3A_843 = tpu.memref_slice %arg9[%dma_start3A_840, %dma_start3A_841, %dma_start3A_842] : memref<3x128x64xf32, #tpu.memory_space<vmem>> -> memref<1x64x64xf32, #tpu.memory_space<vmem>>
      %dma_start3A_844 = tpu.memref_squeeze %dma_start3A_843 : memref<1x64x64xf32, #tpu.memory_space<vmem>> -> memref<64x64xf32, #tpu.memory_space<vmem>>
      %dma_start3A_845 = arith.constant 0 : i32
      %dma_start3A_846 = tpu.memref_slice %arg7[%dma_start3A_839, %add3A_838, %dma_start3A_845] : memref<2x40x128xi32, #tpu.memory_space<vmem>> -> memref<1x1x64xi32, #tpu.memory_space<vmem>>
      %dma_start3A_847 = tpu.memref_squeeze %dma_start3A_846 : memref<1x1x64xi32, #tpu.memory_space<vmem>> -> memref<64xi32, #tpu.memory_space<vmem>>
      %dma_start3A_848 = arith.constant 0 : i32
      %dma_start3A_849 = arith.constant 0 : i32
      %dma_start3A_850 = tpu.memref_slice %arg10[%dma_start3A_848, %dma_start3A_849] : memref<10000x64xf32, #tpu.memory_space<vmem_shared>> -> memref<10000x64xf32, #tpu.memory_space<vmem_shared>>
      tpu.enqueue_indirect_dma source(%dma_start3A_850 : memref<10000x64xf32, #tpu.memory_space<vmem_shared>>) target(%dma_start3A_844 : memref<64x64xf32, #tpu.memory_space<vmem>>) offsets(%dma_start3A_847 : memref<64xi32, #tpu.memory_space<vmem>>) semaphore(%arg14 : memref<!tpu.dma_semaphore, #tpu.memory_space<semaphore_mem>>)
      %add3A_851 = arith.constant 2 : i32
      %add3A_852 = arith.addi %add3A_796, %add3A_851 : i32
      %dma_start3A_853 = arith.constant 0 : i32
      %dma_start3A_854 = arith.constant 2 : i32
      %dma_start3A_855 = arith.constant 64 : i32
      %dma_start3A_856 = arith.constant 0 : i32
      %dma_start3A_857 = tpu.memref_slice %arg9[%dma_start3A_854, %dma_start3A_855, %dma_start3A_856] : memref<3x128x64xf32, #tpu.memory_space<vmem>> -> memref<1x64x64xf32, #tpu.memory_space<vmem>>
      %dma_start3A_858 = tpu.memref_squeeze %dma_start3A_857 : memref<1x64x64xf32, #tpu.memory_space<vmem>> -> memref<64x64xf32, #tpu.memory_space<vmem>>
      %dma_start3A_859 = arith.constant 64 : i32
      %dma_start3A_860 = tpu.memref_slice %arg7[%dma_start3A_853, %add3A_852, %dma_start3A_859] : memref<2x40x128xi32, #tpu.memory_space<vmem>> -> memref<1x1x64xi32, #tpu.memory_space<vmem>>
      %dma_start3A_861 = tpu.memref_squeeze %dma_start3A_860 : memref<1x1x64xi32, #tpu.memory_space<vmem>> -> memref<64xi32, #tpu.memory_space<vmem>>
      %dma_start3A_862 = arith.constant 0 : i32
      %dma_start3A_863 = arith.constant 0 : i32
      %dma_start3A_864 = tpu.memref_slice %arg10[%dma_start3A_862, %dma_start3A_863] : memref<10000x64xf32, #tpu.memory_space<vmem_shared>> -> memref<10000x64xf32, #tpu.memory_space<vmem_shared>>
      tpu.enqueue_indirect_dma source(%dma_start3A_864 : memref<10000x64xf32, #tpu.memory_space<vmem_shared>>) target(%dma_start3A_858 : memref<64x64xf32, #tpu.memory_space<vmem>>) offsets(%dma_start3A_861 : memref<64xi32, #tpu.memory_space<vmem>>) semaphore(%arg22 : memref<!tpu.dma_semaphore, #tpu.memory_space<semaphore_mem>>)
      %mul3A_865 = arith.constant 3 : i32
      %mul3A_866 = arith.muli %scan3A_794, %mul3A_865 : i32
      %add3A_867 = arith.constant 1 : i32
      %add3A_868 = arith.addi %mul3A_866, %add3A_867 : i32
      %dma_wait3A_869 = arith.constant 0 : i32
      %dma_wait3A_870 = arith.constant 1 : i32
      %dma_wait3A_871 = arith.constant 0 : i32
      %dma_wait3A_872 = arith.constant 0 : i32
      %dma_wait3A_873 = tpu.memref_slice %arg9[%dma_wait3A_870, %dma_wait3A_871, %dma_wait3A_872] : memref<3x128x64xf32, #tpu.memory_space<vmem>> -> memref<1x64x64xf32, #tpu.memory_space<vmem>>
      %dma_wait3A_874 = tpu.memref_squeeze %dma_wait3A_873 : memref<1x64x64xf32, #tpu.memory_space<vmem>> -> memref<64x64xf32, #tpu.memory_space<vmem>>
      %dma_wait3A_875 = arith.constant 0 : i32
      %dma_wait3A_876 = tpu.memref_slice %arg7[%dma_wait3A_869, %add3A_868, %dma_wait3A_875] : memref<2x40x128xi32, #tpu.memory_space<vmem>> -> memref<1x1x64xi32, #tpu.memory_space<vmem>>
      %dma_wait3A_877 = tpu.memref_squeeze %dma_wait3A_876 : memref<1x1x64xi32, #tpu.memory_space<vmem>> -> memref<64xi32, #tpu.memory_space<vmem>>
      %dma_wait3A_878 = arith.constant 0 : i32
      %dma_wait3A_879 = arith.constant 0 : i32
      %dma_wait3A_880 = tpu.memref_slice %arg10[%dma_wait3A_878, %dma_wait3A_879] : memref<10000x64xf32, #tpu.memory_space<vmem_shared>> -> memref<10000x64xf32, #tpu.memory_space<vmem_shared>>
      tpu.wait_indirect_dma semaphore(%arg13 : memref<!tpu.dma_semaphore, #tpu.memory_space<semaphore_mem>>) src(%dma_wait3A_880 : memref<10000x64xf32, #tpu.memory_space<vmem_shared>>) dst(%dma_wait3A_874 : memref<64x64xf32, #tpu.memory_space<vmem>>)
      %dma_wait3A_881 = arith.constant 0 : i32
      %dma_wait3A_882 = arith.constant 1 : i32
      %dma_wait3A_883 = arith.constant 64 : i32
      %dma_wait3A_884 = arith.constant 0 : i32
      %dma_wait3A_885 = tpu.memref_slice %arg9[%dma_wait3A_882, %dma_wait3A_883, %dma_wait3A_884] : memref<3x128x64xf32, #tpu.memory_space<vmem>> -> memref<1x64x64xf32, #tpu.memory_space<vmem>>
      %dma_wait3A_886 = tpu.memref_squeeze %dma_wait3A_885 : memref<1x64x64xf32, #tpu.memory_space<vmem>> -> memref<64x64xf32, #tpu.memory_space<vmem>>
      %dma_wait3A_887 = arith.constant 64 : i32
      %dma_wait3A_888 = tpu.memref_slice %arg7[%dma_wait3A_881, %add3A_868, %dma_wait3A_887] : memref<2x40x128xi32, #tpu.memory_space<vmem>> -> memref<1x1x64xi32, #tpu.memory_space<vmem>>
      %dma_wait3A_889 = tpu.memref_squeeze %dma_wait3A_888 : memref<1x1x64xi32, #tpu.memory_space<vmem>> -> memref<64xi32, #tpu.memory_space<vmem>>
      %dma_wait3A_890 = arith.constant 0 : i32
      %dma_wait3A_891 = arith.constant 0 : i32
      %dma_wait3A_892 = tpu.memref_slice %arg10[%dma_wait3A_890, %dma_wait3A_891] : memref<10000x64xf32, #tpu.memory_space<vmem_shared>> -> memref<10000x64xf32, #tpu.memory_space<vmem_shared>>
      tpu.wait_indirect_dma semaphore(%arg21 : memref<!tpu.dma_semaphore, #tpu.memory_space<semaphore_mem>>) src(%dma_wait3A_892 : memref<10000x64xf32, #tpu.memory_space<vmem_shared>>) dst(%dma_wait3A_886 : memref<64x64xf32, #tpu.memory_space<vmem>>)
      %dma_start3A_893 = arith.constant 1 : i32
      %dma_start3A_894 = arith.constant 0 : i32
      %dma_start3A_895 = arith.constant 0 : i32
      %dma_start3A_896 = arith.constant 0 : i32
      %dma_start3A_897 = tpu.memref_slice %arg9[%dma_start3A_893, %dma_start3A_895, %dma_start3A_896] : memref<3x128x64xf32, #tpu.memory_space<vmem>> -> memref<1x128x64xf32, #tpu.memory_space<vmem>>
      %dma_start3A_898 = tpu.memref_squeeze %dma_start3A_897 : memref<1x128x64xf32, #tpu.memory_space<vmem>> -> memref<128x64xf32, #tpu.memory_space<vmem>>
      %dma_start3A_899 = arith.constant 0 : i32
      %dma_start3A_900 = tpu.memref_slice %arg8[%dma_start3A_894, %add3A_868, %dma_start3A_899] : memref<2x40x128xi32, #tpu.memory_space<vmem>> -> memref<1x1x128xi32, #tpu.memory_space<vmem>>
      %dma_start3A_901 = tpu.memref_squeeze %dma_start3A_900 : memref<1x1x128xi32, #tpu.memory_space<vmem>> -> memref<128xi32, #tpu.memory_space<vmem>>
      %dma_start3A_902 = arith.constant 0 : i32
      %dma_start3A_903 = arith.constant 0 : i32
      %dma_start3A_904 = tpu.memref_slice %arg11[%dma_start3A_902, %dma_start3A_903] : memref<10256x64xf32, #tpu.memory_space<vmem_shared>> -> memref<10256x64xf32, #tpu.memory_space<vmem_shared>>
      tpu.enqueue_indirect_dma source(%dma_start3A_898 : memref<128x64xf32, #tpu.memory_space<vmem>>) target(%dma_start3A_904 : memref<10256x64xf32, #tpu.memory_space<vmem_shared>>) offsets(%dma_start3A_901 : memref<128xi32, #tpu.memory_space<vmem>>) semaphore(%arg16 : memref<!tpu.dma_semaphore, #tpu.memory_space<semaphore_mem>>) {add = true}
      %sub3A = arith.constant 1 : i32
      %sub3A_905 = arith.subi %add3A_868, %sub3A : i32
      %dma_wait3A_906 = arith.constant 0 : i32
      %dma_wait3A_907 = arith.constant 0 : i32
      %dma_wait3A_908 = arith.constant 0 : i32
      %dma_wait3A_909 = arith.constant 0 : i32
      %dma_wait3A_910 = tpu.memref_slice %arg9[%dma_wait3A_906, %dma_wait3A_908, %dma_wait3A_909] : memref<3x128x64xf32, #tpu.memory_space<vmem>> -> memref<1x128x64xf32, #tpu.memory_space<vmem>>
      %dma_wait3A_911 = tpu.memref_squeeze %dma_wait3A_910 : memref<1x128x64xf32, #tpu.memory_space<vmem>> -> memref<128x64xf32, #tpu.memory_space<vmem>>
      %dma_wait3A_912 = arith.constant 0 : i32
      %dma_wait3A_913 = tpu.memref_slice %arg8[%dma_wait3A_907, %sub3A_905, %dma_wait3A_912] : memref<2x40x128xi32, #tpu.memory_space<vmem>> -> memref<1x1x128xi32, #tpu.memory_space<vmem>>
      %dma_wait3A_914 = tpu.memref_squeeze %dma_wait3A_913 : memref<1x1x128xi32, #tpu.memory_space<vmem>> -> memref<128xi32, #tpu.memory_space<vmem>>
      %dma_wait3A_915 = arith.constant 0 : i32
      %dma_wait3A_916 = arith.constant 0 : i32
      %dma_wait3A_917 = tpu.memref_slice %arg11[%dma_wait3A_915, %dma_wait3A_916] : memref<10256x64xf32, #tpu.memory_space<vmem_shared>> -> memref<10256x64xf32, #tpu.memory_space<vmem_shared>>
      tpu.wait_indirect_dma semaphore(%arg15 : memref<!tpu.dma_semaphore, #tpu.memory_space<semaphore_mem>>) src(%dma_wait3A_911 : memref<128x64xf32, #tpu.memory_space<vmem>>) dst(%dma_wait3A_917 : memref<10256x64xf32, #tpu.memory_space<vmem_shared>>)
      %add3A_918 = arith.constant 2 : i32
      %add3A_919 = arith.addi %add3A_868, %add3A_918 : i32
      %dma_start3A_920 = arith.constant 0 : i32
      %dma_start3A_921 = arith.constant 0 : i32
      %dma_start3A_922 = arith.constant 0 : i32
      %dma_start3A_923 = arith.constant 0 : i32
      %dma_start3A_924 = tpu.memref_slice %arg9[%dma_start3A_921, %dma_start3A_922, %dma_start3A_923] : memref<3x128x64xf32, #tpu.memory_space<vmem>> -> memref<1x64x64xf32, #tpu.memory_space<vmem>>
      %dma_start3A_925 = tpu.memref_squeeze %dma_start3A_924 : memref<1x64x64xf32, #tpu.memory_space<vmem>> -> memref<64x64xf32, #tpu.memory_space<vmem>>
      %dma_start3A_926 = arith.constant 0 : i32
      %dma_start3A_927 = tpu.memref_slice %arg7[%dma_start3A_920, %add3A_919, %dma_start3A_926] : memref<2x40x128xi32, #tpu.memory_space<vmem>> -> memref<1x1x64xi32, #tpu.memory_space<vmem>>
      %dma_start3A_928 = tpu.memref_squeeze %dma_start3A_927 : memref<1x1x64xi32, #tpu.memory_space<vmem>> -> memref<64xi32, #tpu.memory_space<vmem>>
      %dma_start3A_929 = arith.constant 0 : i32
      %dma_start3A_930 = arith.constant 0 : i32
      %dma_start3A_931 = tpu.memref_slice %arg10[%dma_start3A_929, %dma_start3A_930] : memref<10000x64xf32, #tpu.memory_space<vmem_shared>> -> memref<10000x64xf32, #tpu.memory_space<vmem_shared>>
      tpu.enqueue_indirect_dma source(%dma_start3A_931 : memref<10000x64xf32, #tpu.memory_space<vmem_shared>>) target(%dma_start3A_925 : memref<64x64xf32, #tpu.memory_space<vmem>>) offsets(%dma_start3A_928 : memref<64xi32, #tpu.memory_space<vmem>>) semaphore(%arg12 : memref<!tpu.dma_semaphore, #tpu.memory_space<semaphore_mem>>)
      %add3A_932 = arith.constant 2 : i32
      %add3A_933 = arith.addi %add3A_868, %add3A_932 : i32
      %dma_start3A_934 = arith.constant 0 : i32
      %dma_start3A_935 = arith.constant 0 : i32
      %dma_start3A_936 = arith.constant 64 : i32
      %dma_start3A_937 = arith.constant 0 : i32
      %dma_start3A_938 = tpu.memref_slice %arg9[%dma_start3A_935, %dma_start3A_936, %dma_start3A_937] : memref<3x128x64xf32, #tpu.memory_space<vmem>> -> memref<1x64x64xf32, #tpu.memory_space<vmem>>
      %dma_start3A_939 = tpu.memref_squeeze %dma_start3A_938 : memref<1x64x64xf32, #tpu.memory_space<vmem>> -> memref<64x64xf32, #tpu.memory_space<vmem>>
      %dma_start3A_940 = arith.constant 64 : i32
      %dma_start3A_941 = tpu.memref_slice %arg7[%dma_start3A_934, %add3A_933, %dma_start3A_940] : memref<2x40x128xi32, #tpu.memory_space<vmem>> -> memref<1x1x64xi32, #tpu.memory_space<vmem>>
      %dma_start3A_942 = tpu.memref_squeeze %dma_start3A_941 : memref<1x1x64xi32, #tpu.memory_space<vmem>> -> memref<64xi32, #tpu.memory_space<vmem>>
      %dma_start3A_943 = arith.constant 0 : i32
      %dma_start3A_944 = arith.constant 0 : i32
      %dma_start3A_945 = tpu.memref_slice %arg10[%dma_start3A_943, %dma_start3A_944] : memref<10000x64xf32, #tpu.memory_space<vmem_shared>> -> memref<10000x64xf32, #tpu.memory_space<vmem_shared>>
      tpu.enqueue_indirect_dma source(%dma_start3A_945 : memref<10000x64xf32, #tpu.memory_space<vmem_shared>>) target(%dma_start3A_939 : memref<64x64xf32, #tpu.memory_space<vmem>>) offsets(%dma_start3A_942 : memref<64xi32, #tpu.memory_space<vmem>>) semaphore(%arg20 : memref<!tpu.dma_semaphore, #tpu.memory_space<semaphore_mem>>)
      %mul3A_946 = arith.constant 3 : i32
      %mul3A_947 = arith.muli %scan3A_794, %mul3A_946 : i32
      %add3A_948 = arith.constant 2 : i32
      %add3A_949 = arith.addi %mul3A_947, %add3A_948 : i32
      %dma_wait3A_950 = arith.constant 0 : i32
      %dma_wait3A_951 = arith.constant 2 : i32
      %dma_wait3A_952 = arith.constant 0 : i32
      %dma_wait3A_953 = arith.constant 0 : i32
      %dma_wait3A_954 = tpu.memref_slice %arg9[%dma_wait3A_951, %dma_wait3A_952, %dma_wait3A_953] : memref<3x128x64xf32, #tpu.memory_space<vmem>> -> memref<1x64x64xf32, #tpu.memory_space<vmem>>
      %dma_wait3A_955 = tpu.memref_squeeze %dma_wait3A_954 : memref<1x64x64xf32, #tpu.memory_space<vmem>> -> memref<64x64xf32, #tpu.memory_space<vmem>>
      %dma_wait3A_956 = arith.constant 0 : i32
      %dma_wait3A_957 = tpu.memref_slice %arg7[%dma_wait3A_950, %add3A_949, %dma_wait3A_956] : memref<2x40x128xi32, #tpu.memory_space<vmem>> -> memref<1x1x64xi32, #tpu.memory_space<vmem>>
      %dma_wait3A_958 = tpu.memref_squeeze %dma_wait3A_957 : memref<1x1x64xi32, #tpu.memory_space<vmem>> -> memref<64xi32, #tpu.memory_space<vmem>>
      %dma_wait3A_959 = arith.constant 0 : i32
      %dma_wait3A_960 = arith.constant 0 : i32
      %dma_wait3A_961 = tpu.memref_slice %arg10[%dma_wait3A_959, %dma_wait3A_960] : memref<10000x64xf32, #tpu.memory_space<vmem_shared>> -> memref<10000x64xf32, #tpu.memory_space<vmem_shared>>
      tpu.wait_indirect_dma semaphore(%arg14 : memref<!tpu.dma_semaphore, #tpu.memory_space<semaphore_mem>>) src(%dma_wait3A_961 : memref<10000x64xf32, #tpu.memory_space<vmem_shared>>) dst(%dma_wait3A_955 : memref<64x64xf32, #tpu.memory_space<vmem>>)
      %dma_wait3A_962 = arith.constant 0 : i32
      %dma_wait3A_963 = arith.constant 2 : i32
      %dma_wait3A_964 = arith.constant 64 : i32
      %dma_wait3A_965 = arith.constant 0 : i32
      %dma_wait3A_966 = tpu.memref_slice %arg9[%dma_wait3A_963, %dma_wait3A_964, %dma_wait3A_965] : memref<3x128x64xf32, #tpu.memory_space<vmem>> -> memref<1x64x64xf32, #tpu.memory_space<vmem>>
      %dma_wait3A_967 = tpu.memref_squeeze %dma_wait3A_966 : memref<1x64x64xf32, #tpu.memory_space<vmem>> -> memref<64x64xf32, #tpu.memory_space<vmem>>
      %dma_wait3A_968 = arith.constant 64 : i32
      %dma_wait3A_969 = tpu.memref_slice %arg7[%dma_wait3A_962, %add3A_949, %dma_wait3A_968] : memref<2x40x128xi32, #tpu.memory_space<vmem>> -> memref<1x1x64xi32, #tpu.memory_space<vmem>>
      %dma_wait3A_970 = tpu.memref_squeeze %dma_wait3A_969 : memref<1x1x64xi32, #tpu.memory_space<vmem>> -> memref<64xi32, #tpu.memory_space<vmem>>
      %dma_wait3A_971 = arith.constant 0 : i32
      %dma_wait3A_972 = arith.constant 0 : i32
      %dma_wait3A_973 = tpu.memref_slice %arg10[%dma_wait3A_971, %dma_wait3A_972] : memref<10000x64xf32, #tpu.memory_space<vmem_shared>> -> memref<10000x64xf32, #tpu.memory_space<vmem_shared>>
      tpu.wait_indirect_dma semaphore(%arg22 : memref<!tpu.dma_semaphore, #tpu.memory_space<semaphore_mem>>) src(%dma_wait3A_973 : memref<10000x64xf32, #tpu.memory_space<vmem_shared>>) dst(%dma_wait3A_967 : memref<64x64xf32, #tpu.memory_space<vmem>>)
      %dma_start3A_974 = arith.constant 2 : i32
      %dma_start3A_975 = arith.constant 0 : i32
      %dma_start3A_976 = arith.constant 0 : i32
      %dma_start3A_977 = arith.constant 0 : i32
      %dma_start3A_978 = tpu.memref_slice %arg9[%dma_start3A_974, %dma_start3A_976, %dma_start3A_977] : memref<3x128x64xf32, #tpu.memory_space<vmem>> -> memref<1x128x64xf32, #tpu.memory_space<vmem>>
      %dma_start3A_979 = tpu.memref_squeeze %dma_start3A_978 : memref<1x128x64xf32, #tpu.memory_space<vmem>> -> memref<128x64xf32, #tpu.memory_space<vmem>>
      %dma_start3A_980 = arith.constant 0 : i32
      %dma_start3A_981 = tpu.memref_slice %arg8[%dma_start3A_975, %add3A_949, %dma_start3A_980] : memref<2x40x128xi32, #tpu.memory_space<vmem>> -> memref<1x1x128xi32, #tpu.memory_space<vmem>>
      %dma_start3A_982 = tpu.memref_squeeze %dma_start3A_981 : memref<1x1x128xi32, #tpu.memory_space<vmem>> -> memref<128xi32, #tpu.memory_space<vmem>>
      %dma_start3A_983 = arith.constant 0 : i32
      %dma_start3A_984 = arith.constant 0 : i32
      %dma_start3A_985 = tpu.memref_slice %arg11[%dma_start3A_983, %dma_start3A_984] : memref<10256x64xf32, #tpu.memory_space<vmem_shared>> -> memref<10256x64xf32, #tpu.memory_space<vmem_shared>>
      tpu.enqueue_indirect_dma source(%dma_start3A_979 : memref<128x64xf32, #tpu.memory_space<vmem>>) target(%dma_start3A_985 : memref<10256x64xf32, #tpu.memory_space<vmem_shared>>) offsets(%dma_start3A_982 : memref<128xi32, #tpu.memory_space<vmem>>) semaphore(%arg17 : memref<!tpu.dma_semaphore, #tpu.memory_space<semaphore_mem>>) {add = true}
      %sub3A_986 = arith.constant 1 : i32
      %sub3A_987 = arith.subi %add3A_949, %sub3A_986 : i32
      %dma_wait3A_988 = arith.constant 1 : i32
      %dma_wait3A_989 = arith.constant 0 : i32
      %dma_wait3A_990 = arith.constant 0 : i32
      %dma_wait3A_991 = arith.constant 0 : i32
      %dma_wait3A_992 = tpu.memref_slice %arg9[%dma_wait3A_988, %dma_wait3A_990, %dma_wait3A_991] : memref<3x128x64xf32, #tpu.memory_space<vmem>> -> memref<1x128x64xf32, #tpu.memory_space<vmem>>
      %dma_wait3A_993 = tpu.memref_squeeze %dma_wait3A_992 : memref<1x128x64xf32, #tpu.memory_space<vmem>> -> memref<128x64xf32, #tpu.memory_space<vmem>>
      %dma_wait3A_994 = arith.constant 0 : i32
      %dma_wait3A_995 = tpu.memref_slice %arg8[%dma_wait3A_989, %sub3A_987, %dma_wait3A_994] : memref<2x40x128xi32, #tpu.memory_space<vmem>> -> memref<1x1x128xi32, #tpu.memory_space<vmem>>
      %dma_wait3A_996 = tpu.memref_squeeze %dma_wait3A_995 : memref<1x1x128xi32, #tpu.memory_space<vmem>> -> memref<128xi32, #tpu.memory_space<vmem>>
      %dma_wait3A_997 = arith.constant 0 : i32
      %dma_wait3A_998 = arith.constant 0 : i32
      %dma_wait3A_999 = tpu.memref_slice %arg11[%dma_wait3A_997, %dma_wait3A_998] : memref<10256x64xf32, #tpu.memory_space<vmem_shared>> -> memref<10256x64xf32, #tpu.memory_space<vmem_shared>>
      tpu.wait_indirect_dma semaphore(%arg16 : memref<!tpu.dma_semaphore, #tpu.memory_space<semaphore_mem>>) src(%dma_wait3A_993 : memref<128x64xf32, #tpu.memory_space<vmem>>) dst(%dma_wait3A_999 : memref<10256x64xf32, #tpu.memory_space<vmem_shared>>)
      %lt3A_1000 = arith.constant 12 : i32
      %lt3A_1001 = arith.cmpi slt, %scan3A_794, %lt3A_1000 : i32
      %convert_element_type3A_1002 = arith.extui %lt3A_1001 : i1 to i32
      %cond3A_1003 = arith.constant 0 : i32
      %cond3A_1004 = arith.cmpi ne, %convert_element_type3A_1002, %cond3A_1003 : i32
      scf.if %cond3A_1004 {
        %add3A_1005 = arith.constant 2 : i32
        %add3A_1006 = arith.addi %add3A_949, %add3A_1005 : i32
        %dma_start3A_1007 = arith.constant 0 : i32
        %dma_start3A_1008 = arith.constant 1 : i32
        %dma_start3A_1009 = arith.constant 0 : i32
        %dma_start3A_1010 = arith.constant 0 : i32
        %dma_start3A_1011 = tpu.memref_slice %arg9[%dma_start3A_1008, %dma_start3A_1009, %dma_start3A_1010] : memref<3x128x64xf32, #tpu.memory_space<vmem>> -> memref<1x64x64xf32, #tpu.memory_space<vmem>>
        %dma_start3A_1012 = tpu.memref_squeeze %dma_start3A_1011 : memref<1x64x64xf32, #tpu.memory_space<vmem>> -> memref<64x64xf32, #tpu.memory_space<vmem>>
        %dma_start3A_1013 = arith.constant 0 : i32
        %dma_start3A_1014 = tpu.memref_slice %arg7[%dma_start3A_1007, %add3A_1006, %dma_start3A_1013] : memref<2x40x128xi32, #tpu.memory_space<vmem>> -> memref<1x1x64xi32, #tpu.memory_space<vmem>>
        %dma_start3A_1015 = tpu.memref_squeeze %dma_start3A_1014 : memref<1x1x64xi32, #tpu.memory_space<vmem>> -> memref<64xi32, #tpu.memory_space<vmem>>
        %dma_start3A_1016 = arith.constant 0 : i32
        %dma_start3A_1017 = arith.constant 0 : i32
        %dma_start3A_1018 = tpu.memref_slice %arg10[%dma_start3A_1016, %dma_start3A_1017] : memref<10000x64xf32, #tpu.memory_space<vmem_shared>> -> memref<10000x64xf32, #tpu.memory_space<vmem_shared>>
        tpu.enqueue_indirect_dma source(%dma_start3A_1018 : memref<10000x64xf32, #tpu.memory_space<vmem_shared>>) target(%dma_start3A_1012 : memref<64x64xf32, #tpu.memory_space<vmem>>) offsets(%dma_start3A_1015 : memref<64xi32, #tpu.memory_space<vmem>>) semaphore(%arg13 : memref<!tpu.dma_semaphore, #tpu.memory_space<semaphore_mem>>)
        %add3A_1019 = arith.constant 2 : i32
        %add3A_1020 = arith.addi %add3A_949, %add3A_1019 : i32
        %dma_start3A_1021 = arith.constant 0 : i32
        %dma_start3A_1022 = arith.constant 1 : i32
        %dma_start3A_1023 = arith.constant 64 : i32
        %dma_start3A_1024 = arith.constant 0 : i32
        %dma_start3A_1025 = tpu.memref_slice %arg9[%dma_start3A_1022, %dma_start3A_1023, %dma_start3A_1024] : memref<3x128x64xf32, #tpu.memory_space<vmem>> -> memref<1x64x64xf32, #tpu.memory_space<vmem>>
        %dma_start3A_1026 = tpu.memref_squeeze %dma_start3A_1025 : memref<1x64x64xf32, #tpu.memory_space<vmem>> -> memref<64x64xf32, #tpu.memory_space<vmem>>
        %dma_start3A_1027 = arith.constant 64 : i32
        %dma_start3A_1028 = tpu.memref_slice %arg7[%dma_start3A_1021, %add3A_1020, %dma_start3A_1027] : memref<2x40x128xi32, #tpu.memory_space<vmem>> -> memref<1x1x64xi32, #tpu.memory_space<vmem>>
        %dma_start3A_1029 = tpu.memref_squeeze %dma_start3A_1028 : memref<1x1x64xi32, #tpu.memory_space<vmem>> -> memref<64xi32, #tpu.memory_space<vmem>>
        %dma_start3A_1030 = arith.constant 0 : i32
        %dma_start3A_1031 = arith.constant 0 : i32
        %dma_start3A_1032 = tpu.memref_slice %arg10[%dma_start3A_1030, %dma_start3A_1031] : memref<10000x64xf32, #tpu.memory_space<vmem_shared>> -> memref<10000x64xf32, #tpu.memory_space<vmem_shared>>
        tpu.enqueue_indirect_dma source(%dma_start3A_1032 : memref<10000x64xf32, #tpu.memory_space<vmem_shared>>) target(%dma_start3A_1026 : memref<64x64xf32, #tpu.memory_space<vmem>>) offsets(%dma_start3A_1029 : memref<64xi32, #tpu.memory_space<vmem>>) semaphore(%arg21 : memref<!tpu.dma_semaphore, #tpu.memory_space<semaphore_mem>>)
      } else {
      }
    }
    %scan3A_168 = arith.constant 13 : i32
    %dma_wait3A_169 = arith.constant 0 : i32
    %dma_wait3A_170 = arith.constant 39 : i32
    %dma_wait3A_171 = arith.constant 0 : i32
    %dma_wait3A_172 = arith.constant 0 : i32
    %dma_wait3A_173 = arith.constant 0 : i32
    %dma_wait3A_174 = tpu.memref_slice %arg9[%dma_wait3A_171, %dma_wait3A_172, %dma_wait3A_173] : memref<3x128x64xf32, #tpu.memory_space<vmem>> -> memref<1x64x64xf32, #tpu.memory_space<vmem>>
    %dma_wait3A_175 = tpu.memref_squeeze %dma_wait3A_174 : memref<1x64x64xf32, #tpu.memory_space<vmem>> -> memref<64x64xf32, #tpu.memory_space<vmem>>
    %dma_wait3A_176 = arith.constant 0 : i32
    %dma_wait3A_177 = tpu.memref_slice %arg7[%dma_wait3A_169, %dma_wait3A_170, %dma_wait3A_176] : memref<2x40x128xi32, #tpu.memory_space<vmem>> -> memref<1x1x64xi32, #tpu.memory_space<vmem>>
    %dma_wait3A_178 = tpu.memref_squeeze %dma_wait3A_177 : memref<1x1x64xi32, #tpu.memory_space<vmem>> -> memref<64xi32, #tpu.memory_space<vmem>>
    %dma_wait3A_179 = arith.constant 0 : i32
    %dma_wait3A_180 = arith.constant 0 : i32
    %dma_wait3A_181 = tpu.memref_slice %arg10[%dma_wait3A_179, %dma_wait3A_180] : memref<10000x64xf32, #tpu.memory_space<vmem_shared>> -> memref<10000x64xf32, #tpu.memory_space<vmem_shared>>
    tpu.wait_indirect_dma semaphore(%arg12 : memref<!tpu.dma_semaphore, #tpu.memory_space<semaphore_mem>>) src(%dma_wait3A_181 : memref<10000x64xf32, #tpu.memory_space<vmem_shared>>) dst(%dma_wait3A_175 : memref<64x64xf32, #tpu.memory_space<vmem>>)
    %dma_wait3A_182 = arith.constant 0 : i32
    %dma_wait3A_183 = arith.constant 39 : i32
    %dma_wait3A_184 = arith.constant 0 : i32
    %dma_wait3A_185 = arith.constant 64 : i32
    %dma_wait3A_186 = arith.constant 0 : i32
    %dma_wait3A_187 = tpu.memref_slice %arg9[%dma_wait3A_184, %dma_wait3A_185, %dma_wait3A_186] : memref<3x128x64xf32, #tpu.memory_space<vmem>> -> memref<1x64x64xf32, #tpu.memory_space<vmem>>
    %dma_wait3A_188 = tpu.memref_squeeze %dma_wait3A_187 : memref<1x64x64xf32, #tpu.memory_space<vmem>> -> memref<64x64xf32, #tpu.memory_space<vmem>>
    %dma_wait3A_189 = arith.constant 64 : i32
    %dma_wait3A_190 = tpu.memref_slice %arg7[%dma_wait3A_182, %dma_wait3A_183, %dma_wait3A_189] : memref<2x40x128xi32, #tpu.memory_space<vmem>> -> memref<1x1x64xi32, #tpu.memory_space<vmem>>
    %dma_wait3A_191 = tpu.memref_squeeze %dma_wait3A_190 : memref<1x1x64xi32, #tpu.memory_space<vmem>> -> memref<64xi32, #tpu.memory_space<vmem>>
    %dma_wait3A_192 = arith.constant 0 : i32
    %dma_wait3A_193 = arith.constant 0 : i32
    %dma_wait3A_194 = tpu.memref_slice %arg10[%dma_wait3A_192, %dma_wait3A_193] : memref<10000x64xf32, #tpu.memory_space<vmem_shared>> -> memref<10000x64xf32, #tpu.memory_space<vmem_shared>>
    tpu.wait_indirect_dma semaphore(%arg20 : memref<!tpu.dma_semaphore, #tpu.memory_space<semaphore_mem>>) src(%dma_wait3A_194 : memref<10000x64xf32, #tpu.memory_space<vmem_shared>>) dst(%dma_wait3A_188 : memref<64x64xf32, #tpu.memory_space<vmem>>)
    %dma_start3A_195 = arith.constant 0 : i32
    %dma_start3A_196 = arith.constant 0 : i32
    %dma_start3A_197 = arith.constant 39 : i32
    %dma_start3A_198 = arith.constant 0 : i32
    %dma_start3A_199 = arith.constant 0 : i32
    %dma_start3A_200 = tpu.memref_slice %arg9[%dma_start3A_195, %dma_start3A_198, %dma_start3A_199] : memref<3x128x64xf32, #tpu.memory_space<vmem>> -> memref<1x128x64xf32, #tpu.memory_space<vmem>>
    %dma_start3A_201 = tpu.memref_squeeze %dma_start3A_200 : memref<1x128x64xf32, #tpu.memory_space<vmem>> -> memref<128x64xf32, #tpu.memory_space<vmem>>
    %dma_start3A_202 = arith.constant 0 : i32
    %dma_start3A_203 = tpu.memref_slice %arg8[%dma_start3A_196, %dma_start3A_197, %dma_start3A_202] : memref<2x40x128xi32, #tpu.memory_space<vmem>> -> memref<1x1x128xi32, #tpu.memory_space<vmem>>
    %dma_start3A_204 = tpu.memref_squeeze %dma_start3A_203 : memref<1x1x128xi32, #tpu.memory_space<vmem>> -> memref<128xi32, #tpu.memory_space<vmem>>
    %dma_start3A_205 = arith.constant 0 : i32
    %dma_start3A_206 = arith.constant 0 : i32
    %dma_start3A_207 = tpu.memref_slice %arg11[%dma_start3A_205, %dma_start3A_206] : memref<10256x64xf32, #tpu.memory_space<vmem_shared>> -> memref<10256x64xf32, #tpu.memory_space<vmem_shared>>
    tpu.enqueue_indirect_dma source(%dma_start3A_201 : memref<128x64xf32, #tpu.memory_space<vmem>>) target(%dma_start3A_207 : memref<10256x64xf32, #tpu.memory_space<vmem_shared>>) offsets(%dma_start3A_204 : memref<128xi32, #tpu.memory_space<vmem>>) semaphore(%arg15 : memref<!tpu.dma_semaphore, #tpu.memory_space<semaphore_mem>>) {add = true}
    %dma_wait3A_208 = arith.constant 2 : i32
    %dma_wait3A_209 = arith.constant 0 : i32
    %dma_wait3A_210 = arith.constant 38 : i32
    %dma_wait3A_211 = arith.constant 0 : i32
    %dma_wait3A_212 = arith.constant 0 : i32
    %dma_wait3A_213 = tpu.memref_slice %arg9[%dma_wait3A_208, %dma_wait3A_211, %dma_wait3A_212] : memref<3x128x64xf32, #tpu.memory_space<vmem>> -> memref<1x128x64xf32, #tpu.memory_space<vmem>>
    %dma_wait3A_214 = tpu.memref_squeeze %dma_wait3A_213 : memref<1x128x64xf32, #tpu.memory_space<vmem>> -> memref<128x64xf32, #tpu.memory_space<vmem>>
    %dma_wait3A_215 = arith.constant 0 : i32
    %dma_wait3A_216 = tpu.memref_slice %arg8[%dma_wait3A_209, %dma_wait3A_210, %dma_wait3A_215] : memref<2x40x128xi32, #tpu.memory_space<vmem>> -> memref<1x1x128xi32, #tpu.memory_space<vmem>>
    %dma_wait3A_217 = tpu.memref_squeeze %dma_wait3A_216 : memref<1x1x128xi32, #tpu.memory_space<vmem>> -> memref<128xi32, #tpu.memory_space<vmem>>
    %dma_wait3A_218 = arith.constant 0 : i32
    %dma_wait3A_219 = arith.constant 0 : i32
    %dma_wait3A_220 = tpu.memref_slice %arg11[%dma_wait3A_218, %dma_wait3A_219] : memref<10256x64xf32, #tpu.memory_space<vmem_shared>> -> memref<10256x64xf32, #tpu.memory_space<vmem_shared>>
    tpu.wait_indirect_dma semaphore(%arg17 : memref<!tpu.dma_semaphore, #tpu.memory_space<semaphore_mem>>) src(%dma_wait3A_214 : memref<128x64xf32, #tpu.memory_space<vmem>>) dst(%dma_wait3A_220 : memref<10256x64xf32, #tpu.memory_space<vmem_shared>>)
    %dma_wait3A_221 = arith.constant 0 : i32
    %dma_wait3A_222 = arith.constant 0 : i32
    %dma_wait3A_223 = arith.constant 39 : i32
    %dma_wait3A_224 = arith.constant 0 : i32
    %dma_wait3A_225 = arith.constant 0 : i32
    %dma_wait3A_226 = tpu.memref_slice %arg9[%dma_wait3A_221, %dma_wait3A_224, %dma_wait3A_225] : memref<3x128x64xf32, #tpu.memory_space<vmem>> -> memref<1x128x64xf32, #tpu.memory_space<vmem>>
    %dma_wait3A_227 = tpu.memref_squeeze %dma_wait3A_226 : memref<1x128x64xf32, #tpu.memory_space<vmem>> -> memref<128x64xf32, #tpu.memory_space<vmem>>
    %dma_wait3A_228 = arith.constant 0 : i32
    %dma_wait3A_229 = tpu.memref_slice %arg8[%dma_wait3A_222, %dma_wait3A_223, %dma_wait3A_228] : memref<2x40x128xi32, #tpu.memory_space<vmem>> -> memref<1x1x128xi32, #tpu.memory_space<vmem>>
    %dma_wait3A_230 = tpu.memref_squeeze %dma_wait3A_229 : memref<1x1x128xi32, #tpu.memory_space<vmem>> -> memref<128xi32, #tpu.memory_space<vmem>>
    %dma_wait3A_231 = arith.constant 0 : i32
    %dma_wait3A_232 = arith.constant 0 : i32
    %dma_wait3A_233 = tpu.memref_slice %arg11[%dma_wait3A_231, %dma_wait3A_232] : memref<10256x64xf32, #tpu.memory_space<vmem_shared>> -> memref<10256x64xf32, #tpu.memory_space<vmem_shared>>
    tpu.wait_indirect_dma semaphore(%arg15 : memref<!tpu.dma_semaphore, #tpu.memory_space<semaphore_mem>>) src(%dma_wait3A_227 : memref<128x64xf32, #tpu.memory_space<vmem>>) dst(%dma_wait3A_233 : memref<10256x64xf32, #tpu.memory_space<vmem_shared>>)
    %dma_start3A_234 = arith.constant 2 : i32
    %dma_start3A_235 = arith.constant 0 : i32
    %dma_start3A_236 = arith.constant 0 : i32
    %dma_start3A_237 = arith.constant 0 : i32
    %dma_start3A_238 = tpu.memref_slice %arg7[%dma_start3A_235, %dma_start3A_236, %dma_start3A_237] : memref<2x40x128xi32, #tpu.memory_space<vmem>> -> memref<1x40x128xi32, #tpu.memory_space<vmem>>
    %dma_start3A_239 = tpu.memref_squeeze %dma_start3A_238 : memref<1x40x128xi32, #tpu.memory_space<vmem>> -> memref<40x128xi32, #tpu.memory_space<vmem>>
    %dma_start3A_240 = arith.constant 0 : i32
    %dma_start3A_241 = arith.constant 0 : i32
    %dma_start3A_242 = tpu.memref_slice %arg3[%dma_start3A_234, %dma_start3A_240, %arg1, %dma_start3A_241] : memref<4x40x16x128xi32, #tpu.memory_space<hbm>> -> memref<1x40x1x128xi32, #tpu.memory_space<hbm>>
    %dma_start3A_243 = tpu.memref_squeeze %dma_start3A_242 : memref<1x40x1x128xi32, #tpu.memory_space<hbm>> -> memref<40x128xi32, #tpu.memory_space<hbm>>
    %dma_start3A_244 = arith.constant 0 : i32
    %dma_start3A_245 = arith.constant 0 : i32
    %dma_start3A_246 = tpu.memref_slice %arg7[%dma_start3A_235, %dma_start3A_244, %dma_start3A_245] : memref<2x40x128xi32, #tpu.memory_space<vmem>> -> memref<1x40x128xi32, #tpu.memory_space<vmem>>
    %dma_start3A_247 = tpu.memref_squeeze %dma_start3A_246 : memref<1x40x128xi32, #tpu.memory_space<vmem>> -> memref<40x128xi32, #tpu.memory_space<vmem>>
    %dma_start3A_248 = arith.constant 0 : i32
    %dma_start3A_249 = arith.constant 0 : i32
    %dma_start3A_250 = tpu.memref_slice %arg3[%dma_start3A_234, %dma_start3A_248, %arg1, %dma_start3A_249] : memref<4x40x16x128xi32, #tpu.memory_space<hbm>> -> memref<1x40x1x128xi32, #tpu.memory_space<hbm>>
    %dma_start3A_251 = tpu.memref_squeeze %dma_start3A_250 : memref<1x40x1x128xi32, #tpu.memory_space<hbm>> -> memref<40x128xi32, #tpu.memory_space<hbm>>
    tpu.enqueue_dma source(%dma_start3A_251 : memref<40x128xi32, #tpu.memory_space<hbm>>) target(%dma_start3A_247 : memref<40x128xi32, #tpu.memory_space<vmem>>) target_semaphore(%arg18 : memref<!tpu.dma_semaphore, #tpu.memory_space<semaphore_mem>>)
    %dma_start3A_252 = arith.constant 2 : i32
    %dma_start3A_253 = arith.constant 0 : i32
    %dma_start3A_254 = arith.constant 0 : i32
    %dma_start3A_255 = arith.constant 0 : i32
    %dma_start3A_256 = tpu.memref_slice %arg8[%dma_start3A_253, %dma_start3A_254, %dma_start3A_255] : memref<2x40x128xi32, #tpu.memory_space<vmem>> -> memref<1x40x128xi32, #tpu.memory_space<vmem>>
    %dma_start3A_257 = tpu.memref_squeeze %dma_start3A_256 : memref<1x40x128xi32, #tpu.memory_space<vmem>> -> memref<40x128xi32, #tpu.memory_space<vmem>>
    %dma_start3A_258 = arith.constant 0 : i32
    %dma_start3A_259 = arith.constant 0 : i32
    %dma_start3A_260 = tpu.memref_slice %arg4[%dma_start3A_252, %dma_start3A_258, %arg1, %dma_start3A_259] : memref<4x40x16x128xi32, #tpu.memory_space<hbm>> -> memref<1x40x1x128xi32, #tpu.memory_space<hbm>>
    %dma_start3A_261 = tpu.memref_squeeze %dma_start3A_260 : memref<1x40x1x128xi32, #tpu.memory_space<hbm>> -> memref<40x128xi32, #tpu.memory_space<hbm>>
    %dma_start3A_262 = arith.constant 0 : i32
    %dma_start3A_263 = arith.constant 0 : i32
    %dma_start3A_264 = tpu.memref_slice %arg8[%dma_start3A_253, %dma_start3A_262, %dma_start3A_263] : memref<2x40x128xi32, #tpu.memory_space<vmem>> -> memref<1x40x128xi32, #tpu.memory_space<vmem>>
    %dma_start3A_265 = tpu.memref_squeeze %dma_start3A_264 : memref<1x40x128xi32, #tpu.memory_space<vmem>> -> memref<40x128xi32, #tpu.memory_space<vmem>>
    %dma_start3A_266 = arith.constant 0 : i32
    %dma_start3A_267 = arith.constant 0 : i32
    %dma_start3A_268 = tpu.memref_slice %arg4[%dma_start3A_252, %dma_start3A_266, %arg1, %dma_start3A_267] : memref<4x40x16x128xi32, #tpu.memory_space<hbm>> -> memref<1x40x1x128xi32, #tpu.memory_space<hbm>>
    %dma_start3A_269 = tpu.memref_squeeze %dma_start3A_268 : memref<1x40x1x128xi32, #tpu.memory_space<hbm>> -> memref<40x128xi32, #tpu.memory_space<hbm>>
    tpu.enqueue_dma source(%dma_start3A_269 : memref<40x128xi32, #tpu.memory_space<hbm>>) target(%dma_start3A_265 : memref<40x128xi32, #tpu.memory_space<vmem>>) target_semaphore(%arg18 : memref<!tpu.dma_semaphore, #tpu.memory_space<semaphore_mem>>)
    %dma_wait3A_270 = arith.constant 1 : i32
    %dma_wait3A_271 = arith.constant 1 : i32
    %dma_wait3A_272 = arith.constant 0 : i32
    %dma_wait3A_273 = arith.constant 0 : i32
    %dma_wait3A_274 = tpu.memref_slice %arg7[%dma_wait3A_271, %dma_wait3A_272, %dma_wait3A_273] : memref<2x40x128xi32, #tpu.memory_space<vmem>> -> memref<1x40x128xi32, #tpu.memory_space<vmem>>
    %dma_wait3A_275 = tpu.memref_squeeze %dma_wait3A_274 : memref<1x40x128xi32, #tpu.memory_space<vmem>> -> memref<40x128xi32, #tpu.memory_space<vmem>>
    %dma_wait3A_276 = arith.constant 0 : i32
    %dma_wait3A_277 = arith.constant 0 : i32
    %dma_wait3A_278 = tpu.memref_slice %arg3[%dma_wait3A_270, %dma_wait3A_276, %arg1, %dma_wait3A_277] : memref<4x40x16x128xi32, #tpu.memory_space<hbm>> -> memref<1x40x1x128xi32, #tpu.memory_space<hbm>>
    %dma_wait3A_279 = tpu.memref_squeeze %dma_wait3A_278 : memref<1x40x1x128xi32, #tpu.memory_space<hbm>> -> memref<40x128xi32, #tpu.memory_space<hbm>>
    %dma_wait3A_280 = arith.constant 0 : i32
    %dma_wait3A_281 = arith.constant 0 : i32
    %dma_wait3A_282 = tpu.memref_slice %arg7[%dma_wait3A_271, %dma_wait3A_280, %dma_wait3A_281] : memref<2x40x128xi32, #tpu.memory_space<vmem>> -> memref<1x40x128xi32, #tpu.memory_space<vmem>>
    %dma_wait3A_283 = tpu.memref_squeeze %dma_wait3A_282 : memref<1x40x128xi32, #tpu.memory_space<vmem>> -> memref<40x128xi32, #tpu.memory_space<vmem>>
    %dma_wait3A_284 = arith.constant 0 : i32
    %dma_wait3A_285 = arith.constant 0 : i32
    %dma_wait3A_286 = tpu.memref_slice %arg3[%dma_wait3A_270, %dma_wait3A_284, %arg1, %dma_wait3A_285] : memref<4x40x16x128xi32, #tpu.memory_space<hbm>> -> memref<1x40x1x128xi32, #tpu.memory_space<hbm>>
    %dma_wait3A_287 = tpu.memref_squeeze %dma_wait3A_286 : memref<1x40x1x128xi32, #tpu.memory_space<hbm>> -> memref<40x128xi32, #tpu.memory_space<hbm>>
    tpu.wait_dma2 semaphore(%arg19 : memref<!tpu.dma_semaphore, #tpu.memory_space<semaphore_mem>>) src(%dma_wait3A_287 : memref<40x128xi32, #tpu.memory_space<hbm>>) dst(%dma_wait3A_283 : memref<40x128xi32, #tpu.memory_space<vmem>>)
    %dma_wait3A_288 = arith.constant 1 : i32
    %dma_wait3A_289 = arith.constant 1 : i32
    %dma_wait3A_290 = arith.constant 0 : i32
    %dma_wait3A_291 = arith.constant 0 : i32
    %dma_wait3A_292 = tpu.memref_slice %arg8[%dma_wait3A_289, %dma_wait3A_290, %dma_wait3A_291] : memref<2x40x128xi32, #tpu.memory_space<vmem>> -> memref<1x40x128xi32, #tpu.memory_space<vmem>>
    %dma_wait3A_293 = tpu.memref_squeeze %dma_wait3A_292 : memref<1x40x128xi32, #tpu.memory_space<vmem>> -> memref<40x128xi32, #tpu.memory_space<vmem>>
    %dma_wait3A_294 = arith.constant 0 : i32
    %dma_wait3A_295 = arith.constant 0 : i32
    %dma_wait3A_296 = tpu.memref_slice %arg4[%dma_wait3A_288, %dma_wait3A_294, %arg1, %dma_wait3A_295] : memref<4x40x16x128xi32, #tpu.memory_space<hbm>> -> memref<1x40x1x128xi32, #tpu.memory_space<hbm>>
    %dma_wait3A_297 = tpu.memref_squeeze %dma_wait3A_296 : memref<1x40x1x128xi32, #tpu.memory_space<hbm>> -> memref<40x128xi32, #tpu.memory_space<hbm>>
    %dma_wait3A_298 = arith.constant 0 : i32
    %dma_wait3A_299 = arith.constant 0 : i32
    %dma_wait3A_300 = tpu.memref_slice %arg8[%dma_wait3A_289, %dma_wait3A_298, %dma_wait3A_299] : memref<2x40x128xi32, #tpu.memory_space<vmem>> -> memref<1x40x128xi32, #tpu.memory_space<vmem>>
    %dma_wait3A_301 = tpu.memref_squeeze %dma_wait3A_300 : memref<1x40x128xi32, #tpu.memory_space<vmem>> -> memref<40x128xi32, #tpu.memory_space<vmem>>
    %dma_wait3A_302 = arith.constant 0 : i32
    %dma_wait3A_303 = arith.constant 0 : i32
    %dma_wait3A_304 = tpu.memref_slice %arg4[%dma_wait3A_288, %dma_wait3A_302, %arg1, %dma_wait3A_303] : memref<4x40x16x128xi32, #tpu.memory_space<hbm>> -> memref<1x40x1x128xi32, #tpu.memory_space<hbm>>
    %dma_wait3A_305 = tpu.memref_squeeze %dma_wait3A_304 : memref<1x40x1x128xi32, #tpu.memory_space<hbm>> -> memref<40x128xi32, #tpu.memory_space<hbm>>
    tpu.wait_dma2 semaphore(%arg19 : memref<!tpu.dma_semaphore, #tpu.memory_space<semaphore_mem>>) src(%dma_wait3A_305 : memref<40x128xi32, #tpu.memory_space<hbm>>) dst(%dma_wait3A_301 : memref<40x128xi32, #tpu.memory_space<vmem>>)
    %dma_start3A_306 = arith.constant 1 : i32
    %dma_start3A_307 = arith.constant 0 : i32
    %dma_start3A_308 = arith.constant 0 : i32
    %dma_start3A_309 = arith.constant 0 : i32
    %dma_start3A_310 = arith.constant 0 : i32
    %dma_start3A_311 = tpu.memref_slice %arg9[%dma_start3A_308, %dma_start3A_309, %dma_start3A_310] : memref<3x128x64xf32, #tpu.memory_space<vmem>> -> memref<1x64x64xf32, #tpu.memory_space<vmem>>
    %dma_start3A_312 = tpu.memref_squeeze %dma_start3A_311 : memref<1x64x64xf32, #tpu.memory_space<vmem>> -> memref<64x64xf32, #tpu.memory_space<vmem>>
    %dma_start3A_313 = arith.constant 0 : i32
    %dma_start3A_314 = tpu.memref_slice %arg7[%dma_start3A_306, %dma_start3A_307, %dma_start3A_313] : memref<2x40x128xi32, #tpu.memory_space<vmem>> -> memref<1x1x64xi32, #tpu.memory_space<vmem>>
    %dma_start3A_315 = tpu.memref_squeeze %dma_start3A_314 : memref<1x1x64xi32, #tpu.memory_space<vmem>> -> memref<64xi32, #tpu.memory_space<vmem>>
    %dma_start3A_316 = arith.constant 0 : i32
    %dma_start3A_317 = arith.constant 0 : i32
    %dma_start3A_318 = tpu.memref_slice %arg10[%dma_start3A_316, %dma_start3A_317] : memref<10000x64xf32, #tpu.memory_space<vmem_shared>> -> memref<10000x64xf32, #tpu.memory_space<vmem_shared>>
    tpu.enqueue_indirect_dma source(%dma_start3A_318 : memref<10000x64xf32, #tpu.memory_space<vmem_shared>>) target(%dma_start3A_312 : memref<64x64xf32, #tpu.memory_space<vmem>>) offsets(%dma_start3A_315 : memref<64xi32, #tpu.memory_space<vmem>>) semaphore(%arg12 : memref<!tpu.dma_semaphore, #tpu.memory_space<semaphore_mem>>)
    %dma_start3A_319 = arith.constant 1 : i32
    %dma_start3A_320 = arith.constant 0 : i32
    %dma_start3A_321 = arith.constant 0 : i32
    %dma_start3A_322 = arith.constant 64 : i32
    %dma_start3A_323 = arith.constant 0 : i32
    %dma_start3A_324 = tpu.memref_slice %arg9[%dma_start3A_321, %dma_start3A_322, %dma_start3A_323] : memref<3x128x64xf32, #tpu.memory_space<vmem>> -> memref<1x64x64xf32, #tpu.memory_space<vmem>>
    %dma_start3A_325 = tpu.memref_squeeze %dma_start3A_324 : memref<1x64x64xf32, #tpu.memory_space<vmem>> -> memref<64x64xf32, #tpu.memory_space<vmem>>
    %dma_start3A_326 = arith.constant 64 : i32
    %dma_start3A_327 = tpu.memref_slice %arg7[%dma_start3A_319, %dma_start3A_320, %dma_start3A_326] : memref<2x40x128xi32, #tpu.memory_space<vmem>> -> memref<1x1x64xi32, #tpu.memory_space<vmem>>
    %dma_start3A_328 = tpu.memref_squeeze %dma_start3A_327 : memref<1x1x64xi32, #tpu.memory_space<vmem>> -> memref<64xi32, #tpu.memory_space<vmem>>
    %dma_start3A_329 = arith.constant 0 : i32
    %dma_start3A_330 = arith.constant 0 : i32
    %dma_start3A_331 = tpu.memref_slice %arg10[%dma_start3A_329, %dma_start3A_330] : memref<10000x64xf32, #tpu.memory_space<vmem_shared>> -> memref<10000x64xf32, #tpu.memory_space<vmem_shared>>
    tpu.enqueue_indirect_dma source(%dma_start3A_331 : memref<10000x64xf32, #tpu.memory_space<vmem_shared>>) target(%dma_start3A_325 : memref<64x64xf32, #tpu.memory_space<vmem>>) offsets(%dma_start3A_328 : memref<64xi32, #tpu.memory_space<vmem>>) semaphore(%arg20 : memref<!tpu.dma_semaphore, #tpu.memory_space<semaphore_mem>>)
    %dma_start3A_332 = arith.constant 1 : i32
    %dma_start3A_333 = arith.constant 1 : i32
    %dma_start3A_334 = arith.constant 1 : i32
    %dma_start3A_335 = arith.constant 0 : i32
    %dma_start3A_336 = arith.constant 0 : i32
    %dma_start3A_337 = tpu.memref_slice %arg9[%dma_start3A_334, %dma_start3A_335, %dma_start3A_336] : memref<3x128x64xf32, #tpu.memory_space<vmem>> -> memref<1x64x64xf32, #tpu.memory_space<vmem>>
    %dma_start3A_338 = tpu.memref_squeeze %dma_start3A_337 : memref<1x64x64xf32, #tpu.memory_space<vmem>> -> memref<64x64xf32, #tpu.memory_space<vmem>>
    %dma_start3A_339 = arith.constant 0 : i32
    %dma_start3A_340 = tpu.memref_slice %arg7[%dma_start3A_332, %dma_start3A_333, %dma_start3A_339] : memref<2x40x128xi32, #tpu.memory_space<vmem>> -> memref<1x1x64xi32, #tpu.memory_space<vmem>>
    %dma_start3A_341 = tpu.memref_squeeze %dma_start3A_340 : memref<1x1x64xi32, #tpu.memory_space<vmem>> -> memref<64xi32, #tpu.memory_space<vmem>>
    %dma_start3A_342 = arith.constant 0 : i32
    %dma_start3A_343 = arith.constant 0 : i32
    %dma_start3A_344 = tpu.memref_slice %arg10[%dma_start3A_342, %dma_start3A_343] : memref<10000x64xf32, #tpu.memory_space<vmem_shared>> -> memref<10000x64xf32, #tpu.memory_space<vmem_shared>>
    tpu.enqueue_indirect_dma source(%dma_start3A_344 : memref<10000x64xf32, #tpu.memory_space<vmem_shared>>) target(%dma_start3A_338 : memref<64x64xf32, #tpu.memory_space<vmem>>) offsets(%dma_start3A_341 : memref<64xi32, #tpu.memory_space<vmem>>) semaphore(%arg13 : memref<!tpu.dma_semaphore, #tpu.memory_space<semaphore_mem>>)
    %dma_start3A_345 = arith.constant 1 : i32
    %dma_start3A_346 = arith.constant 1 : i32
    %dma_start3A_347 = arith.constant 1 : i32
    %dma_start3A_348 = arith.constant 64 : i32
    %dma_start3A_349 = arith.constant 0 : i32
    %dma_start3A_350 = tpu.memref_slice %arg9[%dma_start3A_347, %dma_start3A_348, %dma_start3A_349] : memref<3x128x64xf32, #tpu.memory_space<vmem>> -> memref<1x64x64xf32, #tpu.memory_space<vmem>>
    %dma_start3A_351 = tpu.memref_squeeze %dma_start3A_350 : memref<1x64x64xf32, #tpu.memory_space<vmem>> -> memref<64x64xf32, #tpu.memory_space<vmem>>
    %dma_start3A_352 = arith.constant 64 : i32
    %dma_start3A_353 = tpu.memref_slice %arg7[%dma_start3A_345, %dma_start3A_346, %dma_start3A_352] : memref<2x40x128xi32, #tpu.memory_space<vmem>> -> memref<1x1x64xi32, #tpu.memory_space<vmem>>
    %dma_start3A_354 = tpu.memref_squeeze %dma_start3A_353 : memref<1x1x64xi32, #tpu.memory_space<vmem>> -> memref<64xi32, #tpu.memory_space<vmem>>
    %dma_start3A_355 = arith.constant 0 : i32
    %dma_start3A_356 = arith.constant 0 : i32
    %dma_start3A_357 = tpu.memref_slice %arg10[%dma_start3A_355, %dma_start3A_356] : memref<10000x64xf32, #tpu.memory_space<vmem_shared>> -> memref<10000x64xf32, #tpu.memory_space<vmem_shared>>
    tpu.enqueue_indirect_dma source(%dma_start3A_357 : memref<10000x64xf32, #tpu.memory_space<vmem_shared>>) target(%dma_start3A_351 : memref<64x64xf32, #tpu.memory_space<vmem>>) offsets(%dma_start3A_354 : memref<64xi32, #tpu.memory_space<vmem>>) semaphore(%arg21 : memref<!tpu.dma_semaphore, #tpu.memory_space<semaphore_mem>>)
    %scan3A_358 = arith.constant 0 : i32
    %scan3A_359 = arith.constant 0 : i32
    %scan3A_360 = arith.constant 13 : i32
    %scan3A_361 = arith.addi %scan3A_359, %scan3A_360 : i32
    %scan3A_362 = arith.constant 1 : i32
    scf.for %scan3A_794 = %scan3A_359 to %scan3A_361 step %scan3A_362  : i32 {
      %mul3A = arith.constant 3 : i32
      %mul3A_795 = arith.muli %scan3A_794, %mul3A : i32
      %add3A = arith.constant 0 : i32
      %add3A_796 = arith.addi %mul3A_795, %add3A : i32
      %dma_wait3A_797 = arith.constant 1 : i32
      %dma_wait3A_798 = arith.constant 0 : i32
      %dma_wait3A_799 = arith.constant 0 : i32
      %dma_wait3A_800 = arith.constant 0 : i32
      %dma_wait3A_801 = tpu.memref_slice %arg9[%dma_wait3A_798, %dma_wait3A_799, %dma_wait3A_800] : memref<3x128x64xf32, #tpu.memory_space<vmem>> -> memref<1x64x64xf32, #tpu.memory_space<vmem>>
      %dma_wait3A_802 = tpu.memref_squeeze %dma_wait3A_801 : memref<1x64x64xf32, #tpu.memory_space<vmem>> -> memref<64x64xf32, #tpu.memory_space<vmem>>
      %dma_wait3A_803 = arith.constant 0 : i32
      %dma_wait3A_804 = tpu.memref_slice %arg7[%dma_wait3A_797, %add3A_796, %dma_wait3A_803] : memref<2x40x128xi32, #tpu.memory_space<vmem>> -> memref<1x1x64xi32, #tpu.memory_space<vmem>>
      %dma_wait3A_805 = tpu.memref_squeeze %dma_wait3A_804 : memref<1x1x64xi32, #tpu.memory_space<vmem>> -> memref<64xi32, #tpu.memory_space<vmem>>
      %dma_wait3A_806 = arith.constant 0 : i32
      %dma_wait3A_807 = arith.constant 0 : i32
      %dma_wait3A_808 = tpu.memref_slice %arg10[%dma_wait3A_806, %dma_wait3A_807] : memref<10000x64xf32, #tpu.memory_space<vmem_shared>> -> memref<10000x64xf32, #tpu.memory_space<vmem_shared>>
      tpu.wait_indirect_dma semaphore(%arg12 : memref<!tpu.dma_semaphore, #tpu.memory_space<semaphore_mem>>) src(%dma_wait3A_808 : memref<10000x64xf32, #tpu.memory_space<vmem_shared>>) dst(%dma_wait3A_802 : memref<64x64xf32, #tpu.memory_space<vmem>>)
      %dma_wait3A_809 = arith.constant 1 : i32
      %dma_wait3A_810 = arith.constant 0 : i32
      %dma_wait3A_811 = arith.constant 64 : i32
      %dma_wait3A_812 = arith.constant 0 : i32
      %dma_wait3A_813 = tpu.memref_slice %arg9[%dma_wait3A_810, %dma_wait3A_811, %dma_wait3A_812] : memref<3x128x64xf32, #tpu.memory_space<vmem>> -> memref<1x64x64xf32, #tpu.memory_space<vmem>>
      %dma_wait3A_814 = tpu.memref_squeeze %dma_wait3A_813 : memref<1x64x64xf32, #tpu.memory_space<vmem>> -> memref<64x64xf32, #tpu.memory_space<vmem>>
      %dma_wait3A_815 = arith.constant 64 : i32
      %dma_wait3A_816 = tpu.memref_slice %arg7[%dma_wait3A_809, %add3A_796, %dma_wait3A_815] : memref<2x40x128xi32, #tpu.memory_space<vmem>> -> memref<1x1x64xi32, #tpu.memory_space<vmem>>
      %dma_wait3A_817 = tpu.memref_squeeze %dma_wait3A_816 : memref<1x1x64xi32, #tpu.memory_space<vmem>> -> memref<64xi32, #tpu.memory_space<vmem>>
      %dma_wait3A_818 = arith.constant 0 : i32
      %dma_wait3A_819 = arith.constant 0 : i32
      %dma_wait3A_820 = tpu.memref_slice %arg10[%dma_wait3A_818, %dma_wait3A_819] : memref<10000x64xf32, #tpu.memory_space<vmem_shared>> -> memref<10000x64xf32, #tpu.memory_space<vmem_shared>>
      tpu.wait_indirect_dma semaphore(%arg20 : memref<!tpu.dma_semaphore, #tpu.memory_space<semaphore_mem>>) src(%dma_wait3A_820 : memref<10000x64xf32, #tpu.memory_space<vmem_shared>>) dst(%dma_wait3A_814 : memref<64x64xf32, #tpu.memory_space<vmem>>)
      %dma_start3A_821 = arith.constant 0 : i32
      %dma_start3A_822 = arith.constant 1 : i32
      %dma_start3A_823 = arith.constant 0 : i32
      %dma_start3A_824 = arith.constant 0 : i32
      %dma_start3A_825 = tpu.memref_slice %arg9[%dma_start3A_821, %dma_start3A_823, %dma_start3A_824] : memref<3x128x64xf32, #tpu.memory_space<vmem>> -> memref<1x128x64xf32, #tpu.memory_space<vmem>>
      %dma_start3A_826 = tpu.memref_squeeze %dma_start3A_825 : memref<1x128x64xf32, #tpu.memory_space<vmem>> -> memref<128x64xf32, #tpu.memory_space<vmem>>
      %dma_start3A_827 = arith.constant 0 : i32
      %dma_start3A_828 = tpu.memref_slice %arg8[%dma_start3A_822, %add3A_796, %dma_start3A_827] : memref<2x40x128xi32, #tpu.memory_space<vmem>> -> memref<1x1x128xi32, #tpu.memory_space<vmem>>
      %dma_start3A_829 = tpu.memref_squeeze %dma_start3A_828 : memref<1x1x128xi32, #tpu.memory_space<vmem>> -> memref<128xi32, #tpu.memory_space<vmem>>
      %dma_start3A_830 = arith.constant 0 : i32
      %dma_start3A_831 = arith.constant 0 : i32
      %dma_start3A_832 = tpu.memref_slice %arg11[%dma_start3A_830, %dma_start3A_831] : memref<10256x64xf32, #tpu.memory_space<vmem_shared>> -> memref<10256x64xf32, #tpu.memory_space<vmem_shared>>
      tpu.enqueue_indirect_dma source(%dma_start3A_826 : memref<128x64xf32, #tpu.memory_space<vmem>>) target(%dma_start3A_832 : memref<10256x64xf32, #tpu.memory_space<vmem_shared>>) offsets(%dma_start3A_829 : memref<128xi32, #tpu.memory_space<vmem>>) semaphore(%arg15 : memref<!tpu.dma_semaphore, #tpu.memory_space<semaphore_mem>>) {add = true}
      %gt3A = arith.constant 0 : i32
      %gt3A_833 = arith.cmpi sgt, %scan3A_794, %gt3A : i32
      %convert_element_type3A_834 = arith.extui %gt3A_833 : i1 to i32
      %cond3A_835 = arith.constant 0 : i32
      %cond3A_836 = arith.cmpi ne, %convert_element_type3A_834, %cond3A_835 : i32
      scf.if %cond3A_836 {
        %sub3A_1005 = arith.constant 1 : i32
        %sub3A_1006 = arith.subi %add3A_796, %sub3A_1005 : i32
        %dma_wait3A_1007 = arith.constant 2 : i32
        %dma_wait3A_1008 = arith.constant 1 : i32
        %dma_wait3A_1009 = arith.constant 0 : i32
        %dma_wait3A_1010 = arith.constant 0 : i32
        %dma_wait3A_1011 = tpu.memref_slice %arg9[%dma_wait3A_1007, %dma_wait3A_1009, %dma_wait3A_1010] : memref<3x128x64xf32, #tpu.memory_space<vmem>> -> memref<1x128x64xf32, #tpu.memory_space<vmem>>
        %dma_wait3A_1012 = tpu.memref_squeeze %dma_wait3A_1011 : memref<1x128x64xf32, #tpu.memory_space<vmem>> -> memref<128x64xf32, #tpu.memory_space<vmem>>
        %dma_wait3A_1013 = arith.constant 0 : i32
        %dma_wait3A_1014 = tpu.memref_slice %arg8[%dma_wait3A_1008, %sub3A_1006, %dma_wait3A_1013] : memref<2x40x128xi32, #tpu.memory_space<vmem>> -> memref<1x1x128xi32, #tpu.memory_space<vmem>>
        %dma_wait3A_1015 = tpu.memref_squeeze %dma_wait3A_1014 : memref<1x1x128xi32, #tpu.memory_space<vmem>> -> memref<128xi32, #tpu.memory_space<vmem>>
        %dma_wait3A_1016 = arith.constant 0 : i32
        %dma_wait3A_1017 = arith.constant 0 : i32
        %dma_wait3A_1018 = tpu.memref_slice %arg11[%dma_wait3A_1016, %dma_wait3A_1017] : memref<10256x64xf32, #tpu.memory_space<vmem_shared>> -> memref<10256x64xf32, #tpu.memory_space<vmem_shared>>
        tpu.wait_indirect_dma semaphore(%arg17 : memref<!tpu.dma_semaphore, #tpu.memory_space<semaphore_mem>>) src(%dma_wait3A_1012 : memref<128x64xf32, #tpu.memory_space<vmem>>) dst(%dma_wait3A_1018 : memref<10256x64xf32, #tpu.memory_space<vmem_shared>>)
      } else {
      }
      %add3A_837 = arith.constant 2 : i32
      %add3A_838 = arith.addi %add3A_796, %add3A_837 : i32
      %dma_start3A_839 = arith.constant 1 : i32
      %dma_start3A_840 = arith.constant 2 : i32
      %dma_start3A_841 = arith.constant 0 : i32
      %dma_start3A_842 = arith.constant 0 : i32
      %dma_start3A_843 = tpu.memref_slice %arg9[%dma_start3A_840, %dma_start3A_841, %dma_start3A_842] : memref<3x128x64xf32, #tpu.memory_space<vmem>> -> memref<1x64x64xf32, #tpu.memory_space<vmem>>
      %dma_start3A_844 = tpu.memref_squeeze %dma_start3A_843 : memref<1x64x64xf32, #tpu.memory_space<vmem>> -> memref<64x64xf32, #tpu.memory_space<vmem>>
      %dma_start3A_845 = arith.constant 0 : i32
      %dma_start3A_846 = tpu.memref_slice %arg7[%dma_start3A_839, %add3A_838, %dma_start3A_845] : memref<2x40x128xi32, #tpu.memory_space<vmem>> -> memref<1x1x64xi32, #tpu.memory_space<vmem>>
      %dma_start3A_847 = tpu.memref_squeeze %dma_start3A_846 : memref<1x1x64xi32, #tpu.memory_space<vmem>> -> memref<64xi32, #tpu.memory_space<vmem>>
      %dma_start3A_848 = arith.constant 0 : i32
      %dma_start3A_849 = arith.constant 0 : i32
      %dma_start3A_850 = tpu.memref_slice %arg10[%dma_start3A_848, %dma_start3A_849] : memref<10000x64xf32, #tpu.memory_space<vmem_shared>> -> memref<10000x64xf32, #tpu.memory_space<vmem_shared>>
      tpu.enqueue_indirect_dma source(%dma_start3A_850 : memref<10000x64xf32, #tpu.memory_space<vmem_shared>>) target(%dma_start3A_844 : memref<64x64xf32, #tpu.memory_space<vmem>>) offsets(%dma_start3A_847 : memref<64xi32, #tpu.memory_space<vmem>>) semaphore(%arg14 : memref<!tpu.dma_semaphore, #tpu.memory_space<semaphore_mem>>)
      %add3A_851 = arith.constant 2 : i32
      %add3A_852 = arith.addi %add3A_796, %add3A_851 : i32
      %dma_start3A_853 = arith.constant 1 : i32
      %dma_start3A_854 = arith.constant 2 : i32
      %dma_start3A_855 = arith.constant 64 : i32
      %dma_start3A_856 = arith.constant 0 : i32
      %dma_start3A_857 = tpu.memref_slice %arg9[%dma_start3A_854, %dma_start3A_855, %dma_start3A_856] : memref<3x128x64xf32, #tpu.memory_space<vmem>> -> memref<1x64x64xf32, #tpu.memory_space<vmem>>
      %dma_start3A_858 = tpu.memref_squeeze %dma_start3A_857 : memref<1x64x64xf32, #tpu.memory_space<vmem>> -> memref<64x64xf32, #tpu.memory_space<vmem>>
      %dma_start3A_859 = arith.constant 64 : i32
      %dma_start3A_860 = tpu.memref_slice %arg7[%dma_start3A_853, %add3A_852, %dma_start3A_859] : memref<2x40x128xi32, #tpu.memory_space<vmem>> -> memref<1x1x64xi32, #tpu.memory_space<vmem>>
      %dma_start3A_861 = tpu.memref_squeeze %dma_start3A_860 : memref<1x1x64xi32, #tpu.memory_space<vmem>> -> memref<64xi32, #tpu.memory_space<vmem>>
      %dma_start3A_862 = arith.constant 0 : i32
      %dma_start3A_863 = arith.constant 0 : i32
      %dma_start3A_864 = tpu.memref_slice %arg10[%dma_start3A_862, %dma_start3A_863] : memref<10000x64xf32, #tpu.memory_space<vmem_shared>> -> memref<10000x64xf32, #tpu.memory_space<vmem_shared>>
      tpu.enqueue_indirect_dma source(%dma_start3A_864 : memref<10000x64xf32, #tpu.memory_space<vmem_shared>>) target(%dma_start3A_858 : memref<64x64xf32, #tpu.memory_space<vmem>>) offsets(%dma_start3A_861 : memref<64xi32, #tpu.memory_space<vmem>>) semaphore(%arg22 : memref<!tpu.dma_semaphore, #tpu.memory_space<semaphore_mem>>)
      %mul3A_865 = arith.constant 3 : i32
      %mul3A_866 = arith.muli %scan3A_794, %mul3A_865 : i32
      %add3A_867 = arith.constant 1 : i32
      %add3A_868 = arith.addi %mul3A_866, %add3A_867 : i32
      %dma_wait3A_869 = arith.constant 1 : i32
      %dma_wait3A_870 = arith.constant 1 : i32
      %dma_wait3A_871 = arith.constant 0 : i32
      %dma_wait3A_872 = arith.constant 0 : i32
      %dma_wait3A_873 = tpu.memref_slice %arg9[%dma_wait3A_870, %dma_wait3A_871, %dma_wait3A_872] : memref<3x128x64xf32, #tpu.memory_space<vmem>> -> memref<1x64x64xf32, #tpu.memory_space<vmem>>
      %dma_wait3A_874 = tpu.memref_squeeze %dma_wait3A_873 : memref<1x64x64xf32, #tpu.memory_space<vmem>> -> memref<64x64xf32, #tpu.memory_space<vmem>>
      %dma_wait3A_875 = arith.constant 0 : i32
      %dma_wait3A_876 = tpu.memref_slice %arg7[%dma_wait3A_869, %add3A_868, %dma_wait3A_875] : memref<2x40x128xi32, #tpu.memory_space<vmem>> -> memref<1x1x64xi32, #tpu.memory_space<vmem>>
      %dma_wait3A_877 = tpu.memref_squeeze %dma_wait3A_876 : memref<1x1x64xi32, #tpu.memory_space<vmem>> -> memref<64xi32, #tpu.memory_space<vmem>>
      %dma_wait3A_878 = arith.constant 0 : i32
      %dma_wait3A_879 = arith.constant 0 : i32
      %dma_wait3A_880 = tpu.memref_slice %arg10[%dma_wait3A_878, %dma_wait3A_879] : memref<10000x64xf32, #tpu.memory_space<vmem_shared>> -> memref<10000x64xf32, #tpu.memory_space<vmem_shared>>
      tpu.wait_indirect_dma semaphore(%arg13 : memref<!tpu.dma_semaphore, #tpu.memory_space<semaphore_mem>>) src(%dma_wait3A_880 : memref<10000x64xf32, #tpu.memory_space<vmem_shared>>) dst(%dma_wait3A_874 : memref<64x64xf32, #tpu.memory_space<vmem>>)
      %dma_wait3A_881 = arith.constant 1 : i32
      %dma_wait3A_882 = arith.constant 1 : i32
      %dma_wait3A_883 = arith.constant 64 : i32
      %dma_wait3A_884 = arith.constant 0 : i32
      %dma_wait3A_885 = tpu.memref_slice %arg9[%dma_wait3A_882, %dma_wait3A_883, %dma_wait3A_884] : memref<3x128x64xf32, #tpu.memory_space<vmem>> -> memref<1x64x64xf32, #tpu.memory_space<vmem>>
      %dma_wait3A_886 = tpu.memref_squeeze %dma_wait3A_885 : memref<1x64x64xf32, #tpu.memory_space<vmem>> -> memref<64x64xf32, #tpu.memory_space<vmem>>
      %dma_wait3A_887 = arith.constant 64 : i32
      %dma_wait3A_888 = tpu.memref_slice %arg7[%dma_wait3A_881, %add3A_868, %dma_wait3A_887] : memref<2x40x128xi32, #tpu.memory_space<vmem>> -> memref<1x1x64xi32, #tpu.memory_space<vmem>>
      %dma_wait3A_889 = tpu.memref_squeeze %dma_wait3A_888 : memref<1x1x64xi32, #tpu.memory_space<vmem>> -> memref<64xi32, #tpu.memory_space<vmem>>
      %dma_wait3A_890 = arith.constant 0 : i32
      %dma_wait3A_891 = arith.constant 0 : i32
      %dma_wait3A_892 = tpu.memref_slice %arg10[%dma_wait3A_890, %dma_wait3A_891] : memref<10000x64xf32, #tpu.memory_space<vmem_shared>> -> memref<10000x64xf32, #tpu.memory_space<vmem_shared>>
      tpu.wait_indirect_dma semaphore(%arg21 : memref<!tpu.dma_semaphore, #tpu.memory_space<semaphore_mem>>) src(%dma_wait3A_892 : memref<10000x64xf32, #tpu.memory_space<vmem_shared>>) dst(%dma_wait3A_886 : memref<64x64xf32, #tpu.memory_space<vmem>>)
      %dma_start3A_893 = arith.constant 1 : i32
      %dma_start3A_894 = arith.constant 1 : i32
      %dma_start3A_895 = arith.constant 0 : i32
      %dma_start3A_896 = arith.constant 0 : i32
      %dma_start3A_897 = tpu.memref_slice %arg9[%dma_start3A_893, %dma_start3A_895, %dma_start3A_896] : memref<3x128x64xf32, #tpu.memory_space<vmem>> -> memref<1x128x64xf32, #tpu.memory_space<vmem>>
      %dma_start3A_898 = tpu.memref_squeeze %dma_start3A_897 : memref<1x128x64xf32, #tpu.memory_space<vmem>> -> memref<128x64xf32, #tpu.memory_space<vmem>>
      %dma_start3A_899 = arith.constant 0 : i32
      %dma_start3A_900 = tpu.memref_slice %arg8[%dma_start3A_894, %add3A_868, %dma_start3A_899] : memref<2x40x128xi32, #tpu.memory_space<vmem>> -> memref<1x1x128xi32, #tpu.memory_space<vmem>>
      %dma_start3A_901 = tpu.memref_squeeze %dma_start3A_900 : memref<1x1x128xi32, #tpu.memory_space<vmem>> -> memref<128xi32, #tpu.memory_space<vmem>>
      %dma_start3A_902 = arith.constant 0 : i32
      %dma_start3A_903 = arith.constant 0 : i32
      %dma_start3A_904 = tpu.memref_slice %arg11[%dma_start3A_902, %dma_start3A_903] : memref<10256x64xf32, #tpu.memory_space<vmem_shared>> -> memref<10256x64xf32, #tpu.memory_space<vmem_shared>>
      tpu.enqueue_indirect_dma source(%dma_start3A_898 : memref<128x64xf32, #tpu.memory_space<vmem>>) target(%dma_start3A_904 : memref<10256x64xf32, #tpu.memory_space<vmem_shared>>) offsets(%dma_start3A_901 : memref<128xi32, #tpu.memory_space<vmem>>) semaphore(%arg16 : memref<!tpu.dma_semaphore, #tpu.memory_space<semaphore_mem>>) {add = true}
      %sub3A = arith.constant 1 : i32
      %sub3A_905 = arith.subi %add3A_868, %sub3A : i32
      %dma_wait3A_906 = arith.constant 0 : i32
      %dma_wait3A_907 = arith.constant 1 : i32
      %dma_wait3A_908 = arith.constant 0 : i32
      %dma_wait3A_909 = arith.constant 0 : i32
      %dma_wait3A_910 = tpu.memref_slice %arg9[%dma_wait3A_906, %dma_wait3A_908, %dma_wait3A_909] : memref<3x128x64xf32, #tpu.memory_space<vmem>> -> memref<1x128x64xf32, #tpu.memory_space<vmem>>
      %dma_wait3A_911 = tpu.memref_squeeze %dma_wait3A_910 : memref<1x128x64xf32, #tpu.memory_space<vmem>> -> memref<128x64xf32, #tpu.memory_space<vmem>>
      %dma_wait3A_912 = arith.constant 0 : i32
      %dma_wait3A_913 = tpu.memref_slice %arg8[%dma_wait3A_907, %sub3A_905, %dma_wait3A_912] : memref<2x40x128xi32, #tpu.memory_space<vmem>> -> memref<1x1x128xi32, #tpu.memory_space<vmem>>
      %dma_wait3A_914 = tpu.memref_squeeze %dma_wait3A_913 : memref<1x1x128xi32, #tpu.memory_space<vmem>> -> memref<128xi32, #tpu.memory_space<vmem>>
      %dma_wait3A_915 = arith.constant 0 : i32
      %dma_wait3A_916 = arith.constant 0 : i32
      %dma_wait3A_917 = tpu.memref_slice %arg11[%dma_wait3A_915, %dma_wait3A_916] : memref<10256x64xf32, #tpu.memory_space<vmem_shared>> -> memref<10256x64xf32, #tpu.memory_space<vmem_shared>>
      tpu.wait_indirect_dma semaphore(%arg15 : memref<!tpu.dma_semaphore, #tpu.memory_space<semaphore_mem>>) src(%dma_wait3A_911 : memref<128x64xf32, #tpu.memory_space<vmem>>) dst(%dma_wait3A_917 : memref<10256x64xf32, #tpu.memory_space<vmem_shared>>)
      %add3A_918 = arith.constant 2 : i32
      %add3A_919 = arith.addi %add3A_868, %add3A_918 : i32
      %dma_start3A_920 = arith.constant 1 : i32
      %dma_start3A_921 = arith.constant 0 : i32
      %dma_start3A_922 = arith.constant 0 : i32
      %dma_start3A_923 = arith.constant 0 : i32
      %dma_start3A_924 = tpu.memref_slice %arg9[%dma_start3A_921, %dma_start3A_922, %dma_start3A_923] : memref<3x128x64xf32, #tpu.memory_space<vmem>> -> memref<1x64x64xf32, #tpu.memory_space<vmem>>
      %dma_start3A_925 = tpu.memref_squeeze %dma_start3A_924 : memref<1x64x64xf32, #tpu.memory_space<vmem>> -> memref<64x64xf32, #tpu.memory_space<vmem>>
      %dma_start3A_926 = arith.constant 0 : i32
      %dma_start3A_927 = tpu.memref_slice %arg7[%dma_start3A_920, %add3A_919, %dma_start3A_926] : memref<2x40x128xi32, #tpu.memory_space<vmem>> -> memref<1x1x64xi32, #tpu.memory_space<vmem>>
      %dma_start3A_928 = tpu.memref_squeeze %dma_start3A_927 : memref<1x1x64xi32, #tpu.memory_space<vmem>> -> memref<64xi32, #tpu.memory_space<vmem>>
      %dma_start3A_929 = arith.constant 0 : i32
      %dma_start3A_930 = arith.constant 0 : i32
      %dma_start3A_931 = tpu.memref_slice %arg10[%dma_start3A_929, %dma_start3A_930] : memref<10000x64xf32, #tpu.memory_space<vmem_shared>> -> memref<10000x64xf32, #tpu.memory_space<vmem_shared>>
      tpu.enqueue_indirect_dma source(%dma_start3A_931 : memref<10000x64xf32, #tpu.memory_space<vmem_shared>>) target(%dma_start3A_925 : memref<64x64xf32, #tpu.memory_space<vmem>>) offsets(%dma_start3A_928 : memref<64xi32, #tpu.memory_space<vmem>>) semaphore(%arg12 : memref<!tpu.dma_semaphore, #tpu.memory_space<semaphore_mem>>)
      %add3A_932 = arith.constant 2 : i32
      %add3A_933 = arith.addi %add3A_868, %add3A_932 : i32
      %dma_start3A_934 = arith.constant 1 : i32
      %dma_start3A_935 = arith.constant 0 : i32
      %dma_start3A_936 = arith.constant 64 : i32
      %dma_start3A_937 = arith.constant 0 : i32
      %dma_start3A_938 = tpu.memref_slice %arg9[%dma_start3A_935, %dma_start3A_936, %dma_start3A_937] : memref<3x128x64xf32, #tpu.memory_space<vmem>> -> memref<1x64x64xf32, #tpu.memory_space<vmem>>
      %dma_start3A_939 = tpu.memref_squeeze %dma_start3A_938 : memref<1x64x64xf32, #tpu.memory_space<vmem>> -> memref<64x64xf32, #tpu.memory_space<vmem>>
      %dma_start3A_940 = arith.constant 64 : i32
      %dma_start3A_941 = tpu.memref_slice %arg7[%dma_start3A_934, %add3A_933, %dma_start3A_940] : memref<2x40x128xi32, #tpu.memory_space<vmem>> -> memref<1x1x64xi32, #tpu.memory_space<vmem>>
      %dma_start3A_942 = tpu.memref_squeeze %dma_start3A_941 : memref<1x1x64xi32, #tpu.memory_space<vmem>> -> memref<64xi32, #tpu.memory_space<vmem>>
      %dma_start3A_943 = arith.constant 0 : i32
      %dma_start3A_944 = arith.constant 0 : i32
      %dma_start3A_945 = tpu.memref_slice %arg10[%dma_start3A_943, %dma_start3A_944] : memref<10000x64xf32, #tpu.memory_space<vmem_shared>> -> memref<10000x64xf32, #tpu.memory_space<vmem_shared>>
      tpu.enqueue_indirect_dma source(%dma_start3A_945 : memref<10000x64xf32, #tpu.memory_space<vmem_shared>>) target(%dma_start3A_939 : memref<64x64xf32, #tpu.memory_space<vmem>>) offsets(%dma_start3A_942 : memref<64xi32, #tpu.memory_space<vmem>>) semaphore(%arg20 : memref<!tpu.dma_semaphore, #tpu.memory_space<semaphore_mem>>)
      %mul3A_946 = arith.constant 3 : i32
      %mul3A_947 = arith.muli %scan3A_794, %mul3A_946 : i32
      %add3A_948 = arith.constant 2 : i32
      %add3A_949 = arith.addi %mul3A_947, %add3A_948 : i32
      %dma_wait3A_950 = arith.constant 1 : i32
      %dma_wait3A_951 = arith.constant 2 : i32
      %dma_wait3A_952 = arith.constant 0 : i32
      %dma_wait3A_953 = arith.constant 0 : i32
      %dma_wait3A_954 = tpu.memref_slice %arg9[%dma_wait3A_951, %dma_wait3A_952, %dma_wait3A_953] : memref<3x128x64xf32, #tpu.memory_space<vmem>> -> memref<1x64x64xf32, #tpu.memory_space<vmem>>
      %dma_wait3A_955 = tpu.memref_squeeze %dma_wait3A_954 : memref<1x64x64xf32, #tpu.memory_space<vmem>> -> memref<64x64xf32, #tpu.memory_space<vmem>>
      %dma_wait3A_956 = arith.constant 0 : i32
      %dma_wait3A_957 = tpu.memref_slice %arg7[%dma_wait3A_950, %add3A_949, %dma_wait3A_956] : memref<2x40x128xi32, #tpu.memory_space<vmem>> -> memref<1x1x64xi32, #tpu.memory_space<vmem>>
      %dma_wait3A_958 = tpu.memref_squeeze %dma_wait3A_957 : memref<1x1x64xi32, #tpu.memory_space<vmem>> -> memref<64xi32, #tpu.memory_space<vmem>>
      %dma_wait3A_959 = arith.constant 0 : i32
      %dma_wait3A_960 = arith.constant 0 : i32
      %dma_wait3A_961 = tpu.memref_slice %arg10[%dma_wait3A_959, %dma_wait3A_960] : memref<10000x64xf32, #tpu.memory_space<vmem_shared>> -> memref<10000x64xf32, #tpu.memory_space<vmem_shared>>
      tpu.wait_indirect_dma semaphore(%arg14 : memref<!tpu.dma_semaphore, #tpu.memory_space<semaphore_mem>>) src(%dma_wait3A_961 : memref<10000x64xf32, #tpu.memory_space<vmem_shared>>) dst(%dma_wait3A_955 : memref<64x64xf32, #tpu.memory_space<vmem>>)
      %dma_wait3A_962 = arith.constant 1 : i32
      %dma_wait3A_963 = arith.constant 2 : i32
      %dma_wait3A_964 = arith.constant 64 : i32
      %dma_wait3A_965 = arith.constant 0 : i32
      %dma_wait3A_966 = tpu.memref_slice %arg9[%dma_wait3A_963, %dma_wait3A_964, %dma_wait3A_965] : memref<3x128x64xf32, #tpu.memory_space<vmem>> -> memref<1x64x64xf32, #tpu.memory_space<vmem>>
      %dma_wait3A_967 = tpu.memref_squeeze %dma_wait3A_966 : memref<1x64x64xf32, #tpu.memory_space<vmem>> -> memref<64x64xf32, #tpu.memory_space<vmem>>
      %dma_wait3A_968 = arith.constant 64 : i32
      %dma_wait3A_969 = tpu.memref_slice %arg7[%dma_wait3A_962, %add3A_949, %dma_wait3A_968] : memref<2x40x128xi32, #tpu.memory_space<vmem>> -> memref<1x1x64xi32, #tpu.memory_space<vmem>>
      %dma_wait3A_970 = tpu.memref_squeeze %dma_wait3A_969 : memref<1x1x64xi32, #tpu.memory_space<vmem>> -> memref<64xi32, #tpu.memory_space<vmem>>
      %dma_wait3A_971 = arith.constant 0 : i32
      %dma_wait3A_972 = arith.constant 0 : i32
      %dma_wait3A_973 = tpu.memref_slice %arg10[%dma_wait3A_971, %dma_wait3A_972] : memref<10000x64xf32, #tpu.memory_space<vmem_shared>> -> memref<10000x64xf32, #tpu.memory_space<vmem_shared>>
      tpu.wait_indirect_dma semaphore(%arg22 : memref<!tpu.dma_semaphore, #tpu.memory_space<semaphore_mem>>) src(%dma_wait3A_973 : memref<10000x64xf32, #tpu.memory_space<vmem_shared>>) dst(%dma_wait3A_967 : memref<64x64xf32, #tpu.memory_space<vmem>>)
      %dma_start3A_974 = arith.constant 2 : i32
      %dma_start3A_975 = arith.constant 1 : i32
      %dma_start3A_976 = arith.constant 0 : i32
      %dma_start3A_977 = arith.constant 0 : i32
      %dma_start3A_978 = tpu.memref_slice %arg9[%dma_start3A_974, %dma_start3A_976, %dma_start3A_977] : memref<3x128x64xf32, #tpu.memory_space<vmem>> -> memref<1x128x64xf32, #tpu.memory_space<vmem>>
      %dma_start3A_979 = tpu.memref_squeeze %dma_start3A_978 : memref<1x128x64xf32, #tpu.memory_space<vmem>> -> memref<128x64xf32, #tpu.memory_space<vmem>>
      %dma_start3A_980 = arith.constant 0 : i32
      %dma_start3A_981 = tpu.memref_slice %arg8[%dma_start3A_975, %add3A_949, %dma_start3A_980] : memref<2x40x128xi32, #tpu.memory_space<vmem>> -> memref<1x1x128xi32, #tpu.memory_space<vmem>>
      %dma_start3A_982 = tpu.memref_squeeze %dma_start3A_981 : memref<1x1x128xi32, #tpu.memory_space<vmem>> -> memref<128xi32, #tpu.memory_space<vmem>>
      %dma_start3A_983 = arith.constant 0 : i32
      %dma_start3A_984 = arith.constant 0 : i32
      %dma_start3A_985 = tpu.memref_slice %arg11[%dma_start3A_983, %dma_start3A_984] : memref<10256x64xf32, #tpu.memory_space<vmem_shared>> -> memref<10256x64xf32, #tpu.memory_space<vmem_shared>>
      tpu.enqueue_indirect_dma source(%dma_start3A_979 : memref<128x64xf32, #tpu.memory_space<vmem>>) target(%dma_start3A_985 : memref<10256x64xf32, #tpu.memory_space<vmem_shared>>) offsets(%dma_start3A_982 : memref<128xi32, #tpu.memory_space<vmem>>) semaphore(%arg17 : memref<!tpu.dma_semaphore, #tpu.memory_space<semaphore_mem>>) {add = true}
      %sub3A_986 = arith.constant 1 : i32
      %sub3A_987 = arith.subi %add3A_949, %sub3A_986 : i32
      %dma_wait3A_988 = arith.constant 1 : i32
      %dma_wait3A_989 = arith.constant 1 : i32
      %dma_wait3A_990 = arith.constant 0 : i32
      %dma_wait3A_991 = arith.constant 0 : i32
      %dma_wait3A_992 = tpu.memref_slice %arg9[%dma_wait3A_988, %dma_wait3A_990, %dma_wait3A_991] : memref<3x128x64xf32, #tpu.memory_space<vmem>> -> memref<1x128x64xf32, #tpu.memory_space<vmem>>
      %dma_wait3A_993 = tpu.memref_squeeze %dma_wait3A_992 : memref<1x128x64xf32, #tpu.memory_space<vmem>> -> memref<128x64xf32, #tpu.memory_space<vmem>>
      %dma_wait3A_994 = arith.constant 0 : i32
      %dma_wait3A_995 = tpu.memref_slice %arg8[%dma_wait3A_989, %sub3A_987, %dma_wait3A_994] : memref<2x40x128xi32, #tpu.memory_space<vmem>> -> memref<1x1x128xi32, #tpu.memory_space<vmem>>
      %dma_wait3A_996 = tpu.memref_squeeze %dma_wait3A_995 : memref<1x1x128xi32, #tpu.memory_space<vmem>> -> memref<128xi32, #tpu.memory_space<vmem>>
      %dma_wait3A_997 = arith.constant 0 : i32
      %dma_wait3A_998 = arith.constant 0 : i32
      %dma_wait3A_999 = tpu.memref_slice %arg11[%dma_wait3A_997, %dma_wait3A_998] : memref<10256x64xf32, #tpu.memory_space<vmem_shared>> -> memref<10256x64xf32, #tpu.memory_space<vmem_shared>>
      tpu.wait_indirect_dma semaphore(%arg16 : memref<!tpu.dma_semaphore, #tpu.memory_space<semaphore_mem>>) src(%dma_wait3A_993 : memref<128x64xf32, #tpu.memory_space<vmem>>) dst(%dma_wait3A_999 : memref<10256x64xf32, #tpu.memory_space<vmem_shared>>)
      %lt3A_1000 = arith.constant 12 : i32
      %lt3A_1001 = arith.cmpi slt, %scan3A_794, %lt3A_1000 : i32
      %convert_element_type3A_1002 = arith.extui %lt3A_1001 : i1 to i32
      %cond3A_1003 = arith.constant 0 : i32
      %cond3A_1004 = arith.cmpi ne, %convert_element_type3A_1002, %cond3A_1003 : i32
      scf.if %cond3A_1004 {
        %add3A_1005 = arith.constant 2 : i32
        %add3A_1006 = arith.addi %add3A_949, %add3A_1005 : i32
        %dma_start3A_1007 = arith.constant 1 : i32
        %dma_start3A_1008 = arith.constant 1 : i32
        %dma_start3A_1009 = arith.constant 0 : i32
        %dma_start3A_1010 = arith.constant 0 : i32
        %dma_start3A_1011 = tpu.memref_slice %arg9[%dma_start3A_1008, %dma_start3A_1009, %dma_start3A_1010] : memref<3x128x64xf32, #tpu.memory_space<vmem>> -> memref<1x64x64xf32, #tpu.memory_space<vmem>>
        %dma_start3A_1012 = tpu.memref_squeeze %dma_start3A_1011 : memref<1x64x64xf32, #tpu.memory_space<vmem>> -> memref<64x64xf32, #tpu.memory_space<vmem>>
        %dma_start3A_1013 = arith.constant 0 : i32
        %dma_start3A_1014 = tpu.memref_slice %arg7[%dma_start3A_1007, %add3A_1006, %dma_start3A_1013] : memref<2x40x128xi32, #tpu.memory_space<vmem>> -> memref<1x1x64xi32, #tpu.memory_space<vmem>>
        %dma_start3A_1015 = tpu.memref_squeeze %dma_start3A_1014 : memref<1x1x64xi32, #tpu.memory_space<vmem>> -> memref<64xi32, #tpu.memory_space<vmem>>
        %dma_start3A_1016 = arith.constant 0 : i32
        %dma_start3A_1017 = arith.constant 0 : i32
        %dma_start3A_1018 = tpu.memref_slice %arg10[%dma_start3A_1016, %dma_start3A_1017] : memref<10000x64xf32, #tpu.memory_space<vmem_shared>> -> memref<10000x64xf32, #tpu.memory_space<vmem_shared>>
        tpu.enqueue_indirect_dma source(%dma_start3A_1018 : memref<10000x64xf32, #tpu.memory_space<vmem_shared>>) target(%dma_start3A_1012 : memref<64x64xf32, #tpu.memory_space<vmem>>) offsets(%dma_start3A_1015 : memref<64xi32, #tpu.memory_space<vmem>>) semaphore(%arg13 : memref<!tpu.dma_semaphore, #tpu.memory_space<semaphore_mem>>)
        %add3A_1019 = arith.constant 2 : i32
        %add3A_1020 = arith.addi %add3A_949, %add3A_1019 : i32
        %dma_start3A_1021 = arith.constant 1 : i32
        %dma_start3A_1022 = arith.constant 1 : i32
        %dma_start3A_1023 = arith.constant 64 : i32
        %dma_start3A_1024 = arith.constant 0 : i32
        %dma_start3A_1025 = tpu.memref_slice %arg9[%dma_start3A_1022, %dma_start3A_1023, %dma_start3A_1024] : memref<3x128x64xf32, #tpu.memory_space<vmem>> -> memref<1x64x64xf32, #tpu.memory_space<vmem>>
        %dma_start3A_1026 = tpu.memref_squeeze %dma_start3A_1025 : memref<1x64x64xf32, #tpu.memory_space<vmem>> -> memref<64x64xf32, #tpu.memory_space<vmem>>
        %dma_start3A_1027 = arith.constant 64 : i32
        %dma_start3A_1028 = tpu.memref_slice %arg7[%dma_start3A_1021, %add3A_1020, %dma_start3A_1027] : memref<2x40x128xi32, #tpu.memory_space<vmem>> -> memref<1x1x64xi32, #tpu.memory_space<vmem>>
        %dma_start3A_1029 = tpu.memref_squeeze %dma_start3A_1028 : memref<1x1x64xi32, #tpu.memory_space<vmem>> -> memref<64xi32, #tpu.memory_space<vmem>>
        %dma_start3A_1030 = arith.constant 0 : i32
        %dma_start3A_1031 = arith.constant 0 : i32
        %dma_start3A_1032 = tpu.memref_slice %arg10[%dma_start3A_1030, %dma_start3A_1031] : memref<10000x64xf32, #tpu.memory_space<vmem_shared>> -> memref<10000x64xf32, #tpu.memory_space<vmem_shared>>
        tpu.enqueue_indirect_dma source(%dma_start3A_1032 : memref<10000x64xf32, #tpu.memory_space<vmem_shared>>) target(%dma_start3A_1026 : memref<64x64xf32, #tpu.memory_space<vmem>>) offsets(%dma_start3A_1029 : memref<64xi32, #tpu.memory_space<vmem>>) semaphore(%arg21 : memref<!tpu.dma_semaphore, #tpu.memory_space<semaphore_mem>>)
      } else {
      }
    }
    %scan3A_363 = arith.constant 13 : i32
    %dma_wait3A_364 = arith.constant 1 : i32
    %dma_wait3A_365 = arith.constant 39 : i32
    %dma_wait3A_366 = arith.constant 0 : i32
    %dma_wait3A_367 = arith.constant 0 : i32
    %dma_wait3A_368 = arith.constant 0 : i32
    %dma_wait3A_369 = tpu.memref_slice %arg9[%dma_wait3A_366, %dma_wait3A_367, %dma_wait3A_368] : memref<3x128x64xf32, #tpu.memory_space<vmem>> -> memref<1x64x64xf32, #tpu.memory_space<vmem>>
    %dma_wait3A_370 = tpu.memref_squeeze %dma_wait3A_369 : memref<1x64x64xf32, #tpu.memory_space<vmem>> -> memref<64x64xf32, #tpu.memory_space<vmem>>
    %dma_wait3A_371 = arith.constant 0 : i32
    %dma_wait3A_372 = tpu.memref_slice %arg7[%dma_wait3A_364, %dma_wait3A_365, %dma_wait3A_371] : memref<2x40x128xi32, #tpu.memory_space<vmem>> -> memref<1x1x64xi32, #tpu.memory_space<vmem>>
    %dma_wait3A_373 = tpu.memref_squeeze %dma_wait3A_372 : memref<1x1x64xi32, #tpu.memory_space<vmem>> -> memref<64xi32, #tpu.memory_space<vmem>>
    %dma_wait3A_374 = arith.constant 0 : i32
    %dma_wait3A_375 = arith.constant 0 : i32
    %dma_wait3A_376 = tpu.memref_slice %arg10[%dma_wait3A_374, %dma_wait3A_375] : memref<10000x64xf32, #tpu.memory_space<vmem_shared>> -> memref<10000x64xf32, #tpu.memory_space<vmem_shared>>
    tpu.wait_indirect_dma semaphore(%arg12 : memref<!tpu.dma_semaphore, #tpu.memory_space<semaphore_mem>>) src(%dma_wait3A_376 : memref<10000x64xf32, #tpu.memory_space<vmem_shared>>) dst(%dma_wait3A_370 : memref<64x64xf32, #tpu.memory_space<vmem>>)
    %dma_wait3A_377 = arith.constant 1 : i32
    %dma_wait3A_378 = arith.constant 39 : i32
    %dma_wait3A_379 = arith.constant 0 : i32
    %dma_wait3A_380 = arith.constant 64 : i32
    %dma_wait3A_381 = arith.constant 0 : i32
    %dma_wait3A_382 = tpu.memref_slice %arg9[%dma_wait3A_379, %dma_wait3A_380, %dma_wait3A_381] : memref<3x128x64xf32, #tpu.memory_space<vmem>> -> memref<1x64x64xf32, #tpu.memory_space<vmem>>
    %dma_wait3A_383 = tpu.memref_squeeze %dma_wait3A_382 : memref<1x64x64xf32, #tpu.memory_space<vmem>> -> memref<64x64xf32, #tpu.memory_space<vmem>>
    %dma_wait3A_384 = arith.constant 64 : i32
    %dma_wait3A_385 = tpu.memref_slice %arg7[%dma_wait3A_377, %dma_wait3A_378, %dma_wait3A_384] : memref<2x40x128xi32, #tpu.memory_space<vmem>> -> memref<1x1x64xi32, #tpu.memory_space<vmem>>
    %dma_wait3A_386 = tpu.memref_squeeze %dma_wait3A_385 : memref<1x1x64xi32, #tpu.memory_space<vmem>> -> memref<64xi32, #tpu.memory_space<vmem>>
    %dma_wait3A_387 = arith.constant 0 : i32
    %dma_wait3A_388 = arith.constant 0 : i32
    %dma_wait3A_389 = tpu.memref_slice %arg10[%dma_wait3A_387, %dma_wait3A_388] : memref<10000x64xf32, #tpu.memory_space<vmem_shared>> -> memref<10000x64xf32, #tpu.memory_space<vmem_shared>>
    tpu.wait_indirect_dma semaphore(%arg20 : memref<!tpu.dma_semaphore, #tpu.memory_space<semaphore_mem>>) src(%dma_wait3A_389 : memref<10000x64xf32, #tpu.memory_space<vmem_shared>>) dst(%dma_wait3A_383 : memref<64x64xf32, #tpu.memory_space<vmem>>)
    %dma_start3A_390 = arith.constant 0 : i32
    %dma_start3A_391 = arith.constant 1 : i32
    %dma_start3A_392 = arith.constant 39 : i32
    %dma_start3A_393 = arith.constant 0 : i32
    %dma_start3A_394 = arith.constant 0 : i32
    %dma_start3A_395 = tpu.memref_slice %arg9[%dma_start3A_390, %dma_start3A_393, %dma_start3A_394] : memref<3x128x64xf32, #tpu.memory_space<vmem>> -> memref<1x128x64xf32, #tpu.memory_space<vmem>>
    %dma_start3A_396 = tpu.memref_squeeze %dma_start3A_395 : memref<1x128x64xf32, #tpu.memory_space<vmem>> -> memref<128x64xf32, #tpu.memory_space<vmem>>
    %dma_start3A_397 = arith.constant 0 : i32
    %dma_start3A_398 = tpu.memref_slice %arg8[%dma_start3A_391, %dma_start3A_392, %dma_start3A_397] : memref<2x40x128xi32, #tpu.memory_space<vmem>> -> memref<1x1x128xi32, #tpu.memory_space<vmem>>
    %dma_start3A_399 = tpu.memref_squeeze %dma_start3A_398 : memref<1x1x128xi32, #tpu.memory_space<vmem>> -> memref<128xi32, #tpu.memory_space<vmem>>
    %dma_start3A_400 = arith.constant 0 : i32
    %dma_start3A_401 = arith.constant 0 : i32
    %dma_start3A_402 = tpu.memref_slice %arg11[%dma_start3A_400, %dma_start3A_401] : memref<10256x64xf32, #tpu.memory_space<vmem_shared>> -> memref<10256x64xf32, #tpu.memory_space<vmem_shared>>
    tpu.enqueue_indirect_dma source(%dma_start3A_396 : memref<128x64xf32, #tpu.memory_space<vmem>>) target(%dma_start3A_402 : memref<10256x64xf32, #tpu.memory_space<vmem_shared>>) offsets(%dma_start3A_399 : memref<128xi32, #tpu.memory_space<vmem>>) semaphore(%arg15 : memref<!tpu.dma_semaphore, #tpu.memory_space<semaphore_mem>>) {add = true}
    %dma_wait3A_403 = arith.constant 2 : i32
    %dma_wait3A_404 = arith.constant 1 : i32
    %dma_wait3A_405 = arith.constant 38 : i32
    %dma_wait3A_406 = arith.constant 0 : i32
    %dma_wait3A_407 = arith.constant 0 : i32
    %dma_wait3A_408 = tpu.memref_slice %arg9[%dma_wait3A_403, %dma_wait3A_406, %dma_wait3A_407] : memref<3x128x64xf32, #tpu.memory_space<vmem>> -> memref<1x128x64xf32, #tpu.memory_space<vmem>>
    %dma_wait3A_409 = tpu.memref_squeeze %dma_wait3A_408 : memref<1x128x64xf32, #tpu.memory_space<vmem>> -> memref<128x64xf32, #tpu.memory_space<vmem>>
    %dma_wait3A_410 = arith.constant 0 : i32
    %dma_wait3A_411 = tpu.memref_slice %arg8[%dma_wait3A_404, %dma_wait3A_405, %dma_wait3A_410] : memref<2x40x128xi32, #tpu.memory_space<vmem>> -> memref<1x1x128xi32, #tpu.memory_space<vmem>>
    %dma_wait3A_412 = tpu.memref_squeeze %dma_wait3A_411 : memref<1x1x128xi32, #tpu.memory_space<vmem>> -> memref<128xi32, #tpu.memory_space<vmem>>
    %dma_wait3A_413 = arith.constant 0 : i32
    %dma_wait3A_414 = arith.constant 0 : i32
    %dma_wait3A_415 = tpu.memref_slice %arg11[%dma_wait3A_413, %dma_wait3A_414] : memref<10256x64xf32, #tpu.memory_space<vmem_shared>> -> memref<10256x64xf32, #tpu.memory_space<vmem_shared>>
    tpu.wait_indirect_dma semaphore(%arg17 : memref<!tpu.dma_semaphore, #tpu.memory_space<semaphore_mem>>) src(%dma_wait3A_409 : memref<128x64xf32, #tpu.memory_space<vmem>>) dst(%dma_wait3A_415 : memref<10256x64xf32, #tpu.memory_space<vmem_shared>>)
    %dma_wait3A_416 = arith.constant 0 : i32
    %dma_wait3A_417 = arith.constant 1 : i32
    %dma_wait3A_418 = arith.constant 39 : i32
    %dma_wait3A_419 = arith.constant 0 : i32
    %dma_wait3A_420 = arith.constant 0 : i32
    %dma_wait3A_421 = tpu.memref_slice %arg9[%dma_wait3A_416, %dma_wait3A_419, %dma_wait3A_420] : memref<3x128x64xf32, #tpu.memory_space<vmem>> -> memref<1x128x64xf32, #tpu.memory_space<vmem>>
    %dma_wait3A_422 = tpu.memref_squeeze %dma_wait3A_421 : memref<1x128x64xf32, #tpu.memory_space<vmem>> -> memref<128x64xf32, #tpu.memory_space<vmem>>
    %dma_wait3A_423 = arith.constant 0 : i32
    %dma_wait3A_424 = tpu.memref_slice %arg8[%dma_wait3A_417, %dma_wait3A_418, %dma_wait3A_423] : memref<2x40x128xi32, #tpu.memory_space<vmem>> -> memref<1x1x128xi32, #tpu.memory_space<vmem>>
    %dma_wait3A_425 = tpu.memref_squeeze %dma_wait3A_424 : memref<1x1x128xi32, #tpu.memory_space<vmem>> -> memref<128xi32, #tpu.memory_space<vmem>>
    %dma_wait3A_426 = arith.constant 0 : i32
    %dma_wait3A_427 = arith.constant 0 : i32
    %dma_wait3A_428 = tpu.memref_slice %arg11[%dma_wait3A_426, %dma_wait3A_427] : memref<10256x64xf32, #tpu.memory_space<vmem_shared>> -> memref<10256x64xf32, #tpu.memory_space<vmem_shared>>
    tpu.wait_indirect_dma semaphore(%arg15 : memref<!tpu.dma_semaphore, #tpu.memory_space<semaphore_mem>>) src(%dma_wait3A_422 : memref<128x64xf32, #tpu.memory_space<vmem>>) dst(%dma_wait3A_428 : memref<10256x64xf32, #tpu.memory_space<vmem_shared>>)
    %dma_start3A_429 = arith.constant 3 : i32
    %dma_start3A_430 = arith.constant 1 : i32
    %dma_start3A_431 = arith.constant 0 : i32
    %dma_start3A_432 = arith.constant 0 : i32
    %dma_start3A_433 = tpu.memref_slice %arg7[%dma_start3A_430, %dma_start3A_431, %dma_start3A_432] : memref<2x40x128xi32, #tpu.memory_space<vmem>> -> memref<1x40x128xi32, #tpu.memory_space<vmem>>
    %dma_start3A_434 = tpu.memref_squeeze %dma_start3A_433 : memref<1x40x128xi32, #tpu.memory_space<vmem>> -> memref<40x128xi32, #tpu.memory_space<vmem>>
    %dma_start3A_435 = arith.constant 0 : i32
    %dma_start3A_436 = arith.constant 0 : i32
    %dma_start3A_437 = tpu.memref_slice %arg3[%dma_start3A_429, %dma_start3A_435, %arg1, %dma_start3A_436] : memref<4x40x16x128xi32, #tpu.memory_space<hbm>> -> memref<1x40x1x128xi32, #tpu.memory_space<hbm>>
    %dma_start3A_438 = tpu.memref_squeeze %dma_start3A_437 : memref<1x40x1x128xi32, #tpu.memory_space<hbm>> -> memref<40x128xi32, #tpu.memory_space<hbm>>
    %dma_start3A_439 = arith.constant 0 : i32
    %dma_start3A_440 = arith.constant 0 : i32
    %dma_start3A_441 = tpu.memref_slice %arg7[%dma_start3A_430, %dma_start3A_439, %dma_start3A_440] : memref<2x40x128xi32, #tpu.memory_space<vmem>> -> memref<1x40x128xi32, #tpu.memory_space<vmem>>
    %dma_start3A_442 = tpu.memref_squeeze %dma_start3A_441 : memref<1x40x128xi32, #tpu.memory_space<vmem>> -> memref<40x128xi32, #tpu.memory_space<vmem>>
    %dma_start3A_443 = arith.constant 0 : i32
    %dma_start3A_444 = arith.constant 0 : i32
    %dma_start3A_445 = tpu.memref_slice %arg3[%dma_start3A_429, %dma_start3A_443, %arg1, %dma_start3A_444] : memref<4x40x16x128xi32, #tpu.memory_space<hbm>> -> memref<1x40x1x128xi32, #tpu.memory_space<hbm>>
    %dma_start3A_446 = tpu.memref_squeeze %dma_start3A_445 : memref<1x40x1x128xi32, #tpu.memory_space<hbm>> -> memref<40x128xi32, #tpu.memory_space<hbm>>
    tpu.enqueue_dma source(%dma_start3A_446 : memref<40x128xi32, #tpu.memory_space<hbm>>) target(%dma_start3A_442 : memref<40x128xi32, #tpu.memory_space<vmem>>) target_semaphore(%arg19 : memref<!tpu.dma_semaphore, #tpu.memory_space<semaphore_mem>>)
    %dma_start3A_447 = arith.constant 3 : i32
    %dma_start3A_448 = arith.constant 1 : i32
    %dma_start3A_449 = arith.constant 0 : i32
    %dma_start3A_450 = arith.constant 0 : i32
    %dma_start3A_451 = tpu.memref_slice %arg8[%dma_start3A_448, %dma_start3A_449, %dma_start3A_450] : memref<2x40x128xi32, #tpu.memory_space<vmem>> -> memref<1x40x128xi32, #tpu.memory_space<vmem>>
    %dma_start3A_452 = tpu.memref_squeeze %dma_start3A_451 : memref<1x40x128xi32, #tpu.memory_space<vmem>> -> memref<40x128xi32, #tpu.memory_space<vmem>>
    %dma_start3A_453 = arith.constant 0 : i32
    %dma_start3A_454 = arith.constant 0 : i32
    %dma_start3A_455 = tpu.memref_slice %arg4[%dma_start3A_447, %dma_start3A_453, %arg1, %dma_start3A_454] : memref<4x40x16x128xi32, #tpu.memory_space<hbm>> -> memref<1x40x1x128xi32, #tpu.memory_space<hbm>>
    %dma_start3A_456 = tpu.memref_squeeze %dma_start3A_455 : memref<1x40x1x128xi32, #tpu.memory_space<hbm>> -> memref<40x128xi32, #tpu.memory_space<hbm>>
    %dma_start3A_457 = arith.constant 0 : i32
    %dma_start3A_458 = arith.constant 0 : i32
    %dma_start3A_459 = tpu.memref_slice %arg8[%dma_start3A_448, %dma_start3A_457, %dma_start3A_458] : memref<2x40x128xi32, #tpu.memory_space<vmem>> -> memref<1x40x128xi32, #tpu.memory_space<vmem>>
    %dma_start3A_460 = tpu.memref_squeeze %dma_start3A_459 : memref<1x40x128xi32, #tpu.memory_space<vmem>> -> memref<40x128xi32, #tpu.memory_space<vmem>>
    %dma_start3A_461 = arith.constant 0 : i32
    %dma_start3A_462 = arith.constant 0 : i32
    %dma_start3A_463 = tpu.memref_slice %arg4[%dma_start3A_447, %dma_start3A_461, %arg1, %dma_start3A_462] : memref<4x40x16x128xi32, #tpu.memory_space<hbm>> -> memref<1x40x1x128xi32, #tpu.memory_space<hbm>>
    %dma_start3A_464 = tpu.memref_squeeze %dma_start3A_463 : memref<1x40x1x128xi32, #tpu.memory_space<hbm>> -> memref<40x128xi32, #tpu.memory_space<hbm>>
    tpu.enqueue_dma source(%dma_start3A_464 : memref<40x128xi32, #tpu.memory_space<hbm>>) target(%dma_start3A_460 : memref<40x128xi32, #tpu.memory_space<vmem>>) target_semaphore(%arg19 : memref<!tpu.dma_semaphore, #tpu.memory_space<semaphore_mem>>)
    %dma_wait3A_465 = arith.constant 2 : i32
    %dma_wait3A_466 = arith.constant 0 : i32
    %dma_wait3A_467 = arith.constant 0 : i32
    %dma_wait3A_468 = arith.constant 0 : i32
    %dma_wait3A_469 = tpu.memref_slice %arg7[%dma_wait3A_466, %dma_wait3A_467, %dma_wait3A_468] : memref<2x40x128xi32, #tpu.memory_space<vmem>> -> memref<1x40x128xi32, #tpu.memory_space<vmem>>
    %dma_wait3A_470 = tpu.memref_squeeze %dma_wait3A_469 : memref<1x40x128xi32, #tpu.memory_space<vmem>> -> memref<40x128xi32, #tpu.memory_space<vmem>>
    %dma_wait3A_471 = arith.constant 0 : i32
    %dma_wait3A_472 = arith.constant 0 : i32
    %dma_wait3A_473 = tpu.memref_slice %arg3[%dma_wait3A_465, %dma_wait3A_471, %arg1, %dma_wait3A_472] : memref<4x40x16x128xi32, #tpu.memory_space<hbm>> -> memref<1x40x1x128xi32, #tpu.memory_space<hbm>>
    %dma_wait3A_474 = tpu.memref_squeeze %dma_wait3A_473 : memref<1x40x1x128xi32, #tpu.memory_space<hbm>> -> memref<40x128xi32, #tpu.memory_space<hbm>>
    %dma_wait3A_475 = arith.constant 0 : i32
    %dma_wait3A_476 = arith.constant 0 : i32
    %dma_wait3A_477 = tpu.memref_slice %arg7[%dma_wait3A_466, %dma_wait3A_475, %dma_wait3A_476] : memref<2x40x128xi32, #tpu.memory_space<vmem>> -> memref<1x40x128xi32, #tpu.memory_space<vmem>>
    %dma_wait3A_478 = tpu.memref_squeeze %dma_wait3A_477 : memref<1x40x128xi32, #tpu.memory_space<vmem>> -> memref<40x128xi32, #tpu.memory_space<vmem>>
    %dma_wait3A_479 = arith.constant 0 : i32
    %dma_wait3A_480 = arith.constant 0 : i32
    %dma_wait3A_481 = tpu.memref_slice %arg3[%dma_wait3A_465, %dma_wait3A_479, %arg1, %dma_wait3A_480] : memref<4x40x16x128xi32, #tpu.memory_space<hbm>> -> memref<1x40x1x128xi32, #tpu.memory_space<hbm>>
    %dma_wait3A_482 = tpu.memref_squeeze %dma_wait3A_481 : memref<1x40x1x128xi32, #tpu.memory_space<hbm>> -> memref<40x128xi32, #tpu.memory_space<hbm>>
    tpu.wait_dma2 semaphore(%arg18 : memref<!tpu.dma_semaphore, #tpu.memory_space<semaphore_mem>>) src(%dma_wait3A_482 : memref<40x128xi32, #tpu.memory_space<hbm>>) dst(%dma_wait3A_478 : memref<40x128xi32, #tpu.memory_space<vmem>>)
    %dma_wait3A_483 = arith.constant 2 : i32
    %dma_wait3A_484 = arith.constant 0 : i32
    %dma_wait3A_485 = arith.constant 0 : i32
    %dma_wait3A_486 = arith.constant 0 : i32
    %dma_wait3A_487 = tpu.memref_slice %arg8[%dma_wait3A_484, %dma_wait3A_485, %dma_wait3A_486] : memref<2x40x128xi32, #tpu.memory_space<vmem>> -> memref<1x40x128xi32, #tpu.memory_space<vmem>>
    %dma_wait3A_488 = tpu.memref_squeeze %dma_wait3A_487 : memref<1x40x128xi32, #tpu.memory_space<vmem>> -> memref<40x128xi32, #tpu.memory_space<vmem>>
    %dma_wait3A_489 = arith.constant 0 : i32
    %dma_wait3A_490 = arith.constant 0 : i32
    %dma_wait3A_491 = tpu.memref_slice %arg4[%dma_wait3A_483, %dma_wait3A_489, %arg1, %dma_wait3A_490] : memref<4x40x16x128xi32, #tpu.memory_space<hbm>> -> memref<1x40x1x128xi32, #tpu.memory_space<hbm>>
    %dma_wait3A_492 = tpu.memref_squeeze %dma_wait3A_491 : memref<1x40x1x128xi32, #tpu.memory_space<hbm>> -> memref<40x128xi32, #tpu.memory_space<hbm>>
    %dma_wait3A_493 = arith.constant 0 : i32
    %dma_wait3A_494 = arith.constant 0 : i32
    %dma_wait3A_495 = tpu.memref_slice %arg8[%dma_wait3A_484, %dma_wait3A_493, %dma_wait3A_494] : memref<2x40x128xi32, #tpu.memory_space<vmem>> -> memref<1x40x128xi32, #tpu.memory_space<vmem>>
    %dma_wait3A_496 = tpu.memref_squeeze %dma_wait3A_495 : memref<1x40x128xi32, #tpu.memory_space<vmem>> -> memref<40x128xi32, #tpu.memory_space<vmem>>
    %dma_wait3A_497 = arith.constant 0 : i32
    %dma_wait3A_498 = arith.constant 0 : i32
    %dma_wait3A_499 = tpu.memref_slice %arg4[%dma_wait3A_483, %dma_wait3A_497, %arg1, %dma_wait3A_498] : memref<4x40x16x128xi32, #tpu.memory_space<hbm>> -> memref<1x40x1x128xi32, #tpu.memory_space<hbm>>
    %dma_wait3A_500 = tpu.memref_squeeze %dma_wait3A_499 : memref<1x40x1x128xi32, #tpu.memory_space<hbm>> -> memref<40x128xi32, #tpu.memory_space<hbm>>
    tpu.wait_dma2 semaphore(%arg18 : memref<!tpu.dma_semaphore, #tpu.memory_space<semaphore_mem>>) src(%dma_wait3A_500 : memref<40x128xi32, #tpu.memory_space<hbm>>) dst(%dma_wait3A_496 : memref<40x128xi32, #tpu.memory_space<vmem>>)
    %dma_start3A_501 = arith.constant 0 : i32
    %dma_start3A_502 = arith.constant 0 : i32
    %dma_start3A_503 = arith.constant 0 : i32
    %dma_start3A_504 = arith.constant 0 : i32
    %dma_start3A_505 = arith.constant 0 : i32
    %dma_start3A_506 = tpu.memref_slice %arg9[%dma_start3A_503, %dma_start3A_504, %dma_start3A_505] : memref<3x128x64xf32, #tpu.memory_space<vmem>> -> memref<1x64x64xf32, #tpu.memory_space<vmem>>
    %dma_start3A_507 = tpu.memref_squeeze %dma_start3A_506 : memref<1x64x64xf32, #tpu.memory_space<vmem>> -> memref<64x64xf32, #tpu.memory_space<vmem>>
    %dma_start3A_508 = arith.constant 0 : i32
    %dma_start3A_509 = tpu.memref_slice %arg7[%dma_start3A_501, %dma_start3A_502, %dma_start3A_508] : memref<2x40x128xi32, #tpu.memory_space<vmem>> -> memref<1x1x64xi32, #tpu.memory_space<vmem>>
    %dma_start3A_510 = tpu.memref_squeeze %dma_start3A_509 : memref<1x1x64xi32, #tpu.memory_space<vmem>> -> memref<64xi32, #tpu.memory_space<vmem>>
    %dma_start3A_511 = arith.constant 0 : i32
    %dma_start3A_512 = arith.constant 0 : i32
    %dma_start3A_513 = tpu.memref_slice %arg10[%dma_start3A_511, %dma_start3A_512] : memref<10000x64xf32, #tpu.memory_space<vmem_shared>> -> memref<10000x64xf32, #tpu.memory_space<vmem_shared>>
    tpu.enqueue_indirect_dma source(%dma_start3A_513 : memref<10000x64xf32, #tpu.memory_space<vmem_shared>>) target(%dma_start3A_507 : memref<64x64xf32, #tpu.memory_space<vmem>>) offsets(%dma_start3A_510 : memref<64xi32, #tpu.memory_space<vmem>>) semaphore(%arg12 : memref<!tpu.dma_semaphore, #tpu.memory_space<semaphore_mem>>)
    %dma_start3A_514 = arith.constant 0 : i32
    %dma_start3A_515 = arith.constant 0 : i32
    %dma_start3A_516 = arith.constant 0 : i32
    %dma_start3A_517 = arith.constant 64 : i32
    %dma_start3A_518 = arith.constant 0 : i32
    %dma_start3A_519 = tpu.memref_slice %arg9[%dma_start3A_516, %dma_start3A_517, %dma_start3A_518] : memref<3x128x64xf32, #tpu.memory_space<vmem>> -> memref<1x64x64xf32, #tpu.memory_space<vmem>>
    %dma_start3A_520 = tpu.memref_squeeze %dma_start3A_519 : memref<1x64x64xf32, #tpu.memory_space<vmem>> -> memref<64x64xf32, #tpu.memory_space<vmem>>
    %dma_start3A_521 = arith.constant 64 : i32
    %dma_start3A_522 = tpu.memref_slice %arg7[%dma_start3A_514, %dma_start3A_515, %dma_start3A_521] : memref<2x40x128xi32, #tpu.memory_space<vmem>> -> memref<1x1x64xi32, #tpu.memory_space<vmem>>
    %dma_start3A_523 = tpu.memref_squeeze %dma_start3A_522 : memref<1x1x64xi32, #tpu.memory_space<vmem>> -> memref<64xi32, #tpu.memory_space<vmem>>
    %dma_start3A_524 = arith.constant 0 : i32
    %dma_start3A_525 = arith.constant 0 : i32
    %dma_start3A_526 = tpu.memref_slice %arg10[%dma_start3A_524, %dma_start3A_525] : memref<10000x64xf32, #tpu.memory_space<vmem_shared>> -> memref<10000x64xf32, #tpu.memory_space<vmem_shared>>
    tpu.enqueue_indirect_dma source(%dma_start3A_526 : memref<10000x64xf32, #tpu.memory_space<vmem_shared>>) target(%dma_start3A_520 : memref<64x64xf32, #tpu.memory_space<vmem>>) offsets(%dma_start3A_523 : memref<64xi32, #tpu.memory_space<vmem>>) semaphore(%arg20 : memref<!tpu.dma_semaphore, #tpu.memory_space<semaphore_mem>>)
    %dma_start3A_527 = arith.constant 0 : i32
    %dma_start3A_528 = arith.constant 1 : i32
    %dma_start3A_529 = arith.constant 1 : i32
    %dma_start3A_530 = arith.constant 0 : i32
    %dma_start3A_531 = arith.constant 0 : i32
    %dma_start3A_532 = tpu.memref_slice %arg9[%dma_start3A_529, %dma_start3A_530, %dma_start3A_531] : memref<3x128x64xf32, #tpu.memory_space<vmem>> -> memref<1x64x64xf32, #tpu.memory_space<vmem>>
    %dma_start3A_533 = tpu.memref_squeeze %dma_start3A_532 : memref<1x64x64xf32, #tpu.memory_space<vmem>> -> memref<64x64xf32, #tpu.memory_space<vmem>>
    %dma_start3A_534 = arith.constant 0 : i32
    %dma_start3A_535 = tpu.memref_slice %arg7[%dma_start3A_527, %dma_start3A_528, %dma_start3A_534] : memref<2x40x128xi32, #tpu.memory_space<vmem>> -> memref<1x1x64xi32, #tpu.memory_space<vmem>>
    %dma_start3A_536 = tpu.memref_squeeze %dma_start3A_535 : memref<1x1x64xi32, #tpu.memory_space<vmem>> -> memref<64xi32, #tpu.memory_space<vmem>>
    %dma_start3A_537 = arith.constant 0 : i32
    %dma_start3A_538 = arith.constant 0 : i32
    %dma_start3A_539 = tpu.memref_slice %arg10[%dma_start3A_537, %dma_start3A_538] : memref<10000x64xf32, #tpu.memory_space<vmem_shared>> -> memref<10000x64xf32, #tpu.memory_space<vmem_shared>>
    tpu.enqueue_indirect_dma source(%dma_start3A_539 : memref<10000x64xf32, #tpu.memory_space<vmem_shared>>) target(%dma_start3A_533 : memref<64x64xf32, #tpu.memory_space<vmem>>) offsets(%dma_start3A_536 : memref<64xi32, #tpu.memory_space<vmem>>) semaphore(%arg13 : memref<!tpu.dma_semaphore, #tpu.memory_space<semaphore_mem>>)
    %dma_start3A_540 = arith.constant 0 : i32
    %dma_start3A_541 = arith.constant 1 : i32
    %dma_start3A_542 = arith.constant 1 : i32
    %dma_start3A_543 = arith.constant 64 : i32
    %dma_start3A_544 = arith.constant 0 : i32
    %dma_start3A_545 = tpu.memref_slice %arg9[%dma_start3A_542, %dma_start3A_543, %dma_start3A_544] : memref<3x128x64xf32, #tpu.memory_space<vmem>> -> memref<1x64x64xf32, #tpu.memory_space<vmem>>
    %dma_start3A_546 = tpu.memref_squeeze %dma_start3A_545 : memref<1x64x64xf32, #tpu.memory_space<vmem>> -> memref<64x64xf32, #tpu.memory_space<vmem>>
    %dma_start3A_547 = arith.constant 64 : i32
    %dma_start3A_548 = tpu.memref_slice %arg7[%dma_start3A_540, %dma_start3A_541, %dma_start3A_547] : memref<2x40x128xi32, #tpu.memory_space<vmem>> -> memref<1x1x64xi32, #tpu.memory_space<vmem>>
    %dma_start3A_549 = tpu.memref_squeeze %dma_start3A_548 : memref<1x1x64xi32, #tpu.memory_space<vmem>> -> memref<64xi32, #tpu.memory_space<vmem>>
    %dma_start3A_550 = arith.constant 0 : i32
    %dma_start3A_551 = arith.constant 0 : i32
    %dma_start3A_552 = tpu.memref_slice %arg10[%dma_start3A_550, %dma_start3A_551] : memref<10000x64xf32, #tpu.memory_space<vmem_shared>> -> memref<10000x64xf32, #tpu.memory_space<vmem_shared>>
    tpu.enqueue_indirect_dma source(%dma_start3A_552 : memref<10000x64xf32, #tpu.memory_space<vmem_shared>>) target(%dma_start3A_546 : memref<64x64xf32, #tpu.memory_space<vmem>>) offsets(%dma_start3A_549 : memref<64xi32, #tpu.memory_space<vmem>>) semaphore(%arg21 : memref<!tpu.dma_semaphore, #tpu.memory_space<semaphore_mem>>)
    %scan3A_553 = arith.constant 0 : i32
    %scan3A_554 = arith.constant 0 : i32
    %scan3A_555 = arith.constant 13 : i32
    %scan3A_556 = arith.addi %scan3A_554, %scan3A_555 : i32
    %scan3A_557 = arith.constant 1 : i32
    scf.for %scan3A_794 = %scan3A_554 to %scan3A_556 step %scan3A_557  : i32 {
      %mul3A = arith.constant 3 : i32
      %mul3A_795 = arith.muli %scan3A_794, %mul3A : i32
      %add3A = arith.constant 0 : i32
      %add3A_796 = arith.addi %mul3A_795, %add3A : i32
      %dma_wait3A_797 = arith.constant 0 : i32
      %dma_wait3A_798 = arith.constant 0 : i32
      %dma_wait3A_799 = arith.constant 0 : i32
      %dma_wait3A_800 = arith.constant 0 : i32
      %dma_wait3A_801 = tpu.memref_slice %arg9[%dma_wait3A_798, %dma_wait3A_799, %dma_wait3A_800] : memref<3x128x64xf32, #tpu.memory_space<vmem>> -> memref<1x64x64xf32, #tpu.memory_space<vmem>>
      %dma_wait3A_802 = tpu.memref_squeeze %dma_wait3A_801 : memref<1x64x64xf32, #tpu.memory_space<vmem>> -> memref<64x64xf32, #tpu.memory_space<vmem>>
      %dma_wait3A_803 = arith.constant 0 : i32
      %dma_wait3A_804 = tpu.memref_slice %arg7[%dma_wait3A_797, %add3A_796, %dma_wait3A_803] : memref<2x40x128xi32, #tpu.memory_space<vmem>> -> memref<1x1x64xi32, #tpu.memory_space<vmem>>
      %dma_wait3A_805 = tpu.memref_squeeze %dma_wait3A_804 : memref<1x1x64xi32, #tpu.memory_space<vmem>> -> memref<64xi32, #tpu.memory_space<vmem>>
      %dma_wait3A_806 = arith.constant 0 : i32
      %dma_wait3A_807 = arith.constant 0 : i32
      %dma_wait3A_808 = tpu.memref_slice %arg10[%dma_wait3A_806, %dma_wait3A_807] : memref<10000x64xf32, #tpu.memory_space<vmem_shared>> -> memref<10000x64xf32, #tpu.memory_space<vmem_shared>>
      tpu.wait_indirect_dma semaphore(%arg12 : memref<!tpu.dma_semaphore, #tpu.memory_space<semaphore_mem>>) src(%dma_wait3A_808 : memref<10000x64xf32, #tpu.memory_space<vmem_shared>>) dst(%dma_wait3A_802 : memref<64x64xf32, #tpu.memory_space<vmem>>)
      %dma_wait3A_809 = arith.constant 0 : i32
      %dma_wait3A_810 = arith.constant 0 : i32
      %dma_wait3A_811 = arith.constant 64 : i32
      %dma_wait3A_812 = arith.constant 0 : i32
      %dma_wait3A_813 = tpu.memref_slice %arg9[%dma_wait3A_810, %dma_wait3A_811, %dma_wait3A_812] : memref<3x128x64xf32, #tpu.memory_space<vmem>> -> memref<1x64x64xf32, #tpu.memory_space<vmem>>
      %dma_wait3A_814 = tpu.memref_squeeze %dma_wait3A_813 : memref<1x64x64xf32, #tpu.memory_space<vmem>> -> memref<64x64xf32, #tpu.memory_space<vmem>>
      %dma_wait3A_815 = arith.constant 64 : i32
      %dma_wait3A_816 = tpu.memref_slice %arg7[%dma_wait3A_809, %add3A_796, %dma_wait3A_815] : memref<2x40x128xi32, #tpu.memory_space<vmem>> -> memref<1x1x64xi32, #tpu.memory_space<vmem>>
      %dma_wait3A_817 = tpu.memref_squeeze %dma_wait3A_816 : memref<1x1x64xi32, #tpu.memory_space<vmem>> -> memref<64xi32, #tpu.memory_space<vmem>>
      %dma_wait3A_818 = arith.constant 0 : i32
      %dma_wait3A_819 = arith.constant 0 : i32
      %dma_wait3A_820 = tpu.memref_slice %arg10[%dma_wait3A_818, %dma_wait3A_819] : memref<10000x64xf32, #tpu.memory_space<vmem_shared>> -> memref<10000x64xf32, #tpu.memory_space<vmem_shared>>
      tpu.wait_indirect_dma semaphore(%arg20 : memref<!tpu.dma_semaphore, #tpu.memory_space<semaphore_mem>>) src(%dma_wait3A_820 : memref<10000x64xf32, #tpu.memory_space<vmem_shared>>) dst(%dma_wait3A_814 : memref<64x64xf32, #tpu.memory_space<vmem>>)
      %dma_start3A_821 = arith.constant 0 : i32
      %dma_start3A_822 = arith.constant 0 : i32
      %dma_start3A_823 = arith.constant 0 : i32
      %dma_start3A_824 = arith.constant 0 : i32
      %dma_start3A_825 = tpu.memref_slice %arg9[%dma_start3A_821, %dma_start3A_823, %dma_start3A_824] : memref<3x128x64xf32, #tpu.memory_space<vmem>> -> memref<1x128x64xf32, #tpu.memory_space<vmem>>
      %dma_start3A_826 = tpu.memref_squeeze %dma_start3A_825 : memref<1x128x64xf32, #tpu.memory_space<vmem>> -> memref<128x64xf32, #tpu.memory_space<vmem>>
      %dma_start3A_827 = arith.constant 0 : i32
      %dma_start3A_828 = tpu.memref_slice %arg8[%dma_start3A_822, %add3A_796, %dma_start3A_827] : memref<2x40x128xi32, #tpu.memory_space<vmem>> -> memref<1x1x128xi32, #tpu.memory_space<vmem>>
      %dma_start3A_829 = tpu.memref_squeeze %dma_start3A_828 : memref<1x1x128xi32, #tpu.memory_space<vmem>> -> memref<128xi32, #tpu.memory_space<vmem>>
      %dma_start3A_830 = arith.constant 0 : i32
      %dma_start3A_831 = arith.constant 0 : i32
      %dma_start3A_832 = tpu.memref_slice %arg11[%dma_start3A_830, %dma_start3A_831] : memref<10256x64xf32, #tpu.memory_space<vmem_shared>> -> memref<10256x64xf32, #tpu.memory_space<vmem_shared>>
      tpu.enqueue_indirect_dma source(%dma_start3A_826 : memref<128x64xf32, #tpu.memory_space<vmem>>) target(%dma_start3A_832 : memref<10256x64xf32, #tpu.memory_space<vmem_shared>>) offsets(%dma_start3A_829 : memref<128xi32, #tpu.memory_space<vmem>>) semaphore(%arg15 : memref<!tpu.dma_semaphore, #tpu.memory_space<semaphore_mem>>) {add = true}
      %gt3A = arith.constant 0 : i32
      %gt3A_833 = arith.cmpi sgt, %scan3A_794, %gt3A : i32
      %convert_element_type3A_834 = arith.extui %gt3A_833 : i1 to i32
      %cond3A_835 = arith.constant 0 : i32
      %cond3A_836 = arith.cmpi ne, %convert_element_type3A_834, %cond3A_835 : i32
      scf.if %cond3A_836 {
        %sub3A_1005 = arith.constant 1 : i32
        %sub3A_1006 = arith.subi %add3A_796, %sub3A_1005 : i32
        %dma_wait3A_1007 = arith.constant 2 : i32
        %dma_wait3A_1008 = arith.constant 0 : i32
        %dma_wait3A_1009 = arith.constant 0 : i32
        %dma_wait3A_1010 = arith.constant 0 : i32
        %dma_wait3A_1011 = tpu.memref_slice %arg9[%dma_wait3A_1007, %dma_wait3A_1009, %dma_wait3A_1010] : memref<3x128x64xf32, #tpu.memory_space<vmem>> -> memref<1x128x64xf32, #tpu.memory_space<vmem>>
        %dma_wait3A_1012 = tpu.memref_squeeze %dma_wait3A_1011 : memref<1x128x64xf32, #tpu.memory_space<vmem>> -> memref<128x64xf32, #tpu.memory_space<vmem>>
        %dma_wait3A_1013 = arith.constant 0 : i32
        %dma_wait3A_1014 = tpu.memref_slice %arg8[%dma_wait3A_1008, %sub3A_1006, %dma_wait3A_1013] : memref<2x40x128xi32, #tpu.memory_space<vmem>> -> memref<1x1x128xi32, #tpu.memory_space<vmem>>
        %dma_wait3A_1015 = tpu.memref_squeeze %dma_wait3A_1014 : memref<1x1x128xi32, #tpu.memory_space<vmem>> -> memref<128xi32, #tpu.memory_space<vmem>>
        %dma_wait3A_1016 = arith.constant 0 : i32
        %dma_wait3A_1017 = arith.constant 0 : i32
        %dma_wait3A_1018 = tpu.memref_slice %arg11[%dma_wait3A_1016, %dma_wait3A_1017] : memref<10256x64xf32, #tpu.memory_space<vmem_shared>> -> memref<10256x64xf32, #tpu.memory_space<vmem_shared>>
        tpu.wait_indirect_dma semaphore(%arg17 : memref<!tpu.dma_semaphore, #tpu.memory_space<semaphore_mem>>) src(%dma_wait3A_1012 : memref<128x64xf32, #tpu.memory_space<vmem>>) dst(%dma_wait3A_1018 : memref<10256x64xf32, #tpu.memory_space<vmem_shared>>)
      } else {
      }
      %add3A_837 = arith.constant 2 : i32
      %add3A_838 = arith.addi %add3A_796, %add3A_837 : i32
      %dma_start3A_839 = arith.constant 0 : i32
      %dma_start3A_840 = arith.constant 2 : i32
      %dma_start3A_841 = arith.constant 0 : i32
      %dma_start3A_842 = arith.constant 0 : i32
      %dma_start3A_843 = tpu.memref_slice %arg9[%dma_start3A_840, %dma_start3A_841, %dma_start3A_842] : memref<3x128x64xf32, #tpu.memory_space<vmem>> -> memref<1x64x64xf32, #tpu.memory_space<vmem>>
      %dma_start3A_844 = tpu.memref_squeeze %dma_start3A_843 : memref<1x64x64xf32, #tpu.memory_space<vmem>> -> memref<64x64xf32, #tpu.memory_space<vmem>>
      %dma_start3A_845 = arith.constant 0 : i32
      %dma_start3A_846 = tpu.memref_slice %arg7[%dma_start3A_839, %add3A_838, %dma_start3A_845] : memref<2x40x128xi32, #tpu.memory_space<vmem>> -> memref<1x1x64xi32, #tpu.memory_space<vmem>>
      %dma_start3A_847 = tpu.memref_squeeze %dma_start3A_846 : memref<1x1x64xi32, #tpu.memory_space<vmem>> -> memref<64xi32, #tpu.memory_space<vmem>>
      %dma_start3A_848 = arith.constant 0 : i32
      %dma_start3A_849 = arith.constant 0 : i32
      %dma_start3A_850 = tpu.memref_slice %arg10[%dma_start3A_848, %dma_start3A_849] : memref<10000x64xf32, #tpu.memory_space<vmem_shared>> -> memref<10000x64xf32, #tpu.memory_space<vmem_shared>>
      tpu.enqueue_indirect_dma source(%dma_start3A_850 : memref<10000x64xf32, #tpu.memory_space<vmem_shared>>) target(%dma_start3A_844 : memref<64x64xf32, #tpu.memory_space<vmem>>) offsets(%dma_start3A_847 : memref<64xi32, #tpu.memory_space<vmem>>) semaphore(%arg14 : memref<!tpu.dma_semaphore, #tpu.memory_space<semaphore_mem>>)
      %add3A_851 = arith.constant 2 : i32
      %add3A_852 = arith.addi %add3A_796, %add3A_851 : i32
      %dma_start3A_853 = arith.constant 0 : i32
      %dma_start3A_854 = arith.constant 2 : i32
      %dma_start3A_855 = arith.constant 64 : i32
      %dma_start3A_856 = arith.constant 0 : i32
      %dma_start3A_857 = tpu.memref_slice %arg9[%dma_start3A_854, %dma_start3A_855, %dma_start3A_856] : memref<3x128x64xf32, #tpu.memory_space<vmem>> -> memref<1x64x64xf32, #tpu.memory_space<vmem>>
      %dma_start3A_858 = tpu.memref_squeeze %dma_start3A_857 : memref<1x64x64xf32, #tpu.memory_space<vmem>> -> memref<64x64xf32, #tpu.memory_space<vmem>>
      %dma_start3A_859 = arith.constant 64 : i32
      %dma_start3A_860 = tpu.memref_slice %arg7[%dma_start3A_853, %add3A_852, %dma_start3A_859] : memref<2x40x128xi32, #tpu.memory_space<vmem>> -> memref<1x1x64xi32, #tpu.memory_space<vmem>>
      %dma_start3A_861 = tpu.memref_squeeze %dma_start3A_860 : memref<1x1x64xi32, #tpu.memory_space<vmem>> -> memref<64xi32, #tpu.memory_space<vmem>>
      %dma_start3A_862 = arith.constant 0 : i32
      %dma_start3A_863 = arith.constant 0 : i32
      %dma_start3A_864 = tpu.memref_slice %arg10[%dma_start3A_862, %dma_start3A_863] : memref<10000x64xf32, #tpu.memory_space<vmem_shared>> -> memref<10000x64xf32, #tpu.memory_space<vmem_shared>>
      tpu.enqueue_indirect_dma source(%dma_start3A_864 : memref<10000x64xf32, #tpu.memory_space<vmem_shared>>) target(%dma_start3A_858 : memref<64x64xf32, #tpu.memory_space<vmem>>) offsets(%dma_start3A_861 : memref<64xi32, #tpu.memory_space<vmem>>) semaphore(%arg22 : memref<!tpu.dma_semaphore, #tpu.memory_space<semaphore_mem>>)
      %mul3A_865 = arith.constant 3 : i32
      %mul3A_866 = arith.muli %scan3A_794, %mul3A_865 : i32
      %add3A_867 = arith.constant 1 : i32
      %add3A_868 = arith.addi %mul3A_866, %add3A_867 : i32
      %dma_wait3A_869 = arith.constant 0 : i32
      %dma_wait3A_870 = arith.constant 1 : i32
      %dma_wait3A_871 = arith.constant 0 : i32
      %dma_wait3A_872 = arith.constant 0 : i32
      %dma_wait3A_873 = tpu.memref_slice %arg9[%dma_wait3A_870, %dma_wait3A_871, %dma_wait3A_872] : memref<3x128x64xf32, #tpu.memory_space<vmem>> -> memref<1x64x64xf32, #tpu.memory_space<vmem>>
      %dma_wait3A_874 = tpu.memref_squeeze %dma_wait3A_873 : memref<1x64x64xf32, #tpu.memory_space<vmem>> -> memref<64x64xf32, #tpu.memory_space<vmem>>
      %dma_wait3A_875 = arith.constant 0 : i32
      %dma_wait3A_876 = tpu.memref_slice %arg7[%dma_wait3A_869, %add3A_868, %dma_wait3A_875] : memref<2x40x128xi32, #tpu.memory_space<vmem>> -> memref<1x1x64xi32, #tpu.memory_space<vmem>>
      %dma_wait3A_877 = tpu.memref_squeeze %dma_wait3A_876 : memref<1x1x64xi32, #tpu.memory_space<vmem>> -> memref<64xi32, #tpu.memory_space<vmem>>
      %dma_wait3A_878 = arith.constant 0 : i32
      %dma_wait3A_879 = arith.constant 0 : i32
      %dma_wait3A_880 = tpu.memref_slice %arg10[%dma_wait3A_878, %dma_wait3A_879] : memref<10000x64xf32, #tpu.memory_space<vmem_shared>> -> memref<10000x64xf32, #tpu.memory_space<vmem_shared>>
      tpu.wait_indirect_dma semaphore(%arg13 : memref<!tpu.dma_semaphore, #tpu.memory_space<semaphore_mem>>) src(%dma_wait3A_880 : memref<10000x64xf32, #tpu.memory_space<vmem_shared>>) dst(%dma_wait3A_874 : memref<64x64xf32, #tpu.memory_space<vmem>>)
      %dma_wait3A_881 = arith.constant 0 : i32
      %dma_wait3A_882 = arith.constant 1 : i32
      %dma_wait3A_883 = arith.constant 64 : i32
      %dma_wait3A_884 = arith.constant 0 : i32
      %dma_wait3A_885 = tpu.memref_slice %arg9[%dma_wait3A_882, %dma_wait3A_883, %dma_wait3A_884] : memref<3x128x64xf32, #tpu.memory_space<vmem>> -> memref<1x64x64xf32, #tpu.memory_space<vmem>>
      %dma_wait3A_886 = tpu.memref_squeeze %dma_wait3A_885 : memref<1x64x64xf32, #tpu.memory_space<vmem>> -> memref<64x64xf32, #tpu.memory_space<vmem>>
      %dma_wait3A_887 = arith.constant 64 : i32
      %dma_wait3A_888 = tpu.memref_slice %arg7[%dma_wait3A_881, %add3A_868, %dma_wait3A_887] : memref<2x40x128xi32, #tpu.memory_space<vmem>> -> memref<1x1x64xi32, #tpu.memory_space<vmem>>
      %dma_wait3A_889 = tpu.memref_squeeze %dma_wait3A_888 : memref<1x1x64xi32, #tpu.memory_space<vmem>> -> memref<64xi32, #tpu.memory_space<vmem>>
      %dma_wait3A_890 = arith.constant 0 : i32
      %dma_wait3A_891 = arith.constant 0 : i32
      %dma_wait3A_892 = tpu.memref_slice %arg10[%dma_wait3A_890, %dma_wait3A_891] : memref<10000x64xf32, #tpu.memory_space<vmem_shared>> -> memref<10000x64xf32, #tpu.memory_space<vmem_shared>>
      tpu.wait_indirect_dma semaphore(%arg21 : memref<!tpu.dma_semaphore, #tpu.memory_space<semaphore_mem>>) src(%dma_wait3A_892 : memref<10000x64xf32, #tpu.memory_space<vmem_shared>>) dst(%dma_wait3A_886 : memref<64x64xf32, #tpu.memory_space<vmem>>)
      %dma_start3A_893 = arith.constant 1 : i32
      %dma_start3A_894 = arith.constant 0 : i32
      %dma_start3A_895 = arith.constant 0 : i32
      %dma_start3A_896 = arith.constant 0 : i32
      %dma_start3A_897 = tpu.memref_slice %arg9[%dma_start3A_893, %dma_start3A_895, %dma_start3A_896] : memref<3x128x64xf32, #tpu.memory_space<vmem>> -> memref<1x128x64xf32, #tpu.memory_space<vmem>>
      %dma_start3A_898 = tpu.memref_squeeze %dma_start3A_897 : memref<1x128x64xf32, #tpu.memory_space<vmem>> -> memref<128x64xf32, #tpu.memory_space<vmem>>
      %dma_start3A_899 = arith.constant 0 : i32
      %dma_start3A_900 = tpu.memref_slice %arg8[%dma_start3A_894, %add3A_868, %dma_start3A_899] : memref<2x40x128xi32, #tpu.memory_space<vmem>> -> memref<1x1x128xi32, #tpu.memory_space<vmem>>
      %dma_start3A_901 = tpu.memref_squeeze %dma_start3A_900 : memref<1x1x128xi32, #tpu.memory_space<vmem>> -> memref<128xi32, #tpu.memory_space<vmem>>
      %dma_start3A_902 = arith.constant 0 : i32
      %dma_start3A_903 = arith.constant 0 : i32
      %dma_start3A_904 = tpu.memref_slice %arg11[%dma_start3A_902, %dma_start3A_903] : memref<10256x64xf32, #tpu.memory_space<vmem_shared>> -> memref<10256x64xf32, #tpu.memory_space<vmem_shared>>
      tpu.enqueue_indirect_dma source(%dma_start3A_898 : memref<128x64xf32, #tpu.memory_space<vmem>>) target(%dma_start3A_904 : memref<10256x64xf32, #tpu.memory_space<vmem_shared>>) offsets(%dma_start3A_901 : memref<128xi32, #tpu.memory_space<vmem>>) semaphore(%arg16 : memref<!tpu.dma_semaphore, #tpu.memory_space<semaphore_mem>>) {add = true}
      %sub3A = arith.constant 1 : i32
      %sub3A_905 = arith.subi %add3A_868, %sub3A : i32
      %dma_wait3A_906 = arith.constant 0 : i32
      %dma_wait3A_907 = arith.constant 0 : i32
      %dma_wait3A_908 = arith.constant 0 : i32
      %dma_wait3A_909 = arith.constant 0 : i32
      %dma_wait3A_910 = tpu.memref_slice %arg9[%dma_wait3A_906, %dma_wait3A_908, %dma_wait3A_909] : memref<3x128x64xf32, #tpu.memory_space<vmem>> -> memref<1x128x64xf32, #tpu.memory_space<vmem>>
      %dma_wait3A_911 = tpu.memref_squeeze %dma_wait3A_910 : memref<1x128x64xf32, #tpu.memory_space<vmem>> -> memref<128x64xf32, #tpu.memory_space<vmem>>
      %dma_wait3A_912 = arith.constant 0 : i32
      %dma_wait3A_913 = tpu.memref_slice %arg8[%dma_wait3A_907, %sub3A_905, %dma_wait3A_912] : memref<2x40x128xi32, #tpu.memory_space<vmem>> -> memref<1x1x128xi32, #tpu.memory_space<vmem>>
      %dma_wait3A_914 = tpu.memref_squeeze %dma_wait3A_913 : memref<1x1x128xi32, #tpu.memory_space<vmem>> -> memref<128xi32, #tpu.memory_space<vmem>>
      %dma_wait3A_915 = arith.constant 0 : i32
      %dma_wait3A_916 = arith.constant 0 : i32
      %dma_wait3A_917 = tpu.memref_slice %arg11[%dma_wait3A_915, %dma_wait3A_916] : memref<10256x64xf32, #tpu.memory_space<vmem_shared>> -> memref<10256x64xf32, #tpu.memory_space<vmem_shared>>
      tpu.wait_indirect_dma semaphore(%arg15 : memref<!tpu.dma_semaphore, #tpu.memory_space<semaphore_mem>>) src(%dma_wait3A_911 : memref<128x64xf32, #tpu.memory_space<vmem>>) dst(%dma_wait3A_917 : memref<10256x64xf32, #tpu.memory_space<vmem_shared>>)
      %add3A_918 = arith.constant 2 : i32
      %add3A_919 = arith.addi %add3A_868, %add3A_918 : i32
      %dma_start3A_920 = arith.constant 0 : i32
      %dma_start3A_921 = arith.constant 0 : i32
      %dma_start3A_922 = arith.constant 0 : i32
      %dma_start3A_923 = arith.constant 0 : i32
      %dma_start3A_924 = tpu.memref_slice %arg9[%dma_start3A_921, %dma_start3A_922, %dma_start3A_923] : memref<3x128x64xf32, #tpu.memory_space<vmem>> -> memref<1x64x64xf32, #tpu.memory_space<vmem>>
      %dma_start3A_925 = tpu.memref_squeeze %dma_start3A_924 : memref<1x64x64xf32, #tpu.memory_space<vmem>> -> memref<64x64xf32, #tpu.memory_space<vmem>>
      %dma_start3A_926 = arith.constant 0 : i32
      %dma_start3A_927 = tpu.memref_slice %arg7[%dma_start3A_920, %add3A_919, %dma_start3A_926] : memref<2x40x128xi32, #tpu.memory_space<vmem>> -> memref<1x1x64xi32, #tpu.memory_space<vmem>>
      %dma_start3A_928 = tpu.memref_squeeze %dma_start3A_927 : memref<1x1x64xi32, #tpu.memory_space<vmem>> -> memref<64xi32, #tpu.memory_space<vmem>>
      %dma_start3A_929 = arith.constant 0 : i32
      %dma_start3A_930 = arith.constant 0 : i32
      %dma_start3A_931 = tpu.memref_slice %arg10[%dma_start3A_929, %dma_start3A_930] : memref<10000x64xf32, #tpu.memory_space<vmem_shared>> -> memref<10000x64xf32, #tpu.memory_space<vmem_shared>>
      tpu.enqueue_indirect_dma source(%dma_start3A_931 : memref<10000x64xf32, #tpu.memory_space<vmem_shared>>) target(%dma_start3A_925 : memref<64x64xf32, #tpu.memory_space<vmem>>) offsets(%dma_start3A_928 : memref<64xi32, #tpu.memory_space<vmem>>) semaphore(%arg12 : memref<!tpu.dma_semaphore, #tpu.memory_space<semaphore_mem>>)
      %add3A_932 = arith.constant 2 : i32
      %add3A_933 = arith.addi %add3A_868, %add3A_932 : i32
      %dma_start3A_934 = arith.constant 0 : i32
      %dma_start3A_935 = arith.constant 0 : i32
      %dma_start3A_936 = arith.constant 64 : i32
      %dma_start3A_937 = arith.constant 0 : i32
      %dma_start3A_938 = tpu.memref_slice %arg9[%dma_start3A_935, %dma_start3A_936, %dma_start3A_937] : memref<3x128x64xf32, #tpu.memory_space<vmem>> -> memref<1x64x64xf32, #tpu.memory_space<vmem>>
      %dma_start3A_939 = tpu.memref_squeeze %dma_start3A_938 : memref<1x64x64xf32, #tpu.memory_space<vmem>> -> memref<64x64xf32, #tpu.memory_space<vmem>>
      %dma_start3A_940 = arith.constant 64 : i32
      %dma_start3A_941 = tpu.memref_slice %arg7[%dma_start3A_934, %add3A_933, %dma_start3A_940] : memref<2x40x128xi32, #tpu.memory_space<vmem>> -> memref<1x1x64xi32, #tpu.memory_space<vmem>>
      %dma_start3A_942 = tpu.memref_squeeze %dma_start3A_941 : memref<1x1x64xi32, #tpu.memory_space<vmem>> -> memref<64xi32, #tpu.memory_space<vmem>>
      %dma_start3A_943 = arith.constant 0 : i32
      %dma_start3A_944 = arith.constant 0 : i32
      %dma_start3A_945 = tpu.memref_slice %arg10[%dma_start3A_943, %dma_start3A_944] : memref<10000x64xf32, #tpu.memory_space<vmem_shared>> -> memref<10000x64xf32, #tpu.memory_space<vmem_shared>>
      tpu.enqueue_indirect_dma source(%dma_start3A_945 : memref<10000x64xf32, #tpu.memory_space<vmem_shared>>) target(%dma_start3A_939 : memref<64x64xf32, #tpu.memory_space<vmem>>) offsets(%dma_start3A_942 : memref<64xi32, #tpu.memory_space<vmem>>) semaphore(%arg20 : memref<!tpu.dma_semaphore, #tpu.memory_space<semaphore_mem>>)
      %mul3A_946 = arith.constant 3 : i32
      %mul3A_947 = arith.muli %scan3A_794, %mul3A_946 : i32
      %add3A_948 = arith.constant 2 : i32
      %add3A_949 = arith.addi %mul3A_947, %add3A_948 : i32
      %dma_wait3A_950 = arith.constant 0 : i32
      %dma_wait3A_951 = arith.constant 2 : i32
      %dma_wait3A_952 = arith.constant 0 : i32
      %dma_wait3A_953 = arith.constant 0 : i32
      %dma_wait3A_954 = tpu.memref_slice %arg9[%dma_wait3A_951, %dma_wait3A_952, %dma_wait3A_953] : memref<3x128x64xf32, #tpu.memory_space<vmem>> -> memref<1x64x64xf32, #tpu.memory_space<vmem>>
      %dma_wait3A_955 = tpu.memref_squeeze %dma_wait3A_954 : memref<1x64x64xf32, #tpu.memory_space<vmem>> -> memref<64x64xf32, #tpu.memory_space<vmem>>
      %dma_wait3A_956 = arith.constant 0 : i32
      %dma_wait3A_957 = tpu.memref_slice %arg7[%dma_wait3A_950, %add3A_949, %dma_wait3A_956] : memref<2x40x128xi32, #tpu.memory_space<vmem>> -> memref<1x1x64xi32, #tpu.memory_space<vmem>>
      %dma_wait3A_958 = tpu.memref_squeeze %dma_wait3A_957 : memref<1x1x64xi32, #tpu.memory_space<vmem>> -> memref<64xi32, #tpu.memory_space<vmem>>
      %dma_wait3A_959 = arith.constant 0 : i32
      %dma_wait3A_960 = arith.constant 0 : i32
      %dma_wait3A_961 = tpu.memref_slice %arg10[%dma_wait3A_959, %dma_wait3A_960] : memref<10000x64xf32, #tpu.memory_space<vmem_shared>> -> memref<10000x64xf32, #tpu.memory_space<vmem_shared>>
      tpu.wait_indirect_dma semaphore(%arg14 : memref<!tpu.dma_semaphore, #tpu.memory_space<semaphore_mem>>) src(%dma_wait3A_961 : memref<10000x64xf32, #tpu.memory_space<vmem_shared>>) dst(%dma_wait3A_955 : memref<64x64xf32, #tpu.memory_space<vmem>>)
      %dma_wait3A_962 = arith.constant 0 : i32
      %dma_wait3A_963 = arith.constant 2 : i32
      %dma_wait3A_964 = arith.constant 64 : i32
      %dma_wait3A_965 = arith.constant 0 : i32
      %dma_wait3A_966 = tpu.memref_slice %arg9[%dma_wait3A_963, %dma_wait3A_964, %dma_wait3A_965] : memref<3x128x64xf32, #tpu.memory_space<vmem>> -> memref<1x64x64xf32, #tpu.memory_space<vmem>>
      %dma_wait3A_967 = tpu.memref_squeeze %dma_wait3A_966 : memref<1x64x64xf32, #tpu.memory_space<vmem>> -> memref<64x64xf32, #tpu.memory_space<vmem>>
      %dma_wait3A_968 = arith.constant 64 : i32
      %dma_wait3A_969 = tpu.memref_slice %arg7[%dma_wait3A_962, %add3A_949, %dma_wait3A_968] : memref<2x40x128xi32, #tpu.memory_space<vmem>> -> memref<1x1x64xi32, #tpu.memory_space<vmem>>
      %dma_wait3A_970 = tpu.memref_squeeze %dma_wait3A_969 : memref<1x1x64xi32, #tpu.memory_space<vmem>> -> memref<64xi32, #tpu.memory_space<vmem>>
      %dma_wait3A_971 = arith.constant 0 : i32
      %dma_wait3A_972 = arith.constant 0 : i32
      %dma_wait3A_973 = tpu.memref_slice %arg10[%dma_wait3A_971, %dma_wait3A_972] : memref<10000x64xf32, #tpu.memory_space<vmem_shared>> -> memref<10000x64xf32, #tpu.memory_space<vmem_shared>>
      tpu.wait_indirect_dma semaphore(%arg22 : memref<!tpu.dma_semaphore, #tpu.memory_space<semaphore_mem>>) src(%dma_wait3A_973 : memref<10000x64xf32, #tpu.memory_space<vmem_shared>>) dst(%dma_wait3A_967 : memref<64x64xf32, #tpu.memory_space<vmem>>)
      %dma_start3A_974 = arith.constant 2 : i32
      %dma_start3A_975 = arith.constant 0 : i32
      %dma_start3A_976 = arith.constant 0 : i32
      %dma_start3A_977 = arith.constant 0 : i32
      %dma_start3A_978 = tpu.memref_slice %arg9[%dma_start3A_974, %dma_start3A_976, %dma_start3A_977] : memref<3x128x64xf32, #tpu.memory_space<vmem>> -> memref<1x128x64xf32, #tpu.memory_space<vmem>>
      %dma_start3A_979 = tpu.memref_squeeze %dma_start3A_978 : memref<1x128x64xf32, #tpu.memory_space<vmem>> -> memref<128x64xf32, #tpu.memory_space<vmem>>
      %dma_start3A_980 = arith.constant 0 : i32
      %dma_start3A_981 = tpu.memref_slice %arg8[%dma_start3A_975, %add3A_949, %dma_start3A_980] : memref<2x40x128xi32, #tpu.memory_space<vmem>> -> memref<1x1x128xi32, #tpu.memory_space<vmem>>
      %dma_start3A_982 = tpu.memref_squeeze %dma_start3A_981 : memref<1x1x128xi32, #tpu.memory_space<vmem>> -> memref<128xi32, #tpu.memory_space<vmem>>
      %dma_start3A_983 = arith.constant 0 : i32
      %dma_start3A_984 = arith.constant 0 : i32
      %dma_start3A_985 = tpu.memref_slice %arg11[%dma_start3A_983, %dma_start3A_984] : memref<10256x64xf32, #tpu.memory_space<vmem_shared>> -> memref<10256x64xf32, #tpu.memory_space<vmem_shared>>
      tpu.enqueue_indirect_dma source(%dma_start3A_979 : memref<128x64xf32, #tpu.memory_space<vmem>>) target(%dma_start3A_985 : memref<10256x64xf32, #tpu.memory_space<vmem_shared>>) offsets(%dma_start3A_982 : memref<128xi32, #tpu.memory_space<vmem>>) semaphore(%arg17 : memref<!tpu.dma_semaphore, #tpu.memory_space<semaphore_mem>>) {add = true}
      %sub3A_986 = arith.constant 1 : i32
      %sub3A_987 = arith.subi %add3A_949, %sub3A_986 : i32
      %dma_wait3A_988 = arith.constant 1 : i32
      %dma_wait3A_989 = arith.constant 0 : i32
      %dma_wait3A_990 = arith.constant 0 : i32
      %dma_wait3A_991 = arith.constant 0 : i32
      %dma_wait3A_992 = tpu.memref_slice %arg9[%dma_wait3A_988, %dma_wait3A_990, %dma_wait3A_991] : memref<3x128x64xf32, #tpu.memory_space<vmem>> -> memref<1x128x64xf32, #tpu.memory_space<vmem>>
      %dma_wait3A_993 = tpu.memref_squeeze %dma_wait3A_992 : memref<1x128x64xf32, #tpu.memory_space<vmem>> -> memref<128x64xf32, #tpu.memory_space<vmem>>
      %dma_wait3A_994 = arith.constant 0 : i32
      %dma_wait3A_995 = tpu.memref_slice %arg8[%dma_wait3A_989, %sub3A_987, %dma_wait3A_994] : memref<2x40x128xi32, #tpu.memory_space<vmem>> -> memref<1x1x128xi32, #tpu.memory_space<vmem>>
      %dma_wait3A_996 = tpu.memref_squeeze %dma_wait3A_995 : memref<1x1x128xi32, #tpu.memory_space<vmem>> -> memref<128xi32, #tpu.memory_space<vmem>>
      %dma_wait3A_997 = arith.constant 0 : i32
      %dma_wait3A_998 = arith.constant 0 : i32
      %dma_wait3A_999 = tpu.memref_slice %arg11[%dma_wait3A_997, %dma_wait3A_998] : memref<10256x64xf32, #tpu.memory_space<vmem_shared>> -> memref<10256x64xf32, #tpu.memory_space<vmem_shared>>
      tpu.wait_indirect_dma semaphore(%arg16 : memref<!tpu.dma_semaphore, #tpu.memory_space<semaphore_mem>>) src(%dma_wait3A_993 : memref<128x64xf32, #tpu.memory_space<vmem>>) dst(%dma_wait3A_999 : memref<10256x64xf32, #tpu.memory_space<vmem_shared>>)
      %lt3A_1000 = arith.constant 12 : i32
      %lt3A_1001 = arith.cmpi slt, %scan3A_794, %lt3A_1000 : i32
      %convert_element_type3A_1002 = arith.extui %lt3A_1001 : i1 to i32
      %cond3A_1003 = arith.constant 0 : i32
      %cond3A_1004 = arith.cmpi ne, %convert_element_type3A_1002, %cond3A_1003 : i32
      scf.if %cond3A_1004 {
        %add3A_1005 = arith.constant 2 : i32
        %add3A_1006 = arith.addi %add3A_949, %add3A_1005 : i32
        %dma_start3A_1007 = arith.constant 0 : i32
        %dma_start3A_1008 = arith.constant 1 : i32
        %dma_start3A_1009 = arith.constant 0 : i32
        %dma_start3A_1010 = arith.constant 0 : i32
        %dma_start3A_1011 = tpu.memref_slice %arg9[%dma_start3A_1008, %dma_start3A_1009, %dma_start3A_1010] : memref<3x128x64xf32, #tpu.memory_space<vmem>> -> memref<1x64x64xf32, #tpu.memory_space<vmem>>
        %dma_start3A_1012 = tpu.memref_squeeze %dma_start3A_1011 : memref<1x64x64xf32, #tpu.memory_space<vmem>> -> memref<64x64xf32, #tpu.memory_space<vmem>>
        %dma_start3A_1013 = arith.constant 0 : i32
        %dma_start3A_1014 = tpu.memref_slice %arg7[%dma_start3A_1007, %add3A_1006, %dma_start3A_1013] : memref<2x40x128xi32, #tpu.memory_space<vmem>> -> memref<1x1x64xi32, #tpu.memory_space<vmem>>
        %dma_start3A_1015 = tpu.memref_squeeze %dma_start3A_1014 : memref<1x1x64xi32, #tpu.memory_space<vmem>> -> memref<64xi32, #tpu.memory_space<vmem>>
        %dma_start3A_1016 = arith.constant 0 : i32
        %dma_start3A_1017 = arith.constant 0 : i32
        %dma_start3A_1018 = tpu.memref_slice %arg10[%dma_start3A_1016, %dma_start3A_1017] : memref<10000x64xf32, #tpu.memory_space<vmem_shared>> -> memref<10000x64xf32, #tpu.memory_space<vmem_shared>>
        tpu.enqueue_indirect_dma source(%dma_start3A_1018 : memref<10000x64xf32, #tpu.memory_space<vmem_shared>>) target(%dma_start3A_1012 : memref<64x64xf32, #tpu.memory_space<vmem>>) offsets(%dma_start3A_1015 : memref<64xi32, #tpu.memory_space<vmem>>) semaphore(%arg13 : memref<!tpu.dma_semaphore, #tpu.memory_space<semaphore_mem>>)
        %add3A_1019 = arith.constant 2 : i32
        %add3A_1020 = arith.addi %add3A_949, %add3A_1019 : i32
        %dma_start3A_1021 = arith.constant 0 : i32
        %dma_start3A_1022 = arith.constant 1 : i32
        %dma_start3A_1023 = arith.constant 64 : i32
        %dma_start3A_1024 = arith.constant 0 : i32
        %dma_start3A_1025 = tpu.memref_slice %arg9[%dma_start3A_1022, %dma_start3A_1023, %dma_start3A_1024] : memref<3x128x64xf32, #tpu.memory_space<vmem>> -> memref<1x64x64xf32, #tpu.memory_space<vmem>>
        %dma_start3A_1026 = tpu.memref_squeeze %dma_start3A_1025 : memref<1x64x64xf32, #tpu.memory_space<vmem>> -> memref<64x64xf32, #tpu.memory_space<vmem>>
        %dma_start3A_1027 = arith.constant 64 : i32
        %dma_start3A_1028 = tpu.memref_slice %arg7[%dma_start3A_1021, %add3A_1020, %dma_start3A_1027] : memref<2x40x128xi32, #tpu.memory_space<vmem>> -> memref<1x1x64xi32, #tpu.memory_space<vmem>>
        %dma_start3A_1029 = tpu.memref_squeeze %dma_start3A_1028 : memref<1x1x64xi32, #tpu.memory_space<vmem>> -> memref<64xi32, #tpu.memory_space<vmem>>
        %dma_start3A_1030 = arith.constant 0 : i32
        %dma_start3A_1031 = arith.constant 0 : i32
        %dma_start3A_1032 = tpu.memref_slice %arg10[%dma_start3A_1030, %dma_start3A_1031] : memref<10000x64xf32, #tpu.memory_space<vmem_shared>> -> memref<10000x64xf32, #tpu.memory_space<vmem_shared>>
        tpu.enqueue_indirect_dma source(%dma_start3A_1032 : memref<10000x64xf32, #tpu.memory_space<vmem_shared>>) target(%dma_start3A_1026 : memref<64x64xf32, #tpu.memory_space<vmem>>) offsets(%dma_start3A_1029 : memref<64xi32, #tpu.memory_space<vmem>>) semaphore(%arg21 : memref<!tpu.dma_semaphore, #tpu.memory_space<semaphore_mem>>)
      } else {
      }
    }
    %scan3A_558 = arith.constant 13 : i32
    %dma_wait3A_559 = arith.constant 0 : i32
    %dma_wait3A_560 = arith.constant 39 : i32
    %dma_wait3A_561 = arith.constant 0 : i32
    %dma_wait3A_562 = arith.constant 0 : i32
    %dma_wait3A_563 = arith.constant 0 : i32
    %dma_wait3A_564 = tpu.memref_slice %arg9[%dma_wait3A_561, %dma_wait3A_562, %dma_wait3A_563] : memref<3x128x64xf32, #tpu.memory_space<vmem>> -> memref<1x64x64xf32, #tpu.memory_space<vmem>>
    %dma_wait3A_565 = tpu.memref_squeeze %dma_wait3A_564 : memref<1x64x64xf32, #tpu.memory_space<vmem>> -> memref<64x64xf32, #tpu.memory_space<vmem>>
    %dma_wait3A_566 = arith.constant 0 : i32
    %dma_wait3A_567 = tpu.memref_slice %arg7[%dma_wait3A_559, %dma_wait3A_560, %dma_wait3A_566] : memref<2x40x128xi32, #tpu.memory_space<vmem>> -> memref<1x1x64xi32, #tpu.memory_space<vmem>>
    %dma_wait3A_568 = tpu.memref_squeeze %dma_wait3A_567 : memref<1x1x64xi32, #tpu.memory_space<vmem>> -> memref<64xi32, #tpu.memory_space<vmem>>
    %dma_wait3A_569 = arith.constant 0 : i32
    %dma_wait3A_570 = arith.constant 0 : i32
    %dma_wait3A_571 = tpu.memref_slice %arg10[%dma_wait3A_569, %dma_wait3A_570] : memref<10000x64xf32, #tpu.memory_space<vmem_shared>> -> memref<10000x64xf32, #tpu.memory_space<vmem_shared>>
    tpu.wait_indirect_dma semaphore(%arg12 : memref<!tpu.dma_semaphore, #tpu.memory_space<semaphore_mem>>) src(%dma_wait3A_571 : memref<10000x64xf32, #tpu.memory_space<vmem_shared>>) dst(%dma_wait3A_565 : memref<64x64xf32, #tpu.memory_space<vmem>>)
    %dma_wait3A_572 = arith.constant 0 : i32
    %dma_wait3A_573 = arith.constant 39 : i32
    %dma_wait3A_574 = arith.constant 0 : i32
    %dma_wait3A_575 = arith.constant 64 : i32
    %dma_wait3A_576 = arith.constant 0 : i32
    %dma_wait3A_577 = tpu.memref_slice %arg9[%dma_wait3A_574, %dma_wait3A_575, %dma_wait3A_576] : memref<3x128x64xf32, #tpu.memory_space<vmem>> -> memref<1x64x64xf32, #tpu.memory_space<vmem>>
    %dma_wait3A_578 = tpu.memref_squeeze %dma_wait3A_577 : memref<1x64x64xf32, #tpu.memory_space<vmem>> -> memref<64x64xf32, #tpu.memory_space<vmem>>
    %dma_wait3A_579 = arith.constant 64 : i32
    %dma_wait3A_580 = tpu.memref_slice %arg7[%dma_wait3A_572, %dma_wait3A_573, %dma_wait3A_579] : memref<2x40x128xi32, #tpu.memory_space<vmem>> -> memref<1x1x64xi32, #tpu.memory_space<vmem>>
    %dma_wait3A_581 = tpu.memref_squeeze %dma_wait3A_580 : memref<1x1x64xi32, #tpu.memory_space<vmem>> -> memref<64xi32, #tpu.memory_space<vmem>>
    %dma_wait3A_582 = arith.constant 0 : i32
    %dma_wait3A_583 = arith.constant 0 : i32
    %dma_wait3A_584 = tpu.memref_slice %arg10[%dma_wait3A_582, %dma_wait3A_583] : memref<10000x64xf32, #tpu.memory_space<vmem_shared>> -> memref<10000x64xf32, #tpu.memory_space<vmem_shared>>
    tpu.wait_indirect_dma semaphore(%arg20 : memref<!tpu.dma_semaphore, #tpu.memory_space<semaphore_mem>>) src(%dma_wait3A_584 : memref<10000x64xf32, #tpu.memory_space<vmem_shared>>) dst(%dma_wait3A_578 : memref<64x64xf32, #tpu.memory_space<vmem>>)
    %dma_start3A_585 = arith.constant 0 : i32
    %dma_start3A_586 = arith.constant 0 : i32
    %dma_start3A_587 = arith.constant 39 : i32
    %dma_start3A_588 = arith.constant 0 : i32
    %dma_start3A_589 = arith.constant 0 : i32
    %dma_start3A_590 = tpu.memref_slice %arg9[%dma_start3A_585, %dma_start3A_588, %dma_start3A_589] : memref<3x128x64xf32, #tpu.memory_space<vmem>> -> memref<1x128x64xf32, #tpu.memory_space<vmem>>
    %dma_start3A_591 = tpu.memref_squeeze %dma_start3A_590 : memref<1x128x64xf32, #tpu.memory_space<vmem>> -> memref<128x64xf32, #tpu.memory_space<vmem>>
    %dma_start3A_592 = arith.constant 0 : i32
    %dma_start3A_593 = tpu.memref_slice %arg8[%dma_start3A_586, %dma_start3A_587, %dma_start3A_592] : memref<2x40x128xi32, #tpu.memory_space<vmem>> -> memref<1x1x128xi32, #tpu.memory_space<vmem>>
    %dma_start3A_594 = tpu.memref_squeeze %dma_start3A_593 : memref<1x1x128xi32, #tpu.memory_space<vmem>> -> memref<128xi32, #tpu.memory_space<vmem>>
    %dma_start3A_595 = arith.constant 0 : i32
    %dma_start3A_596 = arith.constant 0 : i32
    %dma_start3A_597 = tpu.memref_slice %arg11[%dma_start3A_595, %dma_start3A_596] : memref<10256x64xf32, #tpu.memory_space<vmem_shared>> -> memref<10256x64xf32, #tpu.memory_space<vmem_shared>>
    tpu.enqueue_indirect_dma source(%dma_start3A_591 : memref<128x64xf32, #tpu.memory_space<vmem>>) target(%dma_start3A_597 : memref<10256x64xf32, #tpu.memory_space<vmem_shared>>) offsets(%dma_start3A_594 : memref<128xi32, #tpu.memory_space<vmem>>) semaphore(%arg15 : memref<!tpu.dma_semaphore, #tpu.memory_space<semaphore_mem>>) {add = true}
    %dma_wait3A_598 = arith.constant 2 : i32
    %dma_wait3A_599 = arith.constant 0 : i32
    %dma_wait3A_600 = arith.constant 38 : i32
    %dma_wait3A_601 = arith.constant 0 : i32
    %dma_wait3A_602 = arith.constant 0 : i32
    %dma_wait3A_603 = tpu.memref_slice %arg9[%dma_wait3A_598, %dma_wait3A_601, %dma_wait3A_602] : memref<3x128x64xf32, #tpu.memory_space<vmem>> -> memref<1x128x64xf32, #tpu.memory_space<vmem>>
    %dma_wait3A_604 = tpu.memref_squeeze %dma_wait3A_603 : memref<1x128x64xf32, #tpu.memory_space<vmem>> -> memref<128x64xf32, #tpu.memory_space<vmem>>
    %dma_wait3A_605 = arith.constant 0 : i32
    %dma_wait3A_606 = tpu.memref_slice %arg8[%dma_wait3A_599, %dma_wait3A_600, %dma_wait3A_605] : memref<2x40x128xi32, #tpu.memory_space<vmem>> -> memref<1x1x128xi32, #tpu.memory_space<vmem>>
    %dma_wait3A_607 = tpu.memref_squeeze %dma_wait3A_606 : memref<1x1x128xi32, #tpu.memory_space<vmem>> -> memref<128xi32, #tpu.memory_space<vmem>>
    %dma_wait3A_608 = arith.constant 0 : i32
    %dma_wait3A_609 = arith.constant 0 : i32
    %dma_wait3A_610 = tpu.memref_slice %arg11[%dma_wait3A_608, %dma_wait3A_609] : memref<10256x64xf32, #tpu.memory_space<vmem_shared>> -> memref<10256x64xf32, #tpu.memory_space<vmem_shared>>
    tpu.wait_indirect_dma semaphore(%arg17 : memref<!tpu.dma_semaphore, #tpu.memory_space<semaphore_mem>>) src(%dma_wait3A_604 : memref<128x64xf32, #tpu.memory_space<vmem>>) dst(%dma_wait3A_610 : memref<10256x64xf32, #tpu.memory_space<vmem_shared>>)
    %dma_wait3A_611 = arith.constant 0 : i32
    %dma_wait3A_612 = arith.constant 0 : i32
    %dma_wait3A_613 = arith.constant 39 : i32
    %dma_wait3A_614 = arith.constant 0 : i32
    %dma_wait3A_615 = arith.constant 0 : i32
    %dma_wait3A_616 = tpu.memref_slice %arg9[%dma_wait3A_611, %dma_wait3A_614, %dma_wait3A_615] : memref<3x128x64xf32, #tpu.memory_space<vmem>> -> memref<1x128x64xf32, #tpu.memory_space<vmem>>
    %dma_wait3A_617 = tpu.memref_squeeze %dma_wait3A_616 : memref<1x128x64xf32, #tpu.memory_space<vmem>> -> memref<128x64xf32, #tpu.memory_space<vmem>>
    %dma_wait3A_618 = arith.constant 0 : i32
    %dma_wait3A_619 = tpu.memref_slice %arg8[%dma_wait3A_612, %dma_wait3A_613, %dma_wait3A_618] : memref<2x40x128xi32, #tpu.memory_space<vmem>> -> memref<1x1x128xi32, #tpu.memory_space<vmem>>
    %dma_wait3A_620 = tpu.memref_squeeze %dma_wait3A_619 : memref<1x1x128xi32, #tpu.memory_space<vmem>> -> memref<128xi32, #tpu.memory_space<vmem>>
    %dma_wait3A_621 = arith.constant 0 : i32
    %dma_wait3A_622 = arith.constant 0 : i32
    %dma_wait3A_623 = tpu.memref_slice %arg11[%dma_wait3A_621, %dma_wait3A_622] : memref<10256x64xf32, #tpu.memory_space<vmem_shared>> -> memref<10256x64xf32, #tpu.memory_space<vmem_shared>>
    tpu.wait_indirect_dma semaphore(%arg15 : memref<!tpu.dma_semaphore, #tpu.memory_space<semaphore_mem>>) src(%dma_wait3A_617 : memref<128x64xf32, #tpu.memory_space<vmem>>) dst(%dma_wait3A_623 : memref<10256x64xf32, #tpu.memory_space<vmem_shared>>)
    %dma_wait3A_624 = arith.constant 3 : i32
    %dma_wait3A_625 = arith.constant 1 : i32
    %dma_wait3A_626 = arith.constant 0 : i32
    %dma_wait3A_627 = arith.constant 0 : i32
    %dma_wait3A_628 = tpu.memref_slice %arg7[%dma_wait3A_625, %dma_wait3A_626, %dma_wait3A_627] : memref<2x40x128xi32, #tpu.memory_space<vmem>> -> memref<1x40x128xi32, #tpu.memory_space<vmem>>
    %dma_wait3A_629 = tpu.memref_squeeze %dma_wait3A_628 : memref<1x40x128xi32, #tpu.memory_space<vmem>> -> memref<40x128xi32, #tpu.memory_space<vmem>>
    %dma_wait3A_630 = arith.constant 0 : i32
    %dma_wait3A_631 = arith.constant 0 : i32
    %dma_wait3A_632 = tpu.memref_slice %arg3[%dma_wait3A_624, %dma_wait3A_630, %arg1, %dma_wait3A_631] : memref<4x40x16x128xi32, #tpu.memory_space<hbm>> -> memref<1x40x1x128xi32, #tpu.memory_space<hbm>>
    %dma_wait3A_633 = tpu.memref_squeeze %dma_wait3A_632 : memref<1x40x1x128xi32, #tpu.memory_space<hbm>> -> memref<40x128xi32, #tpu.memory_space<hbm>>
    %dma_wait3A_634 = arith.constant 0 : i32
    %dma_wait3A_635 = arith.constant 0 : i32
    %dma_wait3A_636 = tpu.memref_slice %arg7[%dma_wait3A_625, %dma_wait3A_634, %dma_wait3A_635] : memref<2x40x128xi32, #tpu.memory_space<vmem>> -> memref<1x40x128xi32, #tpu.memory_space<vmem>>
    %dma_wait3A_637 = tpu.memref_squeeze %dma_wait3A_636 : memref<1x40x128xi32, #tpu.memory_space<vmem>> -> memref<40x128xi32, #tpu.memory_space<vmem>>
    %dma_wait3A_638 = arith.constant 0 : i32
    %dma_wait3A_639 = arith.constant 0 : i32
    %dma_wait3A_640 = tpu.memref_slice %arg3[%dma_wait3A_624, %dma_wait3A_638, %arg1, %dma_wait3A_639] : memref<4x40x16x128xi32, #tpu.memory_space<hbm>> -> memref<1x40x1x128xi32, #tpu.memory_space<hbm>>
    %dma_wait3A_641 = tpu.memref_squeeze %dma_wait3A_640 : memref<1x40x1x128xi32, #tpu.memory_space<hbm>> -> memref<40x128xi32, #tpu.memory_space<hbm>>
    tpu.wait_dma2 semaphore(%arg19 : memref<!tpu.dma_semaphore, #tpu.memory_space<semaphore_mem>>) src(%dma_wait3A_641 : memref<40x128xi32, #tpu.memory_space<hbm>>) dst(%dma_wait3A_637 : memref<40x128xi32, #tpu.memory_space<vmem>>)
    %dma_wait3A_642 = arith.constant 3 : i32
    %dma_wait3A_643 = arith.constant 1 : i32
    %dma_wait3A_644 = arith.constant 0 : i32
    %dma_wait3A_645 = arith.constant 0 : i32
    %dma_wait3A_646 = tpu.memref_slice %arg8[%dma_wait3A_643, %dma_wait3A_644, %dma_wait3A_645] : memref<2x40x128xi32, #tpu.memory_space<vmem>> -> memref<1x40x128xi32, #tpu.memory_space<vmem>>
    %dma_wait3A_647 = tpu.memref_squeeze %dma_wait3A_646 : memref<1x40x128xi32, #tpu.memory_space<vmem>> -> memref<40x128xi32, #tpu.memory_space<vmem>>
    %dma_wait3A_648 = arith.constant 0 : i32
    %dma_wait3A_649 = arith.constant 0 : i32
    %dma_wait3A_650 = tpu.memref_slice %arg4[%dma_wait3A_642, %dma_wait3A_648, %arg1, %dma_wait3A_649] : memref<4x40x16x128xi32, #tpu.memory_space<hbm>> -> memref<1x40x1x128xi32, #tpu.memory_space<hbm>>
    %dma_wait3A_651 = tpu.memref_squeeze %dma_wait3A_650 : memref<1x40x1x128xi32, #tpu.memory_space<hbm>> -> memref<40x128xi32, #tpu.memory_space<hbm>>
    %dma_wait3A_652 = arith.constant 0 : i32
    %dma_wait3A_653 = arith.constant 0 : i32
    %dma_wait3A_654 = tpu.memref_slice %arg8[%dma_wait3A_643, %dma_wait3A_652, %dma_wait3A_653] : memref<2x40x128xi32, #tpu.memory_space<vmem>> -> memref<1x40x128xi32, #tpu.memory_space<vmem>>
    %dma_wait3A_655 = tpu.memref_squeeze %dma_wait3A_654 : memref<1x40x128xi32, #tpu.memory_space<vmem>> -> memref<40x128xi32, #tpu.memory_space<vmem>>
    %dma_wait3A_656 = arith.constant 0 : i32
    %dma_wait3A_657 = arith.constant 0 : i32
    %dma_wait3A_658 = tpu.memref_slice %arg4[%dma_wait3A_642, %dma_wait3A_656, %arg1, %dma_wait3A_657] : memref<4x40x16x128xi32, #tpu.memory_space<hbm>> -> memref<1x40x1x128xi32, #tpu.memory_space<hbm>>
    %dma_wait3A_659 = tpu.memref_squeeze %dma_wait3A_658 : memref<1x40x1x128xi32, #tpu.memory_space<hbm>> -> memref<40x128xi32, #tpu.memory_space<hbm>>
    tpu.wait_dma2 semaphore(%arg19 : memref<!tpu.dma_semaphore, #tpu.memory_space<semaphore_mem>>) src(%dma_wait3A_659 : memref<40x128xi32, #tpu.memory_space<hbm>>) dst(%dma_wait3A_655 : memref<40x128xi32, #tpu.memory_space<vmem>>)
    %dma_start3A_660 = arith.constant 1 : i32
    %dma_start3A_661 = arith.constant 0 : i32
    %dma_start3A_662 = arith.constant 0 : i32
    %dma_start3A_663 = arith.constant 0 : i32
    %dma_start3A_664 = arith.constant 0 : i32
    %dma_start3A_665 = tpu.memref_slice %arg9[%dma_start3A_662, %dma_start3A_663, %dma_start3A_664] : memref<3x128x64xf32, #tpu.memory_space<vmem>> -> memref<1x64x64xf32, #tpu.memory_space<vmem>>
    %dma_start3A_666 = tpu.memref_squeeze %dma_start3A_665 : memref<1x64x64xf32, #tpu.memory_space<vmem>> -> memref<64x64xf32, #tpu.memory_space<vmem>>
    %dma_start3A_667 = arith.constant 0 : i32
    %dma_start3A_668 = tpu.memref_slice %arg7[%dma_start3A_660, %dma_start3A_661, %dma_start3A_667] : memref<2x40x128xi32, #tpu.memory_space<vmem>> -> memref<1x1x64xi32, #tpu.memory_space<vmem>>
    %dma_start3A_669 = tpu.memref_squeeze %dma_start3A_668 : memref<1x1x64xi32, #tpu.memory_space<vmem>> -> memref<64xi32, #tpu.memory_space<vmem>>
    %dma_start3A_670 = arith.constant 0 : i32
    %dma_start3A_671 = arith.constant 0 : i32
    %dma_start3A_672 = tpu.memref_slice %arg10[%dma_start3A_670, %dma_start3A_671] : memref<10000x64xf32, #tpu.memory_space<vmem_shared>> -> memref<10000x64xf32, #tpu.memory_space<vmem_shared>>
    tpu.enqueue_indirect_dma source(%dma_start3A_672 : memref<10000x64xf32, #tpu.memory_space<vmem_shared>>) target(%dma_start3A_666 : memref<64x64xf32, #tpu.memory_space<vmem>>) offsets(%dma_start3A_669 : memref<64xi32, #tpu.memory_space<vmem>>) semaphore(%arg12 : memref<!tpu.dma_semaphore, #tpu.memory_space<semaphore_mem>>)
    %dma_start3A_673 = arith.constant 1 : i32
    %dma_start3A_674 = arith.constant 0 : i32
    %dma_start3A_675 = arith.constant 0 : i32
    %dma_start3A_676 = arith.constant 64 : i32
    %dma_start3A_677 = arith.constant 0 : i32
    %dma_start3A_678 = tpu.memref_slice %arg9[%dma_start3A_675, %dma_start3A_676, %dma_start3A_677] : memref<3x128x64xf32, #tpu.memory_space<vmem>> -> memref<1x64x64xf32, #tpu.memory_space<vmem>>
    %dma_start3A_679 = tpu.memref_squeeze %dma_start3A_678 : memref<1x64x64xf32, #tpu.memory_space<vmem>> -> memref<64x64xf32, #tpu.memory_space<vmem>>
    %dma_start3A_680 = arith.constant 64 : i32
    %dma_start3A_681 = tpu.memref_slice %arg7[%dma_start3A_673, %dma_start3A_674, %dma_start3A_680] : memref<2x40x128xi32, #tpu.memory_space<vmem>> -> memref<1x1x64xi32, #tpu.memory_space<vmem>>
    %dma_start3A_682 = tpu.memref_squeeze %dma_start3A_681 : memref<1x1x64xi32, #tpu.memory_space<vmem>> -> memref<64xi32, #tpu.memory_space<vmem>>
    %dma_start3A_683 = arith.constant 0 : i32
    %dma_start3A_684 = arith.constant 0 : i32
    %dma_start3A_685 = tpu.memref_slice %arg10[%dma_start3A_683, %dma_start3A_684] : memref<10000x64xf32, #tpu.memory_space<vmem_shared>> -> memref<10000x64xf32, #tpu.memory_space<vmem_shared>>
    tpu.enqueue_indirect_dma source(%dma_start3A_685 : memref<10000x64xf32, #tpu.memory_space<vmem_shared>>) target(%dma_start3A_679 : memref<64x64xf32, #tpu.memory_space<vmem>>) offsets(%dma_start3A_682 : memref<64xi32, #tpu.memory_space<vmem>>) semaphore(%arg20 : memref<!tpu.dma_semaphore, #tpu.memory_space<semaphore_mem>>)
    %dma_start3A_686 = arith.constant 1 : i32
    %dma_start3A_687 = arith.constant 1 : i32
    %dma_start3A_688 = arith.constant 1 : i32
    %dma_start3A_689 = arith.constant 0 : i32
    %dma_start3A_690 = arith.constant 0 : i32
    %dma_start3A_691 = tpu.memref_slice %arg9[%dma_start3A_688, %dma_start3A_689, %dma_start3A_690] : memref<3x128x64xf32, #tpu.memory_space<vmem>> -> memref<1x64x64xf32, #tpu.memory_space<vmem>>
    %dma_start3A_692 = tpu.memref_squeeze %dma_start3A_691 : memref<1x64x64xf32, #tpu.memory_space<vmem>> -> memref<64x64xf32, #tpu.memory_space<vmem>>
    %dma_start3A_693 = arith.constant 0 : i32
    %dma_start3A_694 = tpu.memref_slice %arg7[%dma_start3A_686, %dma_start3A_687, %dma_start3A_693] : memref<2x40x128xi32, #tpu.memory_space<vmem>> -> memref<1x1x64xi32, #tpu.memory_space<vmem>>
    %dma_start3A_695 = tpu.memref_squeeze %dma_start3A_694 : memref<1x1x64xi32, #tpu.memory_space<vmem>> -> memref<64xi32, #tpu.memory_space<vmem>>
    %dma_start3A_696 = arith.constant 0 : i32
    %dma_start3A_697 = arith.constant 0 : i32
    %dma_start3A_698 = tpu.memref_slice %arg10[%dma_start3A_696, %dma_start3A_697] : memref<10000x64xf32, #tpu.memory_space<vmem_shared>> -> memref<10000x64xf32, #tpu.memory_space<vmem_shared>>
    tpu.enqueue_indirect_dma source(%dma_start3A_698 : memref<10000x64xf32, #tpu.memory_space<vmem_shared>>) target(%dma_start3A_692 : memref<64x64xf32, #tpu.memory_space<vmem>>) offsets(%dma_start3A_695 : memref<64xi32, #tpu.memory_space<vmem>>) semaphore(%arg13 : memref<!tpu.dma_semaphore, #tpu.memory_space<semaphore_mem>>)
    %dma_start3A_699 = arith.constant 1 : i32
    %dma_start3A_700 = arith.constant 1 : i32
    %dma_start3A_701 = arith.constant 1 : i32
    %dma_start3A_702 = arith.constant 64 : i32
    %dma_start3A_703 = arith.constant 0 : i32
    %dma_start3A_704 = tpu.memref_slice %arg9[%dma_start3A_701, %dma_start3A_702, %dma_start3A_703] : memref<3x128x64xf32, #tpu.memory_space<vmem>> -> memref<1x64x64xf32, #tpu.memory_space<vmem>>
    %dma_start3A_705 = tpu.memref_squeeze %dma_start3A_704 : memref<1x64x64xf32, #tpu.memory_space<vmem>> -> memref<64x64xf32, #tpu.memory_space<vmem>>
    %dma_start3A_706 = arith.constant 64 : i32
    %dma_start3A_707 = tpu.memref_slice %arg7[%dma_start3A_699, %dma_start3A_700, %dma_start3A_706] : memref<2x40x128xi32, #tpu.memory_space<vmem>> -> memref<1x1x64xi32, #tpu.memory_space<vmem>>
    %dma_start3A_708 = tpu.memref_squeeze %dma_start3A_707 : memref<1x1x64xi32, #tpu.memory_space<vmem>> -> memref<64xi32, #tpu.memory_space<vmem>>
    %dma_start3A_709 = arith.constant 0 : i32
    %dma_start3A_710 = arith.constant 0 : i32
    %dma_start3A_711 = tpu.memref_slice %arg10[%dma_start3A_709, %dma_start3A_710] : memref<10000x64xf32, #tpu.memory_space<vmem_shared>> -> memref<10000x64xf32, #tpu.memory_space<vmem_shared>>
    tpu.enqueue_indirect_dma source(%dma_start3A_711 : memref<10000x64xf32, #tpu.memory_space<vmem_shared>>) target(%dma_start3A_705 : memref<64x64xf32, #tpu.memory_space<vmem>>) offsets(%dma_start3A_708 : memref<64xi32, #tpu.memory_space<vmem>>) semaphore(%arg21 : memref<!tpu.dma_semaphore, #tpu.memory_space<semaphore_mem>>)
    %scan3A_712 = arith.constant 0 : i32
    %scan3A_713 = arith.constant 0 : i32
    %scan3A_714 = arith.constant 13 : i32
    %scan3A_715 = arith.addi %scan3A_713, %scan3A_714 : i32
    %scan3A_716 = arith.constant 1 : i32
    scf.for %scan3A_794 = %scan3A_713 to %scan3A_715 step %scan3A_716  : i32 {
      %mul3A = arith.constant 3 : i32
      %mul3A_795 = arith.muli %scan3A_794, %mul3A : i32
      %add3A = arith.constant 0 : i32
      %add3A_796 = arith.addi %mul3A_795, %add3A : i32
      %dma_wait3A_797 = arith.constant 1 : i32
      %dma_wait3A_798 = arith.constant 0 : i32
      %dma_wait3A_799 = arith.constant 0 : i32
      %dma_wait3A_800 = arith.constant 0 : i32
      %dma_wait3A_801 = tpu.memref_slice %arg9[%dma_wait3A_798, %dma_wait3A_799, %dma_wait3A_800] : memref<3x128x64xf32, #tpu.memory_space<vmem>> -> memref<1x64x64xf32, #tpu.memory_space<vmem>>
      %dma_wait3A_802 = tpu.memref_squeeze %dma_wait3A_801 : memref<1x64x64xf32, #tpu.memory_space<vmem>> -> memref<64x64xf32, #tpu.memory_space<vmem>>
      %dma_wait3A_803 = arith.constant 0 : i32
      %dma_wait3A_804 = tpu.memref_slice %arg7[%dma_wait3A_797, %add3A_796, %dma_wait3A_803] : memref<2x40x128xi32, #tpu.memory_space<vmem>> -> memref<1x1x64xi32, #tpu.memory_space<vmem>>
      %dma_wait3A_805 = tpu.memref_squeeze %dma_wait3A_804 : memref<1x1x64xi32, #tpu.memory_space<vmem>> -> memref<64xi32, #tpu.memory_space<vmem>>
      %dma_wait3A_806 = arith.constant 0 : i32
      %dma_wait3A_807 = arith.constant 0 : i32
      %dma_wait3A_808 = tpu.memref_slice %arg10[%dma_wait3A_806, %dma_wait3A_807] : memref<10000x64xf32, #tpu.memory_space<vmem_shared>> -> memref<10000x64xf32, #tpu.memory_space<vmem_shared>>
      tpu.wait_indirect_dma semaphore(%arg12 : memref<!tpu.dma_semaphore, #tpu.memory_space<semaphore_mem>>) src(%dma_wait3A_808 : memref<10000x64xf32, #tpu.memory_space<vmem_shared>>) dst(%dma_wait3A_802 : memref<64x64xf32, #tpu.memory_space<vmem>>)
      %dma_wait3A_809 = arith.constant 1 : i32
      %dma_wait3A_810 = arith.constant 0 : i32
      %dma_wait3A_811 = arith.constant 64 : i32
      %dma_wait3A_812 = arith.constant 0 : i32
      %dma_wait3A_813 = tpu.memref_slice %arg9[%dma_wait3A_810, %dma_wait3A_811, %dma_wait3A_812] : memref<3x128x64xf32, #tpu.memory_space<vmem>> -> memref<1x64x64xf32, #tpu.memory_space<vmem>>
      %dma_wait3A_814 = tpu.memref_squeeze %dma_wait3A_813 : memref<1x64x64xf32, #tpu.memory_space<vmem>> -> memref<64x64xf32, #tpu.memory_space<vmem>>
      %dma_wait3A_815 = arith.constant 64 : i32
      %dma_wait3A_816 = tpu.memref_slice %arg7[%dma_wait3A_809, %add3A_796, %dma_wait3A_815] : memref<2x40x128xi32, #tpu.memory_space<vmem>> -> memref<1x1x64xi32, #tpu.memory_space<vmem>>
      %dma_wait3A_817 = tpu.memref_squeeze %dma_wait3A_816 : memref<1x1x64xi32, #tpu.memory_space<vmem>> -> memref<64xi32, #tpu.memory_space<vmem>>
      %dma_wait3A_818 = arith.constant 0 : i32
      %dma_wait3A_819 = arith.constant 0 : i32
      %dma_wait3A_820 = tpu.memref_slice %arg10[%dma_wait3A_818, %dma_wait3A_819] : memref<10000x64xf32, #tpu.memory_space<vmem_shared>> -> memref<10000x64xf32, #tpu.memory_space<vmem_shared>>
      tpu.wait_indirect_dma semaphore(%arg20 : memref<!tpu.dma_semaphore, #tpu.memory_space<semaphore_mem>>) src(%dma_wait3A_820 : memref<10000x64xf32, #tpu.memory_space<vmem_shared>>) dst(%dma_wait3A_814 : memref<64x64xf32, #tpu.memory_space<vmem>>)
      %dma_start3A_821 = arith.constant 0 : i32
      %dma_start3A_822 = arith.constant 1 : i32
      %dma_start3A_823 = arith.constant 0 : i32
      %dma_start3A_824 = arith.constant 0 : i32
      %dma_start3A_825 = tpu.memref_slice %arg9[%dma_start3A_821, %dma_start3A_823, %dma_start3A_824] : memref<3x128x64xf32, #tpu.memory_space<vmem>> -> memref<1x128x64xf32, #tpu.memory_space<vmem>>
      %dma_start3A_826 = tpu.memref_squeeze %dma_start3A_825 : memref<1x128x64xf32, #tpu.memory_space<vmem>> -> memref<128x64xf32, #tpu.memory_space<vmem>>
      %dma_start3A_827 = arith.constant 0 : i32
      %dma_start3A_828 = tpu.memref_slice %arg8[%dma_start3A_822, %add3A_796, %dma_start3A_827] : memref<2x40x128xi32, #tpu.memory_space<vmem>> -> memref<1x1x128xi32, #tpu.memory_space<vmem>>
      %dma_start3A_829 = tpu.memref_squeeze %dma_start3A_828 : memref<1x1x128xi32, #tpu.memory_space<vmem>> -> memref<128xi32, #tpu.memory_space<vmem>>
      %dma_start3A_830 = arith.constant 0 : i32
      %dma_start3A_831 = arith.constant 0 : i32
      %dma_start3A_832 = tpu.memref_slice %arg11[%dma_start3A_830, %dma_start3A_831] : memref<10256x64xf32, #tpu.memory_space<vmem_shared>> -> memref<10256x64xf32, #tpu.memory_space<vmem_shared>>
      tpu.enqueue_indirect_dma source(%dma_start3A_826 : memref<128x64xf32, #tpu.memory_space<vmem>>) target(%dma_start3A_832 : memref<10256x64xf32, #tpu.memory_space<vmem_shared>>) offsets(%dma_start3A_829 : memref<128xi32, #tpu.memory_space<vmem>>) semaphore(%arg15 : memref<!tpu.dma_semaphore, #tpu.memory_space<semaphore_mem>>) {add = true}
      %gt3A = arith.constant 0 : i32
      %gt3A_833 = arith.cmpi sgt, %scan3A_794, %gt3A : i32
      %convert_element_type3A_834 = arith.extui %gt3A_833 : i1 to i32
      %cond3A_835 = arith.constant 0 : i32
      %cond3A_836 = arith.cmpi ne, %convert_element_type3A_834, %cond3A_835 : i32
      scf.if %cond3A_836 {
        %sub3A_1005 = arith.constant 1 : i32
        %sub3A_1006 = arith.subi %add3A_796, %sub3A_1005 : i32
        %dma_wait3A_1007 = arith.constant 2 : i32
        %dma_wait3A_1008 = arith.constant 1 : i32
        %dma_wait3A_1009 = arith.constant 0 : i32
        %dma_wait3A_1010 = arith.constant 0 : i32
        %dma_wait3A_1011 = tpu.memref_slice %arg9[%dma_wait3A_1007, %dma_wait3A_1009, %dma_wait3A_1010] : memref<3x128x64xf32, #tpu.memory_space<vmem>> -> memref<1x128x64xf32, #tpu.memory_space<vmem>>
        %dma_wait3A_1012 = tpu.memref_squeeze %dma_wait3A_1011 : memref<1x128x64xf32, #tpu.memory_space<vmem>> -> memref<128x64xf32, #tpu.memory_space<vmem>>
        %dma_wait3A_1013 = arith.constant 0 : i32
        %dma_wait3A_1014 = tpu.memref_slice %arg8[%dma_wait3A_1008, %sub3A_1006, %dma_wait3A_1013] : memref<2x40x128xi32, #tpu.memory_space<vmem>> -> memref<1x1x128xi32, #tpu.memory_space<vmem>>
        %dma_wait3A_1015 = tpu.memref_squeeze %dma_wait3A_1014 : memref<1x1x128xi32, #tpu.memory_space<vmem>> -> memref<128xi32, #tpu.memory_space<vmem>>
        %dma_wait3A_1016 = arith.constant 0 : i32
        %dma_wait3A_1017 = arith.constant 0 : i32
        %dma_wait3A_1018 = tpu.memref_slice %arg11[%dma_wait3A_1016, %dma_wait3A_1017] : memref<10256x64xf32, #tpu.memory_space<vmem_shared>> -> memref<10256x64xf32, #tpu.memory_space<vmem_shared>>
        tpu.wait_indirect_dma semaphore(%arg17 : memref<!tpu.dma_semaphore, #tpu.memory_space<semaphore_mem>>) src(%dma_wait3A_1012 : memref<128x64xf32, #tpu.memory_space<vmem>>) dst(%dma_wait3A_1018 : memref<10256x64xf32, #tpu.memory_space<vmem_shared>>)
      } else {
      }
      %add3A_837 = arith.constant 2 : i32
      %add3A_838 = arith.addi %add3A_796, %add3A_837 : i32
      %dma_start3A_839 = arith.constant 1 : i32
      %dma_start3A_840 = arith.constant 2 : i32
      %dma_start3A_841 = arith.constant 0 : i32
      %dma_start3A_842 = arith.constant 0 : i32
      %dma_start3A_843 = tpu.memref_slice %arg9[%dma_start3A_840, %dma_start3A_841, %dma_start3A_842] : memref<3x128x64xf32, #tpu.memory_space<vmem>> -> memref<1x64x64xf32, #tpu.memory_space<vmem>>
      %dma_start3A_844 = tpu.memref_squeeze %dma_start3A_843 : memref<1x64x64xf32, #tpu.memory_space<vmem>> -> memref<64x64xf32, #tpu.memory_space<vmem>>
      %dma_start3A_845 = arith.constant 0 : i32
      %dma_start3A_846 = tpu.memref_slice %arg7[%dma_start3A_839, %add3A_838, %dma_start3A_845] : memref<2x40x128xi32, #tpu.memory_space<vmem>> -> memref<1x1x64xi32, #tpu.memory_space<vmem>>
      %dma_start3A_847 = tpu.memref_squeeze %dma_start3A_846 : memref<1x1x64xi32, #tpu.memory_space<vmem>> -> memref<64xi32, #tpu.memory_space<vmem>>
      %dma_start3A_848 = arith.constant 0 : i32
      %dma_start3A_849 = arith.constant 0 : i32
      %dma_start3A_850 = tpu.memref_slice %arg10[%dma_start3A_848, %dma_start3A_849] : memref<10000x64xf32, #tpu.memory_space<vmem_shared>> -> memref<10000x64xf32, #tpu.memory_space<vmem_shared>>
      tpu.enqueue_indirect_dma source(%dma_start3A_850 : memref<10000x64xf32, #tpu.memory_space<vmem_shared>>) target(%dma_start3A_844 : memref<64x64xf32, #tpu.memory_space<vmem>>) offsets(%dma_start3A_847 : memref<64xi32, #tpu.memory_space<vmem>>) semaphore(%arg14 : memref<!tpu.dma_semaphore, #tpu.memory_space<semaphore_mem>>)
      %add3A_851 = arith.constant 2 : i32
      %add3A_852 = arith.addi %add3A_796, %add3A_851 : i32
      %dma_start3A_853 = arith.constant 1 : i32
      %dma_start3A_854 = arith.constant 2 : i32
      %dma_start3A_855 = arith.constant 64 : i32
      %dma_start3A_856 = arith.constant 0 : i32
      %dma_start3A_857 = tpu.memref_slice %arg9[%dma_start3A_854, %dma_start3A_855, %dma_start3A_856] : memref<3x128x64xf32, #tpu.memory_space<vmem>> -> memref<1x64x64xf32, #tpu.memory_space<vmem>>
      %dma_start3A_858 = tpu.memref_squeeze %dma_start3A_857 : memref<1x64x64xf32, #tpu.memory_space<vmem>> -> memref<64x64xf32, #tpu.memory_space<vmem>>
      %dma_start3A_859 = arith.constant 64 : i32
      %dma_start3A_860 = tpu.memref_slice %arg7[%dma_start3A_853, %add3A_852, %dma_start3A_859] : memref<2x40x128xi32, #tpu.memory_space<vmem>> -> memref<1x1x64xi32, #tpu.memory_space<vmem>>
      %dma_start3A_861 = tpu.memref_squeeze %dma_start3A_860 : memref<1x1x64xi32, #tpu.memory_space<vmem>> -> memref<64xi32, #tpu.memory_space<vmem>>
      %dma_start3A_862 = arith.constant 0 : i32
      %dma_start3A_863 = arith.constant 0 : i32
      %dma_start3A_864 = tpu.memref_slice %arg10[%dma_start3A_862, %dma_start3A_863] : memref<10000x64xf32, #tpu.memory_space<vmem_shared>> -> memref<10000x64xf32, #tpu.memory_space<vmem_shared>>
      tpu.enqueue_indirect_dma source(%dma_start3A_864 : memref<10000x64xf32, #tpu.memory_space<vmem_shared>>) target(%dma_start3A_858 : memref<64x64xf32, #tpu.memory_space<vmem>>) offsets(%dma_start3A_861 : memref<64xi32, #tpu.memory_space<vmem>>) semaphore(%arg22 : memref<!tpu.dma_semaphore, #tpu.memory_space<semaphore_mem>>)
      %mul3A_865 = arith.constant 3 : i32
      %mul3A_866 = arith.muli %scan3A_794, %mul3A_865 : i32
      %add3A_867 = arith.constant 1 : i32
      %add3A_868 = arith.addi %mul3A_866, %add3A_867 : i32
      %dma_wait3A_869 = arith.constant 1 : i32
      %dma_wait3A_870 = arith.constant 1 : i32
      %dma_wait3A_871 = arith.constant 0 : i32
      %dma_wait3A_872 = arith.constant 0 : i32
      %dma_wait3A_873 = tpu.memref_slice %arg9[%dma_wait3A_870, %dma_wait3A_871, %dma_wait3A_872] : memref<3x128x64xf32, #tpu.memory_space<vmem>> -> memref<1x64x64xf32, #tpu.memory_space<vmem>>
      %dma_wait3A_874 = tpu.memref_squeeze %dma_wait3A_873 : memref<1x64x64xf32, #tpu.memory_space<vmem>> -> memref<64x64xf32, #tpu.memory_space<vmem>>
      %dma_wait3A_875 = arith.constant 0 : i32
      %dma_wait3A_876 = tpu.memref_slice %arg7[%dma_wait3A_869, %add3A_868, %dma_wait3A_875] : memref<2x40x128xi32, #tpu.memory_space<vmem>> -> memref<1x1x64xi32, #tpu.memory_space<vmem>>
      %dma_wait3A_877 = tpu.memref_squeeze %dma_wait3A_876 : memref<1x1x64xi32, #tpu.memory_space<vmem>> -> memref<64xi32, #tpu.memory_space<vmem>>
      %dma_wait3A_878 = arith.constant 0 : i32
      %dma_wait3A_879 = arith.constant 0 : i32
      %dma_wait3A_880 = tpu.memref_slice %arg10[%dma_wait3A_878, %dma_wait3A_879] : memref<10000x64xf32, #tpu.memory_space<vmem_shared>> -> memref<10000x64xf32, #tpu.memory_space<vmem_shared>>
      tpu.wait_indirect_dma semaphore(%arg13 : memref<!tpu.dma_semaphore, #tpu.memory_space<semaphore_mem>>) src(%dma_wait3A_880 : memref<10000x64xf32, #tpu.memory_space<vmem_shared>>) dst(%dma_wait3A_874 : memref<64x64xf32, #tpu.memory_space<vmem>>)
      %dma_wait3A_881 = arith.constant 1 : i32
      %dma_wait3A_882 = arith.constant 1 : i32
      %dma_wait3A_883 = arith.constant 64 : i32
      %dma_wait3A_884 = arith.constant 0 : i32
      %dma_wait3A_885 = tpu.memref_slice %arg9[%dma_wait3A_882, %dma_wait3A_883, %dma_wait3A_884] : memref<3x128x64xf32, #tpu.memory_space<vmem>> -> memref<1x64x64xf32, #tpu.memory_space<vmem>>
      %dma_wait3A_886 = tpu.memref_squeeze %dma_wait3A_885 : memref<1x64x64xf32, #tpu.memory_space<vmem>> -> memref<64x64xf32, #tpu.memory_space<vmem>>
      %dma_wait3A_887 = arith.constant 64 : i32
      %dma_wait3A_888 = tpu.memref_slice %arg7[%dma_wait3A_881, %add3A_868, %dma_wait3A_887] : memref<2x40x128xi32, #tpu.memory_space<vmem>> -> memref<1x1x64xi32, #tpu.memory_space<vmem>>
      %dma_wait3A_889 = tpu.memref_squeeze %dma_wait3A_888 : memref<1x1x64xi32, #tpu.memory_space<vmem>> -> memref<64xi32, #tpu.memory_space<vmem>>
      %dma_wait3A_890 = arith.constant 0 : i32
      %dma_wait3A_891 = arith.constant 0 : i32
      %dma_wait3A_892 = tpu.memref_slice %arg10[%dma_wait3A_890, %dma_wait3A_891] : memref<10000x64xf32, #tpu.memory_space<vmem_shared>> -> memref<10000x64xf32, #tpu.memory_space<vmem_shared>>
      tpu.wait_indirect_dma semaphore(%arg21 : memref<!tpu.dma_semaphore, #tpu.memory_space<semaphore_mem>>) src(%dma_wait3A_892 : memref<10000x64xf32, #tpu.memory_space<vmem_shared>>) dst(%dma_wait3A_886 : memref<64x64xf32, #tpu.memory_space<vmem>>)
      %dma_start3A_893 = arith.constant 1 : i32
      %dma_start3A_894 = arith.constant 1 : i32
      %dma_start3A_895 = arith.constant 0 : i32
      %dma_start3A_896 = arith.constant 0 : i32
      %dma_start3A_897 = tpu.memref_slice %arg9[%dma_start3A_893, %dma_start3A_895, %dma_start3A_896] : memref<3x128x64xf32, #tpu.memory_space<vmem>> -> memref<1x128x64xf32, #tpu.memory_space<vmem>>
      %dma_start3A_898 = tpu.memref_squeeze %dma_start3A_897 : memref<1x128x64xf32, #tpu.memory_space<vmem>> -> memref<128x64xf32, #tpu.memory_space<vmem>>
      %dma_start3A_899 = arith.constant 0 : i32
      %dma_start3A_900 = tpu.memref_slice %arg8[%dma_start3A_894, %add3A_868, %dma_start3A_899] : memref<2x40x128xi32, #tpu.memory_space<vmem>> -> memref<1x1x128xi32, #tpu.memory_space<vmem>>
      %dma_start3A_901 = tpu.memref_squeeze %dma_start3A_900 : memref<1x1x128xi32, #tpu.memory_space<vmem>> -> memref<128xi32, #tpu.memory_space<vmem>>
      %dma_start3A_902 = arith.constant 0 : i32
      %dma_start3A_903 = arith.constant 0 : i32
      %dma_start3A_904 = tpu.memref_slice %arg11[%dma_start3A_902, %dma_start3A_903] : memref<10256x64xf32, #tpu.memory_space<vmem_shared>> -> memref<10256x64xf32, #tpu.memory_space<vmem_shared>>
      tpu.enqueue_indirect_dma source(%dma_start3A_898 : memref<128x64xf32, #tpu.memory_space<vmem>>) target(%dma_start3A_904 : memref<10256x64xf32, #tpu.memory_space<vmem_shared>>) offsets(%dma_start3A_901 : memref<128xi32, #tpu.memory_space<vmem>>) semaphore(%arg16 : memref<!tpu.dma_semaphore, #tpu.memory_space<semaphore_mem>>) {add = true}
      %sub3A = arith.constant 1 : i32
      %sub3A_905 = arith.subi %add3A_868, %sub3A : i32
      %dma_wait3A_906 = arith.constant 0 : i32
      %dma_wait3A_907 = arith.constant 1 : i32
      %dma_wait3A_908 = arith.constant 0 : i32
      %dma_wait3A_909 = arith.constant 0 : i32
      %dma_wait3A_910 = tpu.memref_slice %arg9[%dma_wait3A_906, %dma_wait3A_908, %dma_wait3A_909] : memref<3x128x64xf32, #tpu.memory_space<vmem>> -> memref<1x128x64xf32, #tpu.memory_space<vmem>>
      %dma_wait3A_911 = tpu.memref_squeeze %dma_wait3A_910 : memref<1x128x64xf32, #tpu.memory_space<vmem>> -> memref<128x64xf32, #tpu.memory_space<vmem>>
      %dma_wait3A_912 = arith.constant 0 : i32
      %dma_wait3A_913 = tpu.memref_slice %arg8[%dma_wait3A_907, %sub3A_905, %dma_wait3A_912] : memref<2x40x128xi32, #tpu.memory_space<vmem>> -> memref<1x1x128xi32, #tpu.memory_space<vmem>>
      %dma_wait3A_914 = tpu.memref_squeeze %dma_wait3A_913 : memref<1x1x128xi32, #tpu.memory_space<vmem>> -> memref<128xi32, #tpu.memory_space<vmem>>
      %dma_wait3A_915 = arith.constant 0 : i32
      %dma_wait3A_916 = arith.constant 0 : i32
      %dma_wait3A_917 = tpu.memref_slice %arg11[%dma_wait3A_915, %dma_wait3A_916] : memref<10256x64xf32, #tpu.memory_space<vmem_shared>> -> memref<10256x64xf32, #tpu.memory_space<vmem_shared>>
      tpu.wait_indirect_dma semaphore(%arg15 : memref<!tpu.dma_semaphore, #tpu.memory_space<semaphore_mem>>) src(%dma_wait3A_911 : memref<128x64xf32, #tpu.memory_space<vmem>>) dst(%dma_wait3A_917 : memref<10256x64xf32, #tpu.memory_space<vmem_shared>>)
      %add3A_918 = arith.constant 2 : i32
      %add3A_919 = arith.addi %add3A_868, %add3A_918 : i32
      %dma_start3A_920 = arith.constant 1 : i32
      %dma_start3A_921 = arith.constant 0 : i32
      %dma_start3A_922 = arith.constant 0 : i32
      %dma_start3A_923 = arith.constant 0 : i32
      %dma_start3A_924 = tpu.memref_slice %arg9[%dma_start3A_921, %dma_start3A_922, %dma_start3A_923] : memref<3x128x64xf32, #tpu.memory_space<vmem>> -> memref<1x64x64xf32, #tpu.memory_space<vmem>>
      %dma_start3A_925 = tpu.memref_squeeze %dma_start3A_924 : memref<1x64x64xf32, #tpu.memory_space<vmem>> -> memref<64x64xf32, #tpu.memory_space<vmem>>
      %dma_start3A_926 = arith.constant 0 : i32
      %dma_start3A_927 = tpu.memref_slice %arg7[%dma_start3A_920, %add3A_919, %dma_start3A_926] : memref<2x40x128xi32, #tpu.memory_space<vmem>> -> memref<1x1x64xi32, #tpu.memory_space<vmem>>
      %dma_start3A_928 = tpu.memref_squeeze %dma_start3A_927 : memref<1x1x64xi32, #tpu.memory_space<vmem>> -> memref<64xi32, #tpu.memory_space<vmem>>
      %dma_start3A_929 = arith.constant 0 : i32
      %dma_start3A_930 = arith.constant 0 : i32
      %dma_start3A_931 = tpu.memref_slice %arg10[%dma_start3A_929, %dma_start3A_930] : memref<10000x64xf32, #tpu.memory_space<vmem_shared>> -> memref<10000x64xf32, #tpu.memory_space<vmem_shared>>
      tpu.enqueue_indirect_dma source(%dma_start3A_931 : memref<10000x64xf32, #tpu.memory_space<vmem_shared>>) target(%dma_start3A_925 : memref<64x64xf32, #tpu.memory_space<vmem>>) offsets(%dma_start3A_928 : memref<64xi32, #tpu.memory_space<vmem>>) semaphore(%arg12 : memref<!tpu.dma_semaphore, #tpu.memory_space<semaphore_mem>>)
      %add3A_932 = arith.constant 2 : i32
      %add3A_933 = arith.addi %add3A_868, %add3A_932 : i32
      %dma_start3A_934 = arith.constant 1 : i32
      %dma_start3A_935 = arith.constant 0 : i32
      %dma_start3A_936 = arith.constant 64 : i32
      %dma_start3A_937 = arith.constant 0 : i32
      %dma_start3A_938 = tpu.memref_slice %arg9[%dma_start3A_935, %dma_start3A_936, %dma_start3A_937] : memref<3x128x64xf32, #tpu.memory_space<vmem>> -> memref<1x64x64xf32, #tpu.memory_space<vmem>>
      %dma_start3A_939 = tpu.memref_squeeze %dma_start3A_938 : memref<1x64x64xf32, #tpu.memory_space<vmem>> -> memref<64x64xf32, #tpu.memory_space<vmem>>
      %dma_start3A_940 = arith.constant 64 : i32
      %dma_start3A_941 = tpu.memref_slice %arg7[%dma_start3A_934, %add3A_933, %dma_start3A_940] : memref<2x40x128xi32, #tpu.memory_space<vmem>> -> memref<1x1x64xi32, #tpu.memory_space<vmem>>
      %dma_start3A_942 = tpu.memref_squeeze %dma_start3A_941 : memref<1x1x64xi32, #tpu.memory_space<vmem>> -> memref<64xi32, #tpu.memory_space<vmem>>
      %dma_start3A_943 = arith.constant 0 : i32
      %dma_start3A_944 = arith.constant 0 : i32
      %dma_start3A_945 = tpu.memref_slice %arg10[%dma_start3A_943, %dma_start3A_944] : memref<10000x64xf32, #tpu.memory_space<vmem_shared>> -> memref<10000x64xf32, #tpu.memory_space<vmem_shared>>
      tpu.enqueue_indirect_dma source(%dma_start3A_945 : memref<10000x64xf32, #tpu.memory_space<vmem_shared>>) target(%dma_start3A_939 : memref<64x64xf32, #tpu.memory_space<vmem>>) offsets(%dma_start3A_942 : memref<64xi32, #tpu.memory_space<vmem>>) semaphore(%arg20 : memref<!tpu.dma_semaphore, #tpu.memory_space<semaphore_mem>>)
      %mul3A_946 = arith.constant 3 : i32
      %mul3A_947 = arith.muli %scan3A_794, %mul3A_946 : i32
      %add3A_948 = arith.constant 2 : i32
      %add3A_949 = arith.addi %mul3A_947, %add3A_948 : i32
      %dma_wait3A_950 = arith.constant 1 : i32
      %dma_wait3A_951 = arith.constant 2 : i32
      %dma_wait3A_952 = arith.constant 0 : i32
      %dma_wait3A_953 = arith.constant 0 : i32
      %dma_wait3A_954 = tpu.memref_slice %arg9[%dma_wait3A_951, %dma_wait3A_952, %dma_wait3A_953] : memref<3x128x64xf32, #tpu.memory_space<vmem>> -> memref<1x64x64xf32, #tpu.memory_space<vmem>>
      %dma_wait3A_955 = tpu.memref_squeeze %dma_wait3A_954 : memref<1x64x64xf32, #tpu.memory_space<vmem>> -> memref<64x64xf32, #tpu.memory_space<vmem>>
      %dma_wait3A_956 = arith.constant 0 : i32
      %dma_wait3A_957 = tpu.memref_slice %arg7[%dma_wait3A_950, %add3A_949, %dma_wait3A_956] : memref<2x40x128xi32, #tpu.memory_space<vmem>> -> memref<1x1x64xi32, #tpu.memory_space<vmem>>
      %dma_wait3A_958 = tpu.memref_squeeze %dma_wait3A_957 : memref<1x1x64xi32, #tpu.memory_space<vmem>> -> memref<64xi32, #tpu.memory_space<vmem>>
      %dma_wait3A_959 = arith.constant 0 : i32
      %dma_wait3A_960 = arith.constant 0 : i32
      %dma_wait3A_961 = tpu.memref_slice %arg10[%dma_wait3A_959, %dma_wait3A_960] : memref<10000x64xf32, #tpu.memory_space<vmem_shared>> -> memref<10000x64xf32, #tpu.memory_space<vmem_shared>>
      tpu.wait_indirect_dma semaphore(%arg14 : memref<!tpu.dma_semaphore, #tpu.memory_space<semaphore_mem>>) src(%dma_wait3A_961 : memref<10000x64xf32, #tpu.memory_space<vmem_shared>>) dst(%dma_wait3A_955 : memref<64x64xf32, #tpu.memory_space<vmem>>)
      %dma_wait3A_962 = arith.constant 1 : i32
      %dma_wait3A_963 = arith.constant 2 : i32
      %dma_wait3A_964 = arith.constant 64 : i32
      %dma_wait3A_965 = arith.constant 0 : i32
      %dma_wait3A_966 = tpu.memref_slice %arg9[%dma_wait3A_963, %dma_wait3A_964, %dma_wait3A_965] : memref<3x128x64xf32, #tpu.memory_space<vmem>> -> memref<1x64x64xf32, #tpu.memory_space<vmem>>
      %dma_wait3A_967 = tpu.memref_squeeze %dma_wait3A_966 : memref<1x64x64xf32, #tpu.memory_space<vmem>> -> memref<64x64xf32, #tpu.memory_space<vmem>>
      %dma_wait3A_968 = arith.constant 64 : i32
      %dma_wait3A_969 = tpu.memref_slice %arg7[%dma_wait3A_962, %add3A_949, %dma_wait3A_968] : memref<2x40x128xi32, #tpu.memory_space<vmem>> -> memref<1x1x64xi32, #tpu.memory_space<vmem>>
      %dma_wait3A_970 = tpu.memref_squeeze %dma_wait3A_969 : memref<1x1x64xi32, #tpu.memory_space<vmem>> -> memref<64xi32, #tpu.memory_space<vmem>>
      %dma_wait3A_971 = arith.constant 0 : i32
      %dma_wait3A_972 = arith.constant 0 : i32
      %dma_wait3A_973 = tpu.memref_slice %arg10[%dma_wait3A_971, %dma_wait3A_972] : memref<10000x64xf32, #tpu.memory_space<vmem_shared>> -> memref<10000x64xf32, #tpu.memory_space<vmem_shared>>
      tpu.wait_indirect_dma semaphore(%arg22 : memref<!tpu.dma_semaphore, #tpu.memory_space<semaphore_mem>>) src(%dma_wait3A_973 : memref<10000x64xf32, #tpu.memory_space<vmem_shared>>) dst(%dma_wait3A_967 : memref<64x64xf32, #tpu.memory_space<vmem>>)
      %dma_start3A_974 = arith.constant 2 : i32
      %dma_start3A_975 = arith.constant 1 : i32
      %dma_start3A_976 = arith.constant 0 : i32
      %dma_start3A_977 = arith.constant 0 : i32
      %dma_start3A_978 = tpu.memref_slice %arg9[%dma_start3A_974, %dma_start3A_976, %dma_start3A_977] : memref<3x128x64xf32, #tpu.memory_space<vmem>> -> memref<1x128x64xf32, #tpu.memory_space<vmem>>
      %dma_start3A_979 = tpu.memref_squeeze %dma_start3A_978 : memref<1x128x64xf32, #tpu.memory_space<vmem>> -> memref<128x64xf32, #tpu.memory_space<vmem>>
      %dma_start3A_980 = arith.constant 0 : i32
      %dma_start3A_981 = tpu.memref_slice %arg8[%dma_start3A_975, %add3A_949, %dma_start3A_980] : memref<2x40x128xi32, #tpu.memory_space<vmem>> -> memref<1x1x128xi32, #tpu.memory_space<vmem>>
      %dma_start3A_982 = tpu.memref_squeeze %dma_start3A_981 : memref<1x1x128xi32, #tpu.memory_space<vmem>> -> memref<128xi32, #tpu.memory_space<vmem>>
      %dma_start3A_983 = arith.constant 0 : i32
      %dma_start3A_984 = arith.constant 0 : i32
      %dma_start3A_985 = tpu.memref_slice %arg11[%dma_start3A_983, %dma_start3A_984] : memref<10256x64xf32, #tpu.memory_space<vmem_shared>> -> memref<10256x64xf32, #tpu.memory_space<vmem_shared>>
      tpu.enqueue_indirect_dma source(%dma_start3A_979 : memref<128x64xf32, #tpu.memory_space<vmem>>) target(%dma_start3A_985 : memref<10256x64xf32, #tpu.memory_space<vmem_shared>>) offsets(%dma_start3A_982 : memref<128xi32, #tpu.memory_space<vmem>>) semaphore(%arg17 : memref<!tpu.dma_semaphore, #tpu.memory_space<semaphore_mem>>) {add = true}
      %sub3A_986 = arith.constant 1 : i32
      %sub3A_987 = arith.subi %add3A_949, %sub3A_986 : i32
      %dma_wait3A_988 = arith.constant 1 : i32
      %dma_wait3A_989 = arith.constant 1 : i32
      %dma_wait3A_990 = arith.constant 0 : i32
      %dma_wait3A_991 = arith.constant 0 : i32
      %dma_wait3A_992 = tpu.memref_slice %arg9[%dma_wait3A_988, %dma_wait3A_990, %dma_wait3A_991] : memref<3x128x64xf32, #tpu.memory_space<vmem>> -> memref<1x128x64xf32, #tpu.memory_space<vmem>>
      %dma_wait3A_993 = tpu.memref_squeeze %dma_wait3A_992 : memref<1x128x64xf32, #tpu.memory_space<vmem>> -> memref<128x64xf32, #tpu.memory_space<vmem>>
      %dma_wait3A_994 = arith.constant 0 : i32
      %dma_wait3A_995 = tpu.memref_slice %arg8[%dma_wait3A_989, %sub3A_987, %dma_wait3A_994] : memref<2x40x128xi32, #tpu.memory_space<vmem>> -> memref<1x1x128xi32, #tpu.memory_space<vmem>>
      %dma_wait3A_996 = tpu.memref_squeeze %dma_wait3A_995 : memref<1x1x128xi32, #tpu.memory_space<vmem>> -> memref<128xi32, #tpu.memory_space<vmem>>
      %dma_wait3A_997 = arith.constant 0 : i32
      %dma_wait3A_998 = arith.constant 0 : i32
      %dma_wait3A_999 = tpu.memref_slice %arg11[%dma_wait3A_997, %dma_wait3A_998] : memref<10256x64xf32, #tpu.memory_space<vmem_shared>> -> memref<10256x64xf32, #tpu.memory_space<vmem_shared>>
      tpu.wait_indirect_dma semaphore(%arg16 : memref<!tpu.dma_semaphore, #tpu.memory_space<semaphore_mem>>) src(%dma_wait3A_993 : memref<128x64xf32, #tpu.memory_space<vmem>>) dst(%dma_wait3A_999 : memref<10256x64xf32, #tpu.memory_space<vmem_shared>>)
      %lt3A_1000 = arith.constant 12 : i32
      %lt3A_1001 = arith.cmpi slt, %scan3A_794, %lt3A_1000 : i32
      %convert_element_type3A_1002 = arith.extui %lt3A_1001 : i1 to i32
      %cond3A_1003 = arith.constant 0 : i32
      %cond3A_1004 = arith.cmpi ne, %convert_element_type3A_1002, %cond3A_1003 : i32
      scf.if %cond3A_1004 {
        %add3A_1005 = arith.constant 2 : i32
        %add3A_1006 = arith.addi %add3A_949, %add3A_1005 : i32
        %dma_start3A_1007 = arith.constant 1 : i32
        %dma_start3A_1008 = arith.constant 1 : i32
        %dma_start3A_1009 = arith.constant 0 : i32
        %dma_start3A_1010 = arith.constant 0 : i32
        %dma_start3A_1011 = tpu.memref_slice %arg9[%dma_start3A_1008, %dma_start3A_1009, %dma_start3A_1010] : memref<3x128x64xf32, #tpu.memory_space<vmem>> -> memref<1x64x64xf32, #tpu.memory_space<vmem>>
        %dma_start3A_1012 = tpu.memref_squeeze %dma_start3A_1011 : memref<1x64x64xf32, #tpu.memory_space<vmem>> -> memref<64x64xf32, #tpu.memory_space<vmem>>
        %dma_start3A_1013 = arith.constant 0 : i32
        %dma_start3A_1014 = tpu.memref_slice %arg7[%dma_start3A_1007, %add3A_1006, %dma_start3A_1013] : memref<2x40x128xi32, #tpu.memory_space<vmem>> -> memref<1x1x64xi32, #tpu.memory_space<vmem>>
        %dma_start3A_1015 = tpu.memref_squeeze %dma_start3A_1014 : memref<1x1x64xi32, #tpu.memory_space<vmem>> -> memref<64xi32, #tpu.memory_space<vmem>>
        %dma_start3A_1016 = arith.constant 0 : i32
        %dma_start3A_1017 = arith.constant 0 : i32
        %dma_start3A_1018 = tpu.memref_slice %arg10[%dma_start3A_1016, %dma_start3A_1017] : memref<10000x64xf32, #tpu.memory_space<vmem_shared>> -> memref<10000x64xf32, #tpu.memory_space<vmem_shared>>
        tpu.enqueue_indirect_dma source(%dma_start3A_1018 : memref<10000x64xf32, #tpu.memory_space<vmem_shared>>) target(%dma_start3A_1012 : memref<64x64xf32, #tpu.memory_space<vmem>>) offsets(%dma_start3A_1015 : memref<64xi32, #tpu.memory_space<vmem>>) semaphore(%arg13 : memref<!tpu.dma_semaphore, #tpu.memory_space<semaphore_mem>>)
        %add3A_1019 = arith.constant 2 : i32
        %add3A_1020 = arith.addi %add3A_949, %add3A_1019 : i32
        %dma_start3A_1021 = arith.constant 1 : i32
        %dma_start3A_1022 = arith.constant 1 : i32
        %dma_start3A_1023 = arith.constant 64 : i32
        %dma_start3A_1024 = arith.constant 0 : i32
        %dma_start3A_1025 = tpu.memref_slice %arg9[%dma_start3A_1022, %dma_start3A_1023, %dma_start3A_1024] : memref<3x128x64xf32, #tpu.memory_space<vmem>> -> memref<1x64x64xf32, #tpu.memory_space<vmem>>
        %dma_start3A_1026 = tpu.memref_squeeze %dma_start3A_1025 : memref<1x64x64xf32, #tpu.memory_space<vmem>> -> memref<64x64xf32, #tpu.memory_space<vmem>>
        %dma_start3A_1027 = arith.constant 64 : i32
        %dma_start3A_1028 = tpu.memref_slice %arg7[%dma_start3A_1021, %add3A_1020, %dma_start3A_1027] : memref<2x40x128xi32, #tpu.memory_space<vmem>> -> memref<1x1x64xi32, #tpu.memory_space<vmem>>
        %dma_start3A_1029 = tpu.memref_squeeze %dma_start3A_1028 : memref<1x1x64xi32, #tpu.memory_space<vmem>> -> memref<64xi32, #tpu.memory_space<vmem>>
        %dma_start3A_1030 = arith.constant 0 : i32
        %dma_start3A_1031 = arith.constant 0 : i32
        %dma_start3A_1032 = tpu.memref_slice %arg10[%dma_start3A_1030, %dma_start3A_1031] : memref<10000x64xf32, #tpu.memory_space<vmem_shared>> -> memref<10000x64xf32, #tpu.memory_space<vmem_shared>>
        tpu.enqueue_indirect_dma source(%dma_start3A_1032 : memref<10000x64xf32, #tpu.memory_space<vmem_shared>>) target(%dma_start3A_1026 : memref<64x64xf32, #tpu.memory_space<vmem>>) offsets(%dma_start3A_1029 : memref<64xi32, #tpu.memory_space<vmem>>) semaphore(%arg21 : memref<!tpu.dma_semaphore, #tpu.memory_space<semaphore_mem>>)
      } else {
      }
    }
    %scan3A_717 = arith.constant 13 : i32
    %dma_wait3A_718 = arith.constant 1 : i32
    %dma_wait3A_719 = arith.constant 39 : i32
    %dma_wait3A_720 = arith.constant 0 : i32
    %dma_wait3A_721 = arith.constant 0 : i32
    %dma_wait3A_722 = arith.constant 0 : i32
    %dma_wait3A_723 = tpu.memref_slice %arg9[%dma_wait3A_720, %dma_wait3A_721, %dma_wait3A_722] : memref<3x128x64xf32, #tpu.memory_space<vmem>> -> memref<1x64x64xf32, #tpu.memory_space<vmem>>
    %dma_wait3A_724 = tpu.memref_squeeze %dma_wait3A_723 : memref<1x64x64xf32, #tpu.memory_space<vmem>> -> memref<64x64xf32, #tpu.memory_space<vmem>>
    %dma_wait3A_725 = arith.constant 0 : i32
    %dma_wait3A_726 = tpu.memref_slice %arg7[%dma_wait3A_718, %dma_wait3A_719, %dma_wait3A_725] : memref<2x40x128xi32, #tpu.memory_space<vmem>> -> memref<1x1x64xi32, #tpu.memory_space<vmem>>
    %dma_wait3A_727 = tpu.memref_squeeze %dma_wait3A_726 : memref<1x1x64xi32, #tpu.memory_space<vmem>> -> memref<64xi32, #tpu.memory_space<vmem>>
    %dma_wait3A_728 = arith.constant 0 : i32
    %dma_wait3A_729 = arith.constant 0 : i32
    %dma_wait3A_730 = tpu.memref_slice %arg10[%dma_wait3A_728, %dma_wait3A_729] : memref<10000x64xf32, #tpu.memory_space<vmem_shared>> -> memref<10000x64xf32, #tpu.memory_space<vmem_shared>>
    tpu.wait_indirect_dma semaphore(%arg12 : memref<!tpu.dma_semaphore, #tpu.memory_space<semaphore_mem>>) src(%dma_wait3A_730 : memref<10000x64xf32, #tpu.memory_space<vmem_shared>>) dst(%dma_wait3A_724 : memref<64x64xf32, #tpu.memory_space<vmem>>)
    %dma_wait3A_731 = arith.constant 1 : i32
    %dma_wait3A_732 = arith.constant 39 : i32
    %dma_wait3A_733 = arith.constant 0 : i32
    %dma_wait3A_734 = arith.constant 64 : i32
    %dma_wait3A_735 = arith.constant 0 : i32
    %dma_wait3A_736 = tpu.memref_slice %arg9[%dma_wait3A_733, %dma_wait3A_734, %dma_wait3A_735] : memref<3x128x64xf32, #tpu.memory_space<vmem>> -> memref<1x64x64xf32, #tpu.memory_space<vmem>>
    %dma_wait3A_737 = tpu.memref_squeeze %dma_wait3A_736 : memref<1x64x64xf32, #tpu.memory_space<vmem>> -> memref<64x64xf32, #tpu.memory_space<vmem>>
    %dma_wait3A_738 = arith.constant 64 : i32
    %dma_wait3A_739 = tpu.memref_slice %arg7[%dma_wait3A_731, %dma_wait3A_732, %dma_wait3A_738] : memref<2x40x128xi32, #tpu.memory_space<vmem>> -> memref<1x1x64xi32, #tpu.memory_space<vmem>>
    %dma_wait3A_740 = tpu.memref_squeeze %dma_wait3A_739 : memref<1x1x64xi32, #tpu.memory_space<vmem>> -> memref<64xi32, #tpu.memory_space<vmem>>
    %dma_wait3A_741 = arith.constant 0 : i32
    %dma_wait3A_742 = arith.constant 0 : i32
    %dma_wait3A_743 = tpu.memref_slice %arg10[%dma_wait3A_741, %dma_wait3A_742] : memref<10000x64xf32, #tpu.memory_space<vmem_shared>> -> memref<10000x64xf32, #tpu.memory_space<vmem_shared>>
    tpu.wait_indirect_dma semaphore(%arg20 : memref<!tpu.dma_semaphore, #tpu.memory_space<semaphore_mem>>) src(%dma_wait3A_743 : memref<10000x64xf32, #tpu.memory_space<vmem_shared>>) dst(%dma_wait3A_737 : memref<64x64xf32, #tpu.memory_space<vmem>>)
    %dma_start3A_744 = arith.constant 0 : i32
    %dma_start3A_745 = arith.constant 1 : i32
    %dma_start3A_746 = arith.constant 39 : i32
    %dma_start3A_747 = arith.constant 0 : i32
    %dma_start3A_748 = arith.constant 0 : i32
    %dma_start3A_749 = tpu.memref_slice %arg9[%dma_start3A_744, %dma_start3A_747, %dma_start3A_748] : memref<3x128x64xf32, #tpu.memory_space<vmem>> -> memref<1x128x64xf32, #tpu.memory_space<vmem>>
    %dma_start3A_750 = tpu.memref_squeeze %dma_start3A_749 : memref<1x128x64xf32, #tpu.memory_space<vmem>> -> memref<128x64xf32, #tpu.memory_space<vmem>>
    %dma_start3A_751 = arith.constant 0 : i32
    %dma_start3A_752 = tpu.memref_slice %arg8[%dma_start3A_745, %dma_start3A_746, %dma_start3A_751] : memref<2x40x128xi32, #tpu.memory_space<vmem>> -> memref<1x1x128xi32, #tpu.memory_space<vmem>>
    %dma_start3A_753 = tpu.memref_squeeze %dma_start3A_752 : memref<1x1x128xi32, #tpu.memory_space<vmem>> -> memref<128xi32, #tpu.memory_space<vmem>>
    %dma_start3A_754 = arith.constant 0 : i32
    %dma_start3A_755 = arith.constant 0 : i32
    %dma_start3A_756 = tpu.memref_slice %arg11[%dma_start3A_754, %dma_start3A_755] : memref<10256x64xf32, #tpu.memory_space<vmem_shared>> -> memref<10256x64xf32, #tpu.memory_space<vmem_shared>>
    tpu.enqueue_indirect_dma source(%dma_start3A_750 : memref<128x64xf32, #tpu.memory_space<vmem>>) target(%dma_start3A_756 : memref<10256x64xf32, #tpu.memory_space<vmem_shared>>) offsets(%dma_start3A_753 : memref<128xi32, #tpu.memory_space<vmem>>) semaphore(%arg15 : memref<!tpu.dma_semaphore, #tpu.memory_space<semaphore_mem>>) {add = true}
    %dma_wait3A_757 = arith.constant 2 : i32
    %dma_wait3A_758 = arith.constant 1 : i32
    %dma_wait3A_759 = arith.constant 38 : i32
    %dma_wait3A_760 = arith.constant 0 : i32
    %dma_wait3A_761 = arith.constant 0 : i32
    %dma_wait3A_762 = tpu.memref_slice %arg9[%dma_wait3A_757, %dma_wait3A_760, %dma_wait3A_761] : memref<3x128x64xf32, #tpu.memory_space<vmem>> -> memref<1x128x64xf32, #tpu.memory_space<vmem>>
    %dma_wait3A_763 = tpu.memref_squeeze %dma_wait3A_762 : memref<1x128x64xf32, #tpu.memory_space<vmem>> -> memref<128x64xf32, #tpu.memory_space<vmem>>
    %dma_wait3A_764 = arith.constant 0 : i32
    %dma_wait3A_765 = tpu.memref_slice %arg8[%dma_wait3A_758, %dma_wait3A_759, %dma_wait3A_764] : memref<2x40x128xi32, #tpu.memory_space<vmem>> -> memref<1x1x128xi32, #tpu.memory_space<vmem>>
    %dma_wait3A_766 = tpu.memref_squeeze %dma_wait3A_765 : memref<1x1x128xi32, #tpu.memory_space<vmem>> -> memref<128xi32, #tpu.memory_space<vmem>>
    %dma_wait3A_767 = arith.constant 0 : i32
    %dma_wait3A_768 = arith.constant 0 : i32
    %dma_wait3A_769 = tpu.memref_slice %arg11[%dma_wait3A_767, %dma_wait3A_768] : memref<10256x64xf32, #tpu.memory_space<vmem_shared>> -> memref<10256x64xf32, #tpu.memory_space<vmem_shared>>
    tpu.wait_indirect_dma semaphore(%arg17 : memref<!tpu.dma_semaphore, #tpu.memory_space<semaphore_mem>>) src(%dma_wait3A_763 : memref<128x64xf32, #tpu.memory_space<vmem>>) dst(%dma_wait3A_769 : memref<10256x64xf32, #tpu.memory_space<vmem_shared>>)
    %dma_wait3A_770 = arith.constant 0 : i32
    %dma_wait3A_771 = arith.constant 1 : i32
    %dma_wait3A_772 = arith.constant 39 : i32
    %dma_wait3A_773 = arith.constant 0 : i32
    %dma_wait3A_774 = arith.constant 0 : i32
    %dma_wait3A_775 = tpu.memref_slice %arg9[%dma_wait3A_770, %dma_wait3A_773, %dma_wait3A_774] : memref<3x128x64xf32, #tpu.memory_space<vmem>> -> memref<1x128x64xf32, #tpu.memory_space<vmem>>
    %dma_wait3A_776 = tpu.memref_squeeze %dma_wait3A_775 : memref<1x128x64xf32, #tpu.memory_space<vmem>> -> memref<128x64xf32, #tpu.memory_space<vmem>>
    %dma_wait3A_777 = arith.constant 0 : i32
    %dma_wait3A_778 = tpu.memref_slice %arg8[%dma_wait3A_771, %dma_wait3A_772, %dma_wait3A_777] : memref<2x40x128xi32, #tpu.memory_space<vmem>> -> memref<1x1x128xi32, #tpu.memory_space<vmem>>
    %dma_wait3A_779 = tpu.memref_squeeze %dma_wait3A_778 : memref<1x1x128xi32, #tpu.memory_space<vmem>> -> memref<128xi32, #tpu.memory_space<vmem>>
    %dma_wait3A_780 = arith.constant 0 : i32
    %dma_wait3A_781 = arith.constant 0 : i32
    %dma_wait3A_782 = tpu.memref_slice %arg11[%dma_wait3A_780, %dma_wait3A_781] : memref<10256x64xf32, #tpu.memory_space<vmem_shared>> -> memref<10256x64xf32, #tpu.memory_space<vmem_shared>>
    tpu.wait_indirect_dma semaphore(%arg15 : memref<!tpu.dma_semaphore, #tpu.memory_space<semaphore_mem>>) src(%dma_wait3A_776 : memref<128x64xf32, #tpu.memory_space<vmem>>) dst(%dma_wait3A_782 : memref<10256x64xf32, #tpu.memory_space<vmem_shared>>)
    %barrier3A_783 = arith.constant 0 : index
    tpu.barrier barrier_id(%barrier3A_783)
    %lt3A_784 = arith.constant 15 : i32
    %lt3A_785 = arith.cmpi slt, %arg1, %lt3A_784 : i32
    %convert_element_type3A_786 = arith.extui %lt3A_785 : i1 to i32
    %cond3A_787 = arith.constant 0 : i32
    %cond3A_788 = arith.cmpi ne, %convert_element_type3A_786, %cond3A_787 : i32
    scf.if %cond3A_788 {
      %mul3A = arith.constant 648 : i32
      %mul3A_794 = arith.muli %arg1, %mul3A : i32
      %mul3A_795 = arith.constant 648 : i32
      %mul3A_796 = arith.muli %arg1, %mul3A_795 : i32
      %mul3A_797 = arith.constant 64 : i32
      %mul3A_798 = arith.muli %arg0, %mul3A_797 : i32
      "tpu.region"() ({
        %run_scoped3A = tpu.sem_alloc : memref<!tpu.dma_semaphore, #tpu.memory_space<semaphore_mem>>
        %dma_start3A_799 = tpu.memref_slice %arg6[%mul3A_796, %mul3A_798] : memref<10256x128xf32, #tpu.memory_space<hbm>> -> memref<648x64xf32, #tpu.memory_space<hbm>>
        %dma_start3A_800 = arith.constant 0 : i32
        %dma_start3A_801 = tpu.memref_slice %arg11[%mul3A_794, %dma_start3A_800] : memref<10256x64xf32, #tpu.memory_space<vmem_shared>> -> memref<648x64xf32, #tpu.memory_space<vmem_shared>>
        tpu.enqueue_dma source(%dma_start3A_801 : memref<648x64xf32, #tpu.memory_space<vmem_shared>>) target(%dma_start3A_799 : memref<648x64xf32, #tpu.memory_space<hbm>>) target_semaphore(%run_scoped3A : memref<!tpu.dma_semaphore, #tpu.memory_space<semaphore_mem>>)
        %dma_wait3A_802 = tpu.memref_slice %arg6[%mul3A_796, %mul3A_798] : memref<10256x128xf32, #tpu.memory_space<hbm>> -> memref<648x64xf32, #tpu.memory_space<hbm>>
        %dma_wait3A_803 = arith.constant 0 : i32
        %dma_wait3A_804 = tpu.memref_slice %arg11[%mul3A_794, %dma_wait3A_803] : memref<10256x64xf32, #tpu.memory_space<vmem_shared>> -> memref<648x64xf32, #tpu.memory_space<vmem_shared>>
        tpu.wait_dma2 semaphore(%run_scoped3A : memref<!tpu.dma_semaphore, #tpu.memory_space<semaphore_mem>>) src(%dma_wait3A_804 : memref<648x64xf32, #tpu.memory_space<vmem_shared>>) dst(%dma_wait3A_802 : memref<648x64xf32, #tpu.memory_space<hbm>>)
        tpu.yield
      }) : () -> ()
    } else {
    }
    %eq3A_789 = arith.constant 15 : i32
    %eq3A_790 = arith.cmpi eq, %arg1, %eq3A_789 : i32
    %convert_element_type3A_791 = arith.extui %eq3A_790 : i1 to i32
    %cond3A_792 = arith.constant 0 : i32
    %cond3A_793 = arith.cmpi ne, %convert_element_type3A_791, %cond3A_792 : i32
    scf.if %cond3A_793 {
      %mul3A = arith.constant 64 : i32
      %mul3A_794 = arith.muli %arg0, %mul3A : i32
      "tpu.region"() ({
        %run_scoped3A = tpu.sem_alloc : memref<!tpu.dma_semaphore, #tpu.memory_space<semaphore_mem>>
        %dma_start3A_795 = arith.constant 9720 : i32
        %dma_start3A_796 = tpu.memref_slice %arg6[%dma_start3A_795, %mul3A_794] : memref<10256x128xf32, #tpu.memory_space<hbm>> -> memref<536x64xf32, #tpu.memory_space<hbm>>
        %dma_start3A_797 = arith.constant 9720 : i32
        %dma_start3A_798 = arith.constant 0 : i32
        %dma_start3A_799 = tpu.memref_slice %arg11[%dma_start3A_797, %dma_start3A_798] : memref<10256x64xf32, #tpu.memory_space<vmem_shared>> -> memref<536x64xf32, #tpu.memory_space<vmem_shared>>
        tpu.enqueue_dma source(%dma_start3A_799 : memref<536x64xf32, #tpu.memory_space<vmem_shared>>) target(%dma_start3A_796 : memref<536x64xf32, #tpu.memory_space<hbm>>) target_semaphore(%run_scoped3A : memref<!tpu.dma_semaphore, #tpu.memory_space<semaphore_mem>>)
        %dma_wait3A_800 = arith.constant 9720 : i32
        %dma_wait3A_801 = tpu.memref_slice %arg6[%dma_wait3A_800, %mul3A_794] : memref<10256x128xf32, #tpu.memory_space<hbm>> -> memref<536x64xf32, #tpu.memory_space<hbm>>
        %dma_wait3A_802 = arith.constant 9720 : i32
        %dma_wait3A_803 = arith.constant 0 : i32
        %dma_wait3A_804 = tpu.memref_slice %arg11[%dma_wait3A_802, %dma_wait3A_803] : memref<10256x64xf32, #tpu.memory_space<vmem_shared>> -> memref<536x64xf32, #tpu.memory_space<vmem_shared>>
        tpu.wait_dma2 semaphore(%run_scoped3A : memref<!tpu.dma_semaphore, #tpu.memory_space<semaphore_mem>>) src(%dma_wait3A_804 : memref<536x64xf32, #tpu.memory_space<vmem_shared>>) dst(%dma_wait3A_801 : memref<536x64xf32, #tpu.memory_space<hbm>>)
        tpu.yield
      }) : () -> ()
    } else {
    }
    return
  }
}

module attributes {stable_mosaic.version = 14 : i64} {
  func.func @_mlp_body(%arg0: memref<10000x128xf32, #tpu.memory_space<vmem>>, %arg1: memref<10256x128xf32, #tpu.memory_space<vmem>>, %arg2: memref<128x128xf32, #tpu.memory_space<vmem>>, %arg3: memref<1x128xf32, #tpu.memory_space<vmem>>, %arg4: memref<128x128xf32, #tpu.memory_space<vmem>>, %arg5: memref<1x128xf32, #tpu.memory_space<vmem>>, %arg6: memref<1x128xf32, #tpu.memory_space<vmem>>, %arg7: memref<1x128xf32, #tpu.memory_space<vmem>>, %arg8: memref<10000x128xf32, #tpu.memory_space<vmem>>) attributes {dimension_semantics = [], scalar_prefetch = 0 : i64, scratch_operands = 0 : i64, tpu.core_type = #tpu.core_type<tc>} {
    %get3A = arith.constant 0 : index
    %get3A_0 = arith.constant 0 : index
    %get3A_1 = vector.load %arg0[%get3A, %get3A_0] : memref<10000x128xf32, #tpu.memory_space<vmem>>, vector<10000x128xf32>
    %get3A_2 = arith.constant 0 : index
    %get3A_3 = arith.constant 0 : index
    %get3A_4 = vector.load %arg1[%get3A_2, %get3A_3] : memref<10256x128xf32, #tpu.memory_space<vmem>>, vector<10000x128xf32>
    %add3A = arith.addf %get3A_1, %get3A_4 : vector<10000x128xf32>
    %get3A_5 = arith.constant 0 : index
    %get3A_6 = arith.constant 0 : index
    %get3A_7 = vector.load %arg2[%get3A_5, %get3A_6] : memref<128x128xf32, #tpu.memory_space<vmem>>, vector<128x128xf32>
    %dot_general3A = arith.constant dense<0.000000e+00> : vector<10000x128xf32>
    %dot_general3A_8 = tpu.matmul %add3A, %get3A_7, %dot_general3A {dimension_numbers = #tpu.dot_dimension_numbers<[1], [1], [0], [0], [0, 0, 1, 0], [], []>, transpose_lhs_hint = false} : vector<10000x128xf32>, vector<128x128xf32>, vector<10000x128xf32> -> vector<10000x128xf32>
    %get3A_9 = arith.constant 0 : index
    %get3A_10 = arith.constant 0 : index
    %get3A_11 = vector.load %arg3[%get3A_9, %get3A_10] : memref<1x128xf32, #tpu.memory_space<vmem>>, vector<1x128xf32>
    %add3A_12 = vector.broadcast %get3A_11 : vector<1x128xf32> to vector<10000x128xf32>
    %add3A_13 = arith.addf %dot_general3A_8, %add3A_12 : vector<10000x128xf32>
    %max3A = arith.constant 0.000000e+00 : f32
    %max3A_14 = vector.broadcast %max3A : f32 to vector<10000x128xf32>
    %max3A_15 = arith.maximumf %add3A_13, %max3A_14 : vector<10000x128xf32>
    %get3A_16 = arith.constant 0 : index
    %get3A_17 = arith.constant 0 : index
    %get3A_18 = vector.load %arg4[%get3A_16, %get3A_17] : memref<128x128xf32, #tpu.memory_space<vmem>>, vector<128x128xf32>
    %dot_general3A_19 = arith.constant dense<0.000000e+00> : vector<10000x128xf32>
    %dot_general3A_20 = tpu.matmul %max3A_15, %get3A_18, %dot_general3A_19 {dimension_numbers = #tpu.dot_dimension_numbers<[1], [1], [0], [0], [0, 0, 1, 0], [], []>, transpose_lhs_hint = false} : vector<10000x128xf32>, vector<128x128xf32>, vector<10000x128xf32> -> vector<10000x128xf32>
    %get3A_21 = arith.constant 0 : index
    %get3A_22 = arith.constant 0 : index
    %get3A_23 = vector.load %arg5[%get3A_21, %get3A_22] : memref<1x128xf32, #tpu.memory_space<vmem>>, vector<1x128xf32>
    %add3A_24 = vector.broadcast %get3A_23 : vector<1x128xf32> to vector<10000x128xf32>
    %add3A_25 = arith.addf %dot_general3A_20, %add3A_24 : vector<10000x128xf32>
    %max3A_26 = arith.constant 0.000000e+00 : f32
    %max3A_27 = vector.broadcast %max3A_26 : f32 to vector<10000x128xf32>
    %max3A_28 = arith.maximumf %add3A_25, %max3A_27 : vector<10000x128xf32>
    %reduce_sum3A = arith.constant dense<0.000000e+00> : vector<128xf32>
    %reduce_sum3A_29 = vector.multi_reduction <add>, %max3A_28, %reduce_sum3A [0] : vector<10000x128xf32> to vector<128xf32>
    %broadcast_in_dim3A = vector.shape_cast %reduce_sum3A_29 : vector<128xf32> to vector<1x128xf32>
    %div3A = arith.constant 1.000000e+04 : f32
    %div3A_30 = vector.broadcast %div3A : f32 to vector<1x128xf32>
    %div3A_31 = arith.divf %broadcast_in_dim3A, %div3A_30 : vector<1x128xf32>
    %sub3A = vector.broadcast %div3A_31 : vector<1x128xf32> to vector<10000x128xf32>
    %sub3A_32 = arith.subf %max3A_28, %sub3A : vector<10000x128xf32>
    %square3A = arith.mulf %sub3A_32, %sub3A_32 : vector<10000x128xf32>
    %reduce_sum3A_33 = arith.constant dense<0.000000e+00> : vector<128xf32>
    %reduce_sum3A_34 = vector.multi_reduction <add>, %square3A, %reduce_sum3A_33 [0] : vector<10000x128xf32> to vector<128xf32>
    %broadcast_in_dim3A_35 = vector.shape_cast %reduce_sum3A_34 : vector<128xf32> to vector<1x128xf32>
    %div3A_36 = arith.constant 1.000000e+04 : f32
    %div3A_37 = vector.broadcast %div3A_36 : f32 to vector<1x128xf32>
    %div3A_38 = arith.divf %broadcast_in_dim3A_35, %div3A_37 : vector<1x128xf32>
    %sub3A_39 = vector.broadcast %div3A_31 : vector<1x128xf32> to vector<10000x128xf32>
    %sub3A_40 = arith.subf %max3A_28, %sub3A_39 : vector<10000x128xf32>
    %add3A_41 = arith.constant 9.99999974E-6 : f32
    %add3A_42 = vector.broadcast %add3A_41 : f32 to vector<1x128xf32>
    %add3A_43 = arith.addf %div3A_38, %add3A_42 : vector<1x128xf32>
    %rsqrt3A = math.rsqrt %add3A_43 : vector<1x128xf32>
    %mul3A = vector.broadcast %rsqrt3A : vector<1x128xf32> to vector<10000x128xf32>
    %mul3A_44 = arith.mulf %sub3A_40, %mul3A : vector<10000x128xf32>
    %get3A_45 = arith.constant 0 : index
    %get3A_46 = arith.constant 0 : index
    %get3A_47 = vector.load %arg6[%get3A_45, %get3A_46] : memref<1x128xf32, #tpu.memory_space<vmem>>, vector<1x128xf32>
    %mul3A_48 = vector.broadcast %get3A_47 : vector<1x128xf32> to vector<10000x128xf32>
    %mul3A_49 = arith.mulf %mul3A_44, %mul3A_48 : vector<10000x128xf32>
    %get3A_50 = arith.constant 0 : index
    %get3A_51 = arith.constant 0 : index
    %get3A_52 = vector.load %arg7[%get3A_50, %get3A_51] : memref<1x128xf32, #tpu.memory_space<vmem>>, vector<1x128xf32>
    %add3A_53 = vector.broadcast %get3A_52 : vector<1x128xf32> to vector<10000x128xf32>
    %add3A_54 = arith.addf %mul3A_49, %add3A_53 : vector<10000x128xf32>
    %swap3A = arith.constant 0 : index
    %swap3A_55 = arith.constant 0 : index
    %swap3A_56 = vector.load %arg8[%swap3A, %swap3A_55] : memref<10000x128xf32, #tpu.memory_space<vmem>>, vector<10000x128xf32>
    tpu.vector_store %arg8[%swap3A, %swap3A_55], %add3A_54 {strides = array<i32>} : memref<10000x128xf32, #tpu.memory_space<vmem>>, vector<10000x128xf32>,
    return
  }
}

</mosaic_0001>

<sc_bundles>
// kernel: kernel.4.cloned.1.call-start
scs
__scs_entry_jumppad:
0x0: {  	(pc) =	sbr.rel $0x88, $3  }
0x1: {  	(tag) =	ssettag $0x0;
	lr =	simm.s32 $0x1  }
0x2: {  	[smem:$0x3F99] =	sst lr;
	_ =	strace $0xD0000000  }
0x3: {  	_ = 	snop  }
0x4: {  	_ = 	snop  }
0x5: {  	_ = 	snop  }
0x6: {  	_ = 	snop  }
0x7: {  	_ = 	snop  }
__scs_overlays_trampoline_lowered:
0x8: {  	[smem:$0x3FA8] =	sst s0  }
0x9: {  	[smem:$0x3FA9] =	sst s1  }
0xa: {  	[smem:$0x3FAA] =	sst s2  }
0xb: {  	[smem:$0x3FAB] =	sst s3  }
0xc: {  	[smem:$0x3FAC] =	sst s4  }
0xd: {  	[smem:$0x3FAD] =	sst s5  }
0xe: {  	[smem:$0x3FAE] =	sst s6  }
0xf: {  	[smem:$0x3FAF] =	sst s7  }
0x10: {  	[smem:$0x3FB0] =	sst s8  }
0x11: {  	[smem:$0x3FB1] =	sst s9;
	s0 =	simm.s32 @!p0 $0x0  }
0x12: {  	s1 =	sld [smem:$0x3F97];
	s0 =	simm.s32 @p0 $0x1  }
0x13: {  	[smem:$0x3FB2] =	sst s0;
	s0 =	simm.s32 @!p1 $0x0  }
0x14: {  	s2 =	sld [smem:$0x3F96];
	s0 =	simm.s32 @p1 $0x1  }
0x15: {  	[smem:$0x3FB3] =	sst s0;
	s0 =	simm.s32 @!p2 $0x0  }
0x16: {  	s3 =	sld [smem:$0x3FDB];
	s0 =	simm.s32 @p2 $0x1  }
0x17: {  	s4 =	simm.s32 $0x1BF5;
	[smem:$0x3FB5] =	sst s0  }
0x18: {  	s0 =	sld [smem:$0x3F98];
	_ =	swait.ge [sflag:s4], $0x0  }
0x19: {  	s7 =	sld [smem:$0x3F99]  }
0x1a: {  	s8 =	sadd.s32 $0xFFFFE003, lr  }
0x1b: {  	s9 =	sadd.s32 $0xFFFFFEF7, lr;
	s5 =	simm.s32 $0xFFFFFFFF;
	p2 =	slt.u32 s8, $0xFFFFF086  }
0x1c: {  	p1 =	slt.u32 s9, $0xF7A;
	s5 =	simm.s32 @!p2 $0x0  }
0x1d: {  	s5 =	simm.s32 @p1 $0x1;
	p0 =	seq.s32 s7, s2  }
0x1e: {  	s7 =	smul.u32 @!p0 $0xF7A, s2;
	p2 =	seq.s32 @!p0 s5, $0x0  }
0x1f: {  	s9 =	smul.u32 $0xF7A, s1;
	s8 =	simm.s32 @!p0 $0x1BF5;
	p2 =	por !p2, p0  }
0x20: {  	[sflag:s8] =	ssyncset.s32 @!p0 $0xFFFFF086;
	s6 =	sadd.s32 @!p0 s3, s7;
	s7 =	simm.s32 @!p0 $0x108  }
0x21: {  	s3 =	sadd.s32 s3, s9;
	s6 =	sadd.s32 @!p0 $0x88, s6;
	s7 =	simm.s32 @p2 $0x1082  }
0x22: {  	[simem:s7], [sflag:s8] =	dma.local @!p0 [hbm:s6], $0xF7A  }
0x23: {  	s9 =	sor.u32 $0xD0000000, s2;
	s6 =	simm.s32 $0x108;
	_ =	swait.ge @!p0 [sflag:s8], $0x0  }
0x24: {  	s3 =	sadd.s32 $0x88, s3;
	s6 =	simm.s32 @!p1 $0x1082;
	[sflag:s4] =	ssyncset.s32 $0xFFFFF086  }
0x25: {  	[simem:s6], [sflag:s4] =	dma.local [hbm:s3], $0xF7A  }
0x26: {  	[smem:$0x3F99] =	sst s1;
	(tag) =	ssettag s2;
	_ =	strace s9  }
0x27: {  	s1 =	sld [smem:$0x3FA9]  }
0x28: {  	s2 =	sld [smem:$0x3FAA]  }
0x29: {  	s4 =	sld [smem:$0x3FAC]  }
0x2a: {  	p0 =	seq.s32 s5, $0x0;
	s5 =	sld [smem:$0x3FAD]  }
0x2b: {  	s6 =	sld [smem:$0x3FAE]  }
0x2c: {  	s7 =	sld [smem:$0x3FAF]  }
0x2d: {  	s3 =	simm.s32 $0x108;
	s8 =	sld [smem:$0x3FB0]  }
0x2e: {  	s3 =	simm.s32 @!p0 $0x1082;
	s9 =	sld [smem:$0x3FB1]  }
0x2f: {  	lr =	sadd.s32 s0, s3;
	s0 =	sld [smem:$0x3FA8]  }
0x30: {  	s3 =	sld [smem:$0x3FAB]  }
0x31: {  	[smem:$0x3FB4] =	sst s10  }
0x32: {  	s10 =	sld [smem:$0x3FB2];
	_ =	sdelay $0x3  }
0x33: {  	p0 =	seq.s32 s10, $0x1;
	s10 =	sld [smem:$0x3FB4];
	_ =	sdelay $0x3  }
0x34: {  	[smem:$0x3FB4] =	sst s10  }
0x35: {  	s10 =	sld [smem:$0x3FB3];
	_ =	sdelay $0x3  }
0x36: {  	p1 =	seq.s32 s10, $0x1;
	s10 =	sld [smem:$0x3FB4];
	_ =	sdelay $0x3  }
0x37: {  	[smem:$0x3FB4] =	sst s10  }
0x38: {  	s10 =	sld [smem:$0x3FB5]  }
0x39: {  	_ = 	snop;
	(pc) =	sbr.ind lr, $3  }
0x3a: {  	_ = 	snop  }
0x3b: {  	_ = 	snop  }
0x3c: {  	p2 =	seq.s32 s10, $0x1;
	s10 =	sld [smem:$0x3FB4]  }
0x3d: {  	_ =	shalt  }
0x3e: {  	_ =	shalt  }
0x3f: {  	_ =	shalt  }
0x40: {  	_ =	shalt  }
0x41: {  	_ =	shalt  }
0x42: {  	_ =	shalt  }
0x43: {  	_ =	shalt  }
0x44: {  	_ =	shalt  }
0x45: {  	_ =	shalt  }
0x46: {  	_ =	shalt  }
0x47: {  	_ =	shalt  }
0x48: {  	_ =	shalt  }
0x49: {  	_ =	shalt  }
0x4a: {  	_ =	shalt  }
0x4b: {  	_ =	shalt  }
0x4c: {  	_ =	shalt  }
0x4d: {  	_ =	shalt  }
0x4e: {  	_ =	shalt  }
0x4f: {  	_ =	shalt  }
0x50: {  	_ =	shalt  }
0x51: {  	_ =	shalt  }
0x52: {  	_ =	shalt  }
0x53: {  	_ =	shalt  }
0x54: {  	_ =	shalt  }
0x55: {  	_ =	shalt  }
0x56: {  	_ =	shalt  }
0x57: {  	_ =	shalt  }
0x58: {  	_ =	shalt  }
0x59: {  	_ =	shalt  }
0x5a: {  	_ =	shalt  }
0x5b: {  	_ =	shalt  }
0x5c: {  	_ =	shalt  }
0x5d: {  	_ =	shalt  }
0x5e: {  	_ =	shalt  }
0x5f: {  	_ =	shalt  }
0x60: {  	_ =	shalt  }
0x61: {  	_ =	shalt  }
0x62: {  	_ =	shalt  }
0x63: {  	_ =	shalt  }
0x64: {  	_ =	shalt  }
0x65: {  	_ =	shalt  }
0x66: {  	_ =	shalt  }
0x67: {  	_ =	shalt  }
0x68: {  	_ =	shalt  }
0x69: {  	_ =	shalt  }
0x6a: {  	_ =	shalt  }
0x6b: {  	_ =	shalt  }
0x6c: {  	_ =	shalt  }
0x6d: {  	_ =	shalt  }
0x6e: {  	_ =	shalt  }
0x6f: {  	_ =	shalt  }
0x70: {  	_ =	shalt  }
0x71: {  	_ =	shalt  }
0x72: {  	_ =	shalt  }
0x73: {  	_ =	shalt  }
0x74: {  	_ =	shalt  }
0x75: {  	_ =	shalt  }
0x76: {  	_ =	shalt  }
0x77: {  	_ =	shalt  }
0x78: {  	_ =	shalt  }
0x79: {  	_ =	shalt  }
0x7a: {  	_ =	shalt  }
0x7b: {  	_ =	shalt  }
0x7c: {  	_ =	shalt  }
0x7d: {  	_ =	shalt  }
0x7e: {  	_ =	shalt  }
0x7f: {  	_ =	shalt  }
0x80: {  	_ =	shalt  }
0x81: {  	_ =	shalt  }
0x82: {  	_ =	shalt  }
0x83: {  	_ =	shalt  }
0x84: {  	_ =	shalt  }
0x85: {  	_ =	shalt  }
0x86: {  	_ =	shalt  }
0x87: {  	_ =	shalt  }
.Lfunc_end0:
.L_simem_size_0:
called_computation_lowered:
.L_overlay_start_0:
0x88: {  	s2 =	sld [smem:$0x3FD9]  }
0x89: {  	s3 =	sld [smem:$0x3FFE];
	_ =	sdelay $0x1  }
0x8a: {  	s1 =	srdreg.scid  }
0x8b: {  	s0 =	sand.u32 $0x1, s1  }
0x8c: {  	s17 =	sshll.u32 s0, $0xA;
	s2 =	sadd.s32 s3, s2  }
0x8d: {  	s2 =	sadd.s32 s2, s17  }
0x8e: {  	[smem:$0x3FC0] =	sst s2  }
0x8f: {  	_ = 	snop  }
0x90: {  	s2 =	sld [smem:$0x3FC9]  }
0x91: {  	s18 =	sld [smem:$0x3FD0];
	(tm) =	ssettm $0x1  }
0x92: {  	s4 =	sld [smem:$0x3FFB];
	_ =	sdelay $0x3  }
0x93: {  	_ =	strace s4  }
0x94: {  	s4 =	sld [smem:$0x3FFC];
	_ =	sdelay $0x3  }
0x95: {  	_ =	strace s4  }
0x96: {  	s4 =	sld [smem:$0x3FFD];
	_ =	sdelay $0x3  }
0x97: {  	_ =	strace s4  }
0x98: {  	_ =	strace $0x8FFFFFFF  }
0x99: {  	s19 =	sld [smem:$0x3FDB];
	_ =	sdelay $0x1  }
0x9a: {  	s5 =	simm.s32 $_scs_section_size  }
0x9b: {  	s6 =	simm.s32 $_size__tile_overlayer_lowered;
	s7 =	simm.s32 $_tile_overlayer_lowered  }
0x9c: {  	s22 =	simm.s32 $0x1BFF;
	s21 =	sshll.u32 s7, $0x1;
	s4 =	sadd.s32 s5, s19  }
0x9d: {  	s8 =	simm.s32 $0x0;
	s20 =	sshll.u32 s6, $0x1;
	s6 =	sadd.s32 s21, s4  }
0x9e: {  	[timem:s8], [sflag:s22] =	dma.local [hbm:s6], s20  }
0x9f: {  	_ =	swait.ge [sflag:s22], s20  }
0xa0: {  	s5 =	ssub.s32 $0x0, s20;
	[sflag:s22] =	ssyncset.done $0x0  }
0xa1: {  	[sflag:s22] =	ssyncadd.s32 s5;
	_ =	sdelay $0x1  }
0xa2: {  	s23 =	simm.s32 $0x1B8B  }
0xa3: {  	_ =	swait.ge [sflag:s23], $0x1  }
0xa4: {  	[sflag:s23] =	ssyncset.done $0x0  }
0xa5: {  	s25 =	simm.s32 $0x1B8E;
	s24 =	sld [smem:$0x3FFE];
	[sflag:s23] =	ssyncadd.s32 $0xFFFFFFFF  }
0xa6: {  	s26 =	simm.s32 $execute0_lowered;
	[smem:$0x3FD2] =	sst s25  }
0xa7: {  	s6 =	sshll.u32 s26, $0x1;
	_ =	strace $0x80000046;
	[dreg:$0x1] =	wrdreg $0xFFFFFFFF  }
0xa8: {  	s28 =	simm.s32 $_size_execute0_lowered;
	s4 =	sadd.s32 s4, s6;
	[dreg:$0x0] =	wrdreg $0x0  }
0xa9: {  	s6 =	sshll.u32 s28, $0x1;
	[dreg:$0x2] =	wrdreg s4  }
0xaa: {  	[dreg:$0x3] =	wrdreg s6  }
0xab: {  	[dreg:$0x4] =	wrdreg $0xC0  }
0xac: {  	_ =	task [dreg:s8], $0x5FFFF  }
0xad: {  	[dreg:$0x1] =	wrdreg $0xFFFFFFFF  }
0xae: {  	[dreg:$0x0] =	wrdreg $0x60  }
0xaf: {  	[dreg:$0x2] =	wrdreg s2  }
0xb0: {  	[dreg:$0x3] =	wrdreg s18  }
0xb1: {  	[dreg:$0x4] =	wrdreg s24  }
0xb2: {  	[dreg:$0x5] =	wrdreg $0xB0000  }
0xb3: {  	[dreg:$0x6] =	wrdreg $0x14C400  }
0xb4: {  	[dreg:$0x7] =	wrdreg $0x9  }
0xb5: {  	_ =	task.clear_ibuf [dreg:s8], $0x8FFFF;
	_ =	strace $0x90000046  }
0xb6: {  	s29 =	simm.s32 $0x9;
	_ =	strace $0x80000048  }
0xb7: {  	_ =	swait.ge [sflag:s29], $0x1  }
0xb8: {  	[sflag:s29] =	ssyncadd.s32 $0xFFFFFFFF  }
0xb9: {  	_ =	strace $0x90000048  }
0xba: {  	_ =	sfence  }
0xbb: {  	s30 =	sld [smem:$0x0];
	_ =	sdelay $0x2  }
0xbc: {  	s31 =	sshll.u32 s1, $0xD;
	s1 =	sshrl.u32 s1, $0x2  }
0xbd: {  	s3 =	sand.u32 $0x4000, s31;
	s1 =	sadd.s32 s1, s30  }
0xbe: {  	s0 =	sor.u32 s3, s0;
	s1 =	sshll.u32 s1, $0x11  }
0xbf: {  	s0 =	sor.u32 s1, s0  }
0xc0: {  	s0 =	sadd.s32 $0x8F2B, s0  }
0xc1: {  	[sflag:s0] =	ssyncadd.remote.s32 $0x1  }
0xc2: {  	_ =	sfence.sel $0xFFFF  }
0xc3: {  	[dreg:$0x0] =	wrdreg $0xFFFFFFFF;
	(pc) =	sbr.abs _section_cstart, $3  }
0xc4: {  	[dreg:$0x1] =	wrdreg $0xFFFFFFFF  }
0xc5: {  	_ =	task.clear_ibuf [dreg:s8], $0x2FFFF;
	_ =	strace $0x9FFFFFFF  }
0xc6: {  	(tm) =	ssettm $0x7FFFFFFF  }
0xc7: {  	_ =	shalt  }
tec
execute0_lowered:
.L_overlay_start_1:
0x0: {  	(tag) =	ssettag $0x1  }
0x1: {  	s0 =	rddreg [dreg:$0x0]  }
0x2: {  	s3 =	rddreg [dreg:$0x1]  }
0x3: {  	s4 =	rddreg [dreg:$0x2]  }
0x4: {  	s1 =	rddreg [dreg:$0x3]  }
0x5: {  	s2 =	rddreg [dreg:$0x4]  }
0x6: {  	s5 =	simm.s32 $0x0;
	s6 =	srdreg.scid;
	s13 =	stileid.u32  }
0x7: {  	s29 =	simm.s32 $0x7;
	s30 =	simm.s32 $0x40;
	s31 =	simm.s32 $0x5000  }
0x8: {  	[smem:$0x7FF] =	sst s5;
	s26 =	sadd.s32 $0x1200, s4;
	s28 =	smul.u32 $0x13C00, s13  }
0x9: {  	s7 =	sadd.s32 $0xB200, s4;
	s6 =	sand.u32 $0x1, s6;
	s9 =	smul.u32 $0x27800, s13  }
0xa: {  	s4 =	sadd.s32 $0xC800, s4;
	s12 =	smul.u32 $0x28800, s13;
	s15 =	sshll.u32 s13, $0x4  }
0xb: {  	s16 =	sadd.s32 $0x97E00, s2;
	s20 =	smul.u32 $0x14400, s13;
	p0 =	seq.s32 s13, $0xF  }
0xc: {  	s13 =	simm.s32 $0x2;
	_ =	strace $0x80000047;
	[dreg:$0x6] =	wrdreg s7  }
0xd: {  	s8 =	ssub.s32 $0x2, s6;
	s11 =	sshll.u32 s6, $0x6;
	s6 =	sshll.u32 s6, $0x3  }
0xe: {  	[dreg:$0xa] =	wrdreg s16;
	s17 =	sadd.s32 s3, s15;
	s18 =	sadd.s32 s26, s15  }
0xf: {  	s19 =	sor.u32 $0x2800, s15;
	s21 =	sor.u32 $0x5000, s15;
	s16 =	simm.s32 $0x4  }
0x10: {  	s10 =	sshrl.u32 s8, $0x1;
	s7 =	sor.u32 s11, s28;
	[dreg:$0xb] =	wrdreg s17  }
0x11: {  	s9 =	sshrl.u32 s9, $0x2;
	s12 =	sshrl.u32 s12, $0x2;
	[dreg:$0xc] =	wrdreg s18  }
0x12: {  	s22 =	sadd.s32 s3, s21;
	s11 =	sor.u32 s11, s20;
	s20 =	simm.s32 $0xB  }
0x13: {  	s17 =	simm.s32 $0x8;
	s8 =	ssub.s32 s8, s10;
	s9 =	sadd.s32 s9, s1  }
0x14: {  	s7 =	sshrl.u32 s7, $0x3;
	s14 =	sadd.s32 s12, s2;
	[dreg:$0xf] =	wrdreg s22  }
0x15: {  	s10 =	sor.u32 $0x7800, s15;
	s24 =	sshrl.u32 s11, $0x3;
	s12 =	simm.s32 $0xA000  }
0x16: {  	s22 =	simm.s32 $0x5;
	s11 =	simm.s32 $0x6;
	s7 =	sadd.s32 s0, s7  }
0x17: {  	[dreg:$0x8] =	wrdreg s14;
	s0 =	sadd.s32 s6, s0;
	s14 =	sadd.s32 s3, s19  }
0x18: {  	s23 =	sadd.s32 s3, s10;
	s25 =	sadd.s32 s26, s10;
	[dreg:$0x7] =	wrdreg s7  }
0x19: {  	s28 =	smax.u32 s8, $0x1;
	s8 =	simm.s32 $0x9;
	[dreg:$0xd] =	wrdreg s14  }
0x1a: {  	s10 =	simm.s32 $0x9000;
	s3 =	simm.s32 $0x0;
	[dreg:$0x11] =	wrdreg s23  }
0x1b: {  	s7 =	sadd.s32 $0x94200, s1;
	s0 =	sadd.s32 $0x25080, s0;
	[dreg:$0x12] =	wrdreg s25  }
0x1c: {  	[dreg:$0x15] =	wrdreg s28;
	s23 =	simm.s32 $0x80;
	s14 =	simm.s32 $0xA  }
0x1d: {  	[dreg:$0x9] =	wrdreg s0;
	s0 =	sadd.s32 s26, s19;
	s19 =	simm.s32 $0x3  }
0x1e: {  	[dreg:$0xe] =	wrdreg s0;
	s0 =	sadd.s32 s26, s21;
	s26 =	sadd.s32 s6, s4  }
.Ltmp0:
0x1f: {  	[dreg:$0x10] =	wrdreg s0;
	s0 =	sadd.s32 s4, s24;
	(pc) =	sbr.rel .LBB2_1-.Ltmp0, $4  }
0x20: {  	s6 =	simm.s32 $0x8000;
	[dreg:$0x13] =	wrdreg s0;
	s0 =	sadd.s32 $0x25F80, s26  }
0x21: {  	s24 =	simm.s32 $0x800;
	[dreg:$0x14] =	wrdreg s0;
	s0 =	sshrl.u32 @p0 s7, $0x3  }
0x22: {  	s4 =	simm.s32 $0x7000;
	[dreg:$0x16] =	wrdreg s0;
	s0 =	sshrl.u32 @!p0 s9, $0x3  }
0x23: {  	s7 =	simm.s32 $0x1;
	[dreg:$0x17] =	wrdreg s0;
	s0 =	simm.s32 $0x6000  }
.LBB2_13:
0x24: {  	_ =	swait.ge [sflag:s7], $0x1000  }
0x25: {  	[sflag:s7] =	ssyncset.done $0x0  }
0x26: {  	[sflag:s7] =	ssyncadd.s32 $0xFFFFF000  }
0x27: {  	_ =	swait.ge [sflag:s8], $0x1000  }
0x28: {  	[sflag:s8] =	ssyncset.done $0x0  }
0x29: {  	s5 =	simm.s32 $0x4F80;
	[sflag:s8] =	ssyncadd.s32 $0xFFFFF000  }
0x2a: {  	[spmem:s2] =	stream.indirect.scatter.add.f32 [tilespmem:s31], [sflag:$0x4], $0x40, s5, s23, $0xb8;
	[tilespmem:$0x1EC80] =	vst v63  }
0x2b: {  	_ =	swait.ge [sflag:s11], $0x2000  }
0x2c: {  	[sflag:s11] =	ssyncset.done $0x0  }
0x2d: {  	[sflag:s11] =	ssyncadd.s32 $0xFFFFE000  }
0x2e: {  	_ =	swait.ge [sflag:s16], $0x2000  }
0x2f: {  	[sflag:s16] =	ssyncset.done $0x0  }
0x30: {  	[sflag:s16] =	ssyncadd.s32 $0xFFFFE000  }
0x31: {  	s21 =	simm.s32 @p0 $0x10;
	s25 =	simm.s32 @p0 $0x8;
	[bflag:$0x0] =	sbarrier.arrive $0xFFFF  }
0x32: {  	s26 =	simm.s32 @p0 $0x1FCC;
	s5 =	simm.s32 @p0 $0x1;
	s28 =	rddreg [dreg:$0x14]  }
0x33: {  	[hbm:s28@s21], [sflag:s26] =	dma.strided @p0 [spmem:s15@s25], $0x10C0, s5, $0x8   }
0x34: {  	s5 =	simm.s32 @p0 $0xC  }
0x35: {  	_ =	swait.ge @p0 [sflag:s5], $0x10C0  }
0x36: {  	s15 =	simm.s32 @!p0 $0x10;
	s21 =	simm.s32 @!p0 $0x8;
	[sflag:s5] =	ssyncset.done @p0 $0x0  }
0x37: {  	s25 =	rddreg [dreg:$0x13];
	[sflag:s5] =	ssyncadd.s32 @p0 $0xFFFFEF40;
	s5 =	simm.s32 @!p0 $0x1  }
0x38: {  	[hbm:s25@s15], [sflag:s9] =	dma.strided @!p0 [spmem:s18@s21], $0x1440, s5, $0x8   }
0x39: {  	s5 =	simm.s32 @!p0 $0xC  }
0x3a: {  	_ =	swait.ge @!p0 [sflag:s5], $0x1440  }
0x3b: {  	s3 =	sadd.s32 $0x1, s3;
	s28 =	rddreg [dreg:$0x15]  }
0x3c: {  	p1 =	sne.s32 s3, s28  }
.Ltmp1:
0x3d: {  	_ = 	snop;
	(pc) =	sbr.rel @!p1 .LBB2_14-.Ltmp1, $3  }
0x3e: {  	_ =	sdelay $0x1  }
0x3f: {  	[sflag:s5] =	ssyncset.done @!p0 $0x0  }
0x40: {  	[sflag:s5] =	ssyncadd.s32 @!p0 $0xFFFFEBC0  }
.LBB2_1:
0x41: {  	s5 =	simm.s32 @p0 $0x1;
	s9 =	simm.s32 @p0 $0x8;
	s21 =	rddreg [dreg:$0x9]  }
0x42: {  	s15 =	simm.s32 @p0 $0x10;
	s18 =	simm.s32 @p0 $0x1FCC;
	s25 =	rddreg [dreg:$0x16]  }
0x43: {  	[spmem:s25@s9], [sflag:s18] =	dma.strided @p0 [hbm:s21@s15], $0x1040, s5, $0x8   }
0x44: {  	s5 =	simm.s32 @p0 $0xC  }
0x45: {  	_ =	swait.ge @p0 [sflag:s5], $0x1040  }
0x46: {  	s9 =	rddreg [dreg:$0xa]  }
0x47: {  	s21 =	simm.s32 @!p0 $0x10;
	[sflag:s5] =	ssyncset.done @p0 $0x0;
	s25 =	rddreg [dreg:$0x6]  }
0x48: {  	[sflag:s5] =	ssyncadd.s32 @p0 $0xFFFFEFC0;
	s15 =	sshrl.u32 @p0 s9, $0x3;
	s9 =	stileid.u32  }
0x49: {  	[spmem:s15], [sflag:s18] =	dma.local @p0 [hbm:s25], $0x10C0  }
0x4a: {  	s9 =	sshll.u32 @!p0 s9, $0x6;
	s18 =	simm.s32 @!p0 $0x8;
	_ =	swait.ge @p0 [sflag:s5], $0x10C0  }
0x4b: {  	s9 =	sor.u32 @!p0 $0x1C0C, s9;
	[sflag:s5] =	ssyncset.done @p0 $0x0;
	s26 =	rddreg [dreg:$0x7]  }
0x4c: {  	s28 =	rddreg [dreg:$0x17];
	[sflag:s5] =	ssyncadd.s32 @p0 $0xFFFFEF40;
	s5 =	simm.s32 @!p0 $0x1  }
0x4d: {  	[spmem:s28@s18], [sflag:s9] =	dma.strided @!p0 [hbm:s26@s21], $0x13C0, s5, $0x8   }
0x4e: {  	s5 =	simm.s32 @!p0 $0xC  }
0x4f: {  	_ =	swait.ge @!p0 [sflag:s5], $0x13C0  }
0x50: {  	[sflag:s5] =	ssyncset.done @!p0 $0x0;
	s18 =	rddreg [dreg:$0x8]  }
0x51: {  	[sflag:s5] =	ssyncadd.s32 @!p0 $0xFFFFEC40;
	s18 =	sshrl.u32 @!p0 s18, $0x3  }
0x52: {  	[spmem:s18], [sflag:s9] =	dma.local @!p0 [hbm:s25], $0x1440  }
0x53: {  	_ =	swait.ge @!p0 [sflag:s5], $0x1440  }
0x54: {  	[sflag:s5] =	ssyncset.done @!p0 $0x0  }
0x55: {  	s26 =	rddreg [dreg:$0xb];
	[sflag:s5] =	ssyncadd.s32 @!p0 $0xFFFFEBC0;
	s5 =	simm.s32 $0x0  }
0x56: {  	[tilespmem:s5], [sflag:$0x7] =	stream.strided.gather [hbm4b:s26+s23], $0x1400, s24, s23, $0x38;
	[tilespmem:$0x1EC80] =	vst v63  }
0x57: {  	s25 =	rddreg [dreg:$0xc];
	s26 =	simm.s32 $0x2800  }
0x58: {  	[tilespmem:s26], [sflag:$0x7] =	stream.strided.gather [hbm4b:s25+s23], $0x1400, s24, s23, $0x38;
	[tilespmem:$0x1EC80] =	vst v63  }
0x59: {  	s28 =	simm.s32 $0x1400;
	s25 =	rddreg [dreg:$0xd]  }
0x5a: {  	[tilespmem:s28], [sflag:$0x8] =	stream.strided.gather [hbm4b:s25+s23], $0x1400, s24, s23, $0x38;
	[tilespmem:$0x1EC80] =	vst v63  }
0x5b: {  	s21 =	rddreg [dreg:$0xe];
	s25 =	simm.s32 $0x3C00  }
0x5c: {  	[tilespmem:s25], [sflag:$0x8] =	stream.strided.gather [hbm4b:s21+s23], $0x1400, s24, s23, $0x38;
	[tilespmem:$0x1EC80] =	vst v63  }
0x5d: {  	[bflag:$0x0] =	sbarrier.arrive $0xFFFF  }
0x5e: {  	_ =	swait.ge [sflag:s29], $0x1400  }
0x5f: {  	[sflag:s29] =	ssyncset.done $0x0  }
0x60: {  	[sflag:s29] =	ssyncadd.s32 $0xFFFFEC00  }
0x61: {  	_ =	swait.ge [sflag:s29], $0x1400  }
0x62: {  	[sflag:s29] =	ssyncset.done $0x0  }
0x63: {  	[sflag:s29] =	ssyncadd.s32 $0xFFFFEC00  }
0x64: {  	[tilespmem:s31], [sflag:$0x1] =	stream.indirect.gather [spmem:s1], $0x40, s5, s30, $0xb8;
	[tilespmem:$0x1EC80] =	vst v63  }
0x65: {  	_ = 	snop  }
0x66: {  	[tilespmem:s0], [sflag:$0x9] =	stream.indirect.gather [spmem:s1], $0x40, s30, s30, $0xb8;
	[tilespmem:$0x1EC80] =	vst v63  }
0x67: {  	_ = 	snop  }
0x68: {  	[tilespmem:s4], [sflag:$0x2] =	stream.indirect.gather [spmem:s1], $0x40, s23, s30, $0xb8;
	[tilespmem:$0x1EC80] =	vst v63  }
0x69: {  	s25 =	simm.s32 $0xC0  }
0x6a: {  	[tilespmem:s6], [sflag:$0xA] =	stream.indirect.gather [spmem:s1], $0x40, s25, s30, $0xb8;
	[tilespmem:$0x1EC80] =	vst v63  }
0x6b: {  	_ =	swait.ge [sflag:s7], $0x1000  }
0x6c: {  	[sflag:s7] =	ssyncset.done $0x0  }
0x6d: {  	[sflag:s7] =	ssyncadd.s32 $0xFFFFF000  }
0x6e: {  	_ =	swait.ge [sflag:s8], $0x1000  }
0x6f: {  	[sflag:s8] =	ssyncset.done $0x0  }
0x70: {  	[sflag:s8] =	ssyncadd.s32 $0xFFFFF000  }
0x71: {  	[spmem:s2] =	stream.indirect.scatter.add.f32 [tilespmem:s31], [sflag:$0x4], $0x40, s26, s23, $0xb8;
	[tilespmem:$0x1EC80] =	vst v63  }
0x72: {  	s21 =	simm.s32 $0x100  }
0x73: {  	[tilespmem:s10], [sflag:$0x3] =	stream.indirect.gather [spmem:s1], $0x40, s21, s30, $0xb8;
	[tilespmem:$0x1EC80] =	vst v63  }
0x74: {  	s25 =	simm.s32 $0x140  }
0x75: {  	[tilespmem:s12], [sflag:$0xB] =	stream.indirect.gather [spmem:s1], $0x40, s25, s30, $0xb8;
	[tilespmem:$0x1EC80] =	vst v63  }
0x76: {  	_ =	swait.ge [sflag:s13], $0x1000  }
0x77: {  	[sflag:s13] =	ssyncset.done $0x0  }
0x78: {  	[sflag:s13] =	ssyncadd.s32 $0xFFFFF000  }
0x79: {  	_ =	swait.ge [sflag:s14], $0x1000  }
0x7a: {  	[sflag:s14] =	ssyncset.done $0x0  }
0x7b: {  	s21 =	simm.s32 $0x2880;
	[sflag:s14] =	ssyncadd.s32 $0xFFFFF000  }
0x7c: {  	[spmem:s2] =	stream.indirect.scatter.add.f32 [tilespmem:s4], [sflag:$0x5], $0x40, s21, s23, $0xb8;
	[tilespmem:$0x1EC80] =	vst v63  }
0x7d: {  	_ =	swait.ge [sflag:s16], $0x2000  }
0x7e: {  	[sflag:s16] =	ssyncset.done $0x0  }
0x7f: {  	s25 =	simm.s32 $0x180;
	[sflag:s16] =	ssyncadd.s32 $0xFFFFE000  }
0x80: {  	[tilespmem:s31], [sflag:$0x1] =	stream.indirect.gather [spmem:s1], $0x40, s25, s30, $0xb8;
	[tilespmem:$0x1EC80] =	vst v63  }
0x81: {  	s21 =	simm.s32 $0x1C0  }
0x82: {  	[tilespmem:s0], [sflag:$0x9] =	stream.indirect.gather [spmem:s1], $0x40, s21, s30, $0xb8;
	[tilespmem:$0x1EC80] =	vst v63  }
0x83: {  	_ =	swait.ge [sflag:s19], $0x1000  }
0x84: {  	[sflag:s19] =	ssyncset.done $0x0  }
0x85: {  	[sflag:s19] =	ssyncadd.s32 $0xFFFFF000  }
0x86: {  	_ =	swait.ge [sflag:s20], $0x1000  }
0x87: {  	[sflag:s20] =	ssyncset.done $0x0  }
0x88: {  	s25 =	simm.s32 $0x2900;
	[sflag:s20] =	ssyncadd.s32 $0xFFFFF000  }
0x89: {  	[spmem:s2] =	stream.indirect.scatter.add.f32 [tilespmem:s10], [sflag:$0x6], $0x40, s25, s23, $0xb8;
	[tilespmem:$0x1EC80] =	vst v63  }
0x8a: {  	_ =	swait.ge [sflag:s22], $0x2000  }
0x8b: {  	[sflag:s22] =	ssyncset.done $0x0  }
0x8c: {  	s21 =	simm.s32 $0x200;
	[sflag:s22] =	ssyncadd.s32 $0xFFFFE000  }
0x8d: {  	[tilespmem:s4], [sflag:$0x2] =	stream.indirect.gather [spmem:s1], $0x40, s21, s30, $0xb8;
	[tilespmem:$0x1EC80] =	vst v63  }
0x8e: {  	s25 =	simm.s32 $0x240;
	s21 =	simm.s32 $0x0  }
0x8f: {  	[tilespmem:s6], [sflag:$0xA] =	stream.indirect.gather [spmem:s1], $0x40, s25, s30, $0xb8;
	[tilespmem:$0x1EC80] =	vst v63  }
.LBB2_2:
0x90: {  	_ =	swait.ge [sflag:s7], $0x1000  }
0x91: {  	[sflag:s7] =	ssyncset.done $0x0  }
0x92: {  	[sflag:s7] =	ssyncadd.s32 $0xFFFFF000  }
0x93: {  	_ =	swait.ge [sflag:s8], $0x1000  }
0x94: {  	s5 =	sshra.s32 s21, $0x2;
	[sflag:s8] =	ssyncset.done $0x0  }
0x95: {  	s25 =	sadd.s32 $0x2980, s5;
	[sflag:s8] =	ssyncadd.s32 $0xFFFFF000  }
0x96: {  	[spmem:s2] =	stream.indirect.scatter.add.f32 [tilespmem:s31], [sflag:$0x4], $0x40, s25, s23, $0xb8;
	[tilespmem:$0x1EC80] =	vst v63  }
0x97: {  	_ =	swait.ge [sflag:s11], $0x2000  }
0x98: {  	[sflag:s11] =	ssyncset.done $0x0  }
0x99: {  	s25 =	sadd.s32 $0x280, s5;
	[sflag:s11] =	ssyncadd.s32 $0xFFFFE000  }
0x9a: {  	[tilespmem:s10], [sflag:$0x3] =	stream.indirect.gather [spmem:s1], $0x40, s25, s30, $0xb8;
	[tilespmem:$0x1EC80] =	vst v63  }
0x9b: {  	s25 =	sadd.s32 $0x2C0, s5  }
0x9c: {  	[tilespmem:s12], [sflag:$0xB] =	stream.indirect.gather [spmem:s1], $0x40, s25, s30, $0xb8;
	[tilespmem:$0x1EC80] =	vst v63  }
0x9d: {  	_ =	swait.ge [sflag:s13], $0x1000  }
0x9e: {  	[sflag:s13] =	ssyncset.done $0x0  }
0x9f: {  	[sflag:s13] =	ssyncadd.s32 $0xFFFFF000  }
0xa0: {  	_ =	swait.ge [sflag:s14], $0x1000  }
0xa1: {  	[sflag:s14] =	ssyncset.done $0x0  }
0xa2: {  	s25 =	sadd.s32 $0x2A00, s5;
	[sflag:s14] =	ssyncadd.s32 $0xFFFFF000  }
0xa3: {  	[spmem:s2] =	stream.indirect.scatter.add.f32 [tilespmem:s4], [sflag:$0x5], $0x40, s25, s23, $0xb8;
	[tilespmem:$0x1EC80] =	vst v63  }
0xa4: {  	_ =	swait.ge [sflag:s16], $0x2000  }
0xa5: {  	[sflag:s16] =	ssyncset.done $0x0  }
0xa6: {  	s25 =	sadd.s32 $0x300, s5;
	[sflag:s16] =	ssyncadd.s32 $0xFFFFE000  }
0xa7: {  	[tilespmem:s31], [sflag:$0x1] =	stream.indirect.gather [spmem:s1], $0x40, s25, s30, $0xb8;
	[tilespmem:$0x1EC80] =	vst v63  }
0xa8: {  	s25 =	sadd.s32 $0x340, s5  }
0xa9: {  	[tilespmem:s0], [sflag:$0x9] =	stream.indirect.gather [spmem:s1], $0x40, s25, s30, $0xb8;
	[tilespmem:$0x1EC80] =	vst v63  }
0xaa: {  	_ =	swait.ge [sflag:s19], $0x1000  }
0xab: {  	[sflag:s19] =	ssyncset.done $0x0  }
0xac: {  	[sflag:s19] =	ssyncadd.s32 $0xFFFFF000  }
0xad: {  	_ =	swait.ge [sflag:s20], $0x1000  }
0xae: {  	p1 =	seq.s32 s21, $0x4200;
	[sflag:s20] =	ssyncset.done $0x0  }
.Ltmp2:
0xaf: {  	s25 =	sadd.s32 $0x2A80, s5;
	[sflag:s20] =	ssyncadd.s32 $0xFFFFF000;
	(pc) =	sbr.rel @p1 .LBB2_4-.Ltmp2, $4  }
0xb0: {  	[spmem:s2] =	stream.indirect.scatter.add.f32 [tilespmem:s10], [sflag:$0x6], $0x40, s25, s23, $0xb8;
	[tilespmem:$0x1EC80] =	vst v63  }
0xb1: {  	_ =	swait.ge [sflag:s22], $0x2000  }
0xb2: {  	[sflag:s22] =	ssyncset.done $0x0  }
0xb3: {  	[sflag:s22] =	ssyncadd.s32 $0xFFFFE000  }
.Ltmp3:
0xb4: {  	(pc) =	sbr.rel .LBB2_2-.Ltmp3, $4  }
0xb5: {  	s25 =	sadd.s32 $0x380, s5  }
0xb6: {  	[tilespmem:s4], [sflag:$0x2] =	stream.indirect.gather [spmem:s1], $0x40, s25, s30, $0xb8;
	[tilespmem:$0x1EC80] =	vst v63  }
0xb7: {  	s21 =	sadd.s32 $0x600, s21;
	s25 =	sadd.s32 $0x3C0, s5  }
0xb8: {  	[tilespmem:s6], [sflag:$0xA] =	stream.indirect.gather [spmem:s1], $0x40, s25, s30, $0xb8;
	[tilespmem:$0x1EC80] =	vst v63  }
.LBB2_4:
0xb9: {  	_ =	swait.ge [sflag:s7], $0x1000  }
0xba: {  	[sflag:s7] =	ssyncset.done $0x0  }
0xbb: {  	[sflag:s7] =	ssyncadd.s32 $0xFFFFF000  }
0xbc: {  	_ =	swait.ge [sflag:s8], $0x1000  }
0xbd: {  	[sflag:s8] =	ssyncset.done $0x0  }
0xbe: {  	s5 =	simm.s32 $0x3B80;
	[sflag:s8] =	ssyncadd.s32 $0xFFFFF000  }
0xbf: {  	[spmem:s2] =	stream.indirect.scatter.add.f32 [tilespmem:s31], [sflag:$0x4], $0x40, s5, s23, $0xb8;
	[tilespmem:$0x1EC80] =	vst v63  }
0xc0: {  	_ =	swait.ge [sflag:s11], $0x2000  }
0xc1: {  	[sflag:s11] =	ssyncset.done $0x0  }
0xc2: {  	[sflag:s11] =	ssyncadd.s32 $0xFFFFE000  }
0xc3: {  	_ =	swait.ge [sflag:s16], $0x2000  }
0xc4: {  	[sflag:s16] =	ssyncset.done $0x0  }
0xc5: {  	s21 =	simm.s32 $0x0;
	s25 =	rddreg [dreg:$0xf];
	[sflag:s16] =	ssyncadd.s32 $0xFFFFE000  }
0xc6: {  	[tilespmem:s21], [sflag:$0x7] =	stream.strided.gather [hbm4b:s25+s23], $0x1400, s24, s23, $0x38;
	[tilespmem:$0x1EC80] =	vst v63  }
0xc7: {  	s25 =	rddreg [dreg:$0x10]  }
0xc8: {  	[tilespmem:s26], [sflag:$0x7] =	stream.strided.gather [hbm4b:s25+s23], $0x1400, s24, s23, $0x38;
	[tilespmem:$0x1EC80] =	vst v63  }
0xc9: {  	_ =	swait.ge [sflag:s17], $0x1400  }
0xca: {  	[sflag:s17] =	ssyncset.done $0x0  }
0xcb: {  	[sflag:s17] =	ssyncadd.s32 $0xFFFFEC00  }
0xcc: {  	_ =	swait.ge [sflag:s17], $0x1400  }
0xcd: {  	[sflag:s17] =	ssyncset.done $0x0  }
0xce: {  	[sflag:s17] =	ssyncadd.s32 $0xFFFFEC00  }
0xcf: {  	[tilespmem:s31], [sflag:$0x1] =	stream.indirect.gather [spmem:s1], $0x40, s28, s30, $0xb8;
	[tilespmem:$0x1EC80] =	vst v63  }
0xd0: {  	s25 =	simm.s32 $0x1440  }
0xd1: {  	[tilespmem:s0], [sflag:$0x9] =	stream.indirect.gather [spmem:s1], $0x40, s25, s30, $0xb8;
	[tilespmem:$0x1EC80] =	vst v63  }
0xd2: {  	s25 =	simm.s32 $0x1480  }
0xd3: {  	[tilespmem:s4], [sflag:$0x2] =	stream.indirect.gather [spmem:s1], $0x40, s25, s30, $0xb8;
	[tilespmem:$0x1EC80] =	vst v63  }
0xd4: {  	s25 =	simm.s32 $0x14C0  }
0xd5: {  	[tilespmem:s6], [sflag:$0xA] =	stream.indirect.gather [spmem:s1], $0x40, s25, s30, $0xb8;
	[tilespmem:$0x1EC80] =	vst v63  }
0xd6: {  	_ =	swait.ge [sflag:s7], $0x1000  }
0xd7: {  	[sflag:s7] =	ssyncset.done $0x0  }
0xd8: {  	[sflag:s7] =	ssyncadd.s32 $0xFFFFF000  }
0xd9: {  	_ =	swait.ge [sflag:s8], $0x1000  }
0xda: {  	[sflag:s8] =	ssyncset.done $0x0  }
0xdb: {  	s25 =	simm.s32 $0x3C00;
	[sflag:s8] =	ssyncadd.s32 $0xFFFFF000  }
0xdc: {  	[spmem:s2] =	stream.indirect.scatter.add.f32 [tilespmem:s31], [sflag:$0x4], $0x40, s25, s23, $0xb8;
	[tilespmem:$0x1EC80] =	vst v63  }
0xdd: {  	s25 =	simm.s32 $0x1500  }
0xde: {  	[tilespmem:s10], [sflag:$0x3] =	stream.indirect.gather [spmem:s1], $0x40, s25, s30, $0xb8;
	[tilespmem:$0x1EC80] =	vst v63  }
0xdf: {  	s25 =	simm.s32 $0x1540  }
0xe0: {  	[tilespmem:s12], [sflag:$0xB] =	stream.indirect.gather [spmem:s1], $0x40, s25, s30, $0xb8;
	[tilespmem:$0x1EC80] =	vst v63  }
0xe1: {  	_ =	swait.ge [sflag:s13], $0x1000  }
0xe2: {  	[sflag:s13] =	ssyncset.done $0x0  }
0xe3: {  	[sflag:s13] =	ssyncadd.s32 $0xFFFFF000  }
0xe4: {  	_ =	swait.ge [sflag:s14], $0x1000  }
0xe5: {  	[sflag:s14] =	ssyncset.done $0x0  }
0xe6: {  	s25 =	simm.s32 $0x3C80;
	[sflag:s14] =	ssyncadd.s32 $0xFFFFF000  }
0xe7: {  	[spmem:s2] =	stream.indirect.scatter.add.f32 [tilespmem:s4], [sflag:$0x5], $0x40, s25, s23, $0xb8;
	[tilespmem:$0x1EC80] =	vst v63  }
0xe8: {  	_ =	swait.ge [sflag:s16], $0x2000  }
0xe9: {  	[sflag:s16] =	ssyncset.done $0x0  }
0xea: {  	s25 =	simm.s32 $0x1580;
	[sflag:s16] =	ssyncadd.s32 $0xFFFFE000  }
0xeb: {  	[tilespmem:s31], [sflag:$0x1] =	stream.indirect.gather [spmem:s1], $0x40, s25, s30, $0xb8;
	[tilespmem:$0x1EC80] =	vst v63  }
0xec: {  	s25 =	simm.s32 $0x15C0  }
0xed: {  	[tilespmem:s0], [sflag:$0x9] =	stream.indirect.gather [spmem:s1], $0x40, s25, s30, $0xb8;
	[tilespmem:$0x1EC80] =	vst v63  }
0xee: {  	_ =	swait.ge [sflag:s19], $0x1000  }
0xef: {  	[sflag:s19] =	ssyncset.done $0x0  }
0xf0: {  	[sflag:s19] =	ssyncadd.s32 $0xFFFFF000  }
0xf1: {  	_ =	swait.ge [sflag:s20], $0x1000  }
0xf2: {  	[sflag:s20] =	ssyncset.done $0x0  }
0xf3: {  	s25 =	simm.s32 $0x3D00;
	[sflag:s20] =	ssyncadd.s32 $0xFFFFF000  }
0xf4: {  	[spmem:s2] =	stream.indirect.scatter.add.f32 [tilespmem:s10], [sflag:$0x6], $0x40, s25, s23, $0xb8;
	[tilespmem:$0x1EC80] =	vst v63  }
0xf5: {  	_ =	swait.ge [sflag:s22], $0x2000  }
0xf6: {  	[sflag:s22] =	ssyncset.done $0x0  }
0xf7: {  	s25 =	simm.s32 $0x1600;
	[sflag:s22] =	ssyncadd.s32 $0xFFFFE000  }
0xf8: {  	[tilespmem:s4], [sflag:$0x2] =	stream.indirect.gather [spmem:s1], $0x40, s25, s30, $0xb8;
	[tilespmem:$0x1EC80] =	vst v63  }
0xf9: {  	s25 =	simm.s32 $0x1640  }
0xfa: {  	[tilespmem:s6], [sflag:$0xA] =	stream.indirect.gather [spmem:s1], $0x40, s25, s30, $0xb8;
	[tilespmem:$0x1EC80] =	vst v63  }
.LBB2_5:
0xfb: {  	_ =	swait.ge [sflag:s7], $0x1000  }
0xfc: {  	[sflag:s7] =	ssyncset.done $0x0  }
0xfd: {  	[sflag:s7] =	ssyncadd.s32 $0xFFFFF000  }
0xfe: {  	_ =	swait.ge [sflag:s8], $0x1000  }
0xff: {  	s5 =	sshra.s32 s21, $0x2;
	[sflag:s8] =	ssyncset.done $0x0  }
0x100: {  	s25 =	sadd.s32 $0x3D80, s5;
	[sflag:s8] =	ssyncadd.s32 $0xFFFFF000  }
0x101: {  	[spmem:s2] =	stream.indirect.scatter.add.f32 [tilespmem:s31], [sflag:$0x4], $0x40, s25, s23, $0xb8;
	[tilespmem:$0x1EC80] =	vst v63  }
0x102: {  	_ =	swait.ge [sflag:s11], $0x2000  }
0x103: {  	[sflag:s11] =	ssyncset.done $0x0  }
0x104: {  	s25 =	sadd.s32 $0x1680, s5;
	[sflag:s11] =	ssyncadd.s32 $0xFFFFE000  }
0x105: {  	[tilespmem:s10], [sflag:$0x3] =	stream.indirect.gather [spmem:s1], $0x40, s25, s30, $0xb8;
	[tilespmem:$0x1EC80] =	vst v63  }
0x106: {  	s25 =	sadd.s32 $0x16C0, s5  }
0x107: {  	[tilespmem:s12], [sflag:$0xB] =	stream.indirect.gather [spmem:s1], $0x40, s25, s30, $0xb8;
	[tilespmem:$0x1EC80] =	vst v63  }
0x108: {  	_ =	swait.ge [sflag:s13], $0x1000  }
0x109: {  	[sflag:s13] =	ssyncset.done $0x0  }
0x10a: {  	[sflag:s13] =	ssyncadd.s32 $0xFFFFF000  }
0x10b: {  	_ =	swait.ge [sflag:s14], $0x1000  }
0x10c: {  	[sflag:s14] =	ssyncset.done $0x0  }
0x10d: {  	s25 =	sadd.s32 $0x3E00, s5;
	[sflag:s14] =	ssyncadd.s32 $0xFFFFF000  }
0x10e: {  	[spmem:s2] =	stream.indirect.scatter.add.f32 [tilespmem:s4], [sflag:$0x5], $0x40, s25, s23, $0xb8;
	[tilespmem:$0x1EC80] =	vst v63  }
0x10f: {  	_ =	swait.ge [sflag:s16], $0x2000  }
0x110: {  	[sflag:s16] =	ssyncset.done $0x0  }
0x111: {  	s25 =	sadd.s32 $0x1700, s5;
	[sflag:s16] =	ssyncadd.s32 $0xFFFFE000  }
0x112: {  	[tilespmem:s31], [sflag:$0x1] =	stream.indirect.gather [spmem:s1], $0x40, s25, s30, $0xb8;
	[tilespmem:$0x1EC80] =	vst v63  }
0x113: {  	s25 =	sadd.s32 $0x1740, s5  }
0x114: {  	[tilespmem:s0], [sflag:$0x9] =	stream.indirect.gather [spmem:s1], $0x40, s25, s30, $0xb8;
	[tilespmem:$0x1EC80] =	vst v63  }
0x115: {  	_ =	swait.ge [sflag:s19], $0x1000  }
0x116: {  	[sflag:s19] =	ssyncset.done $0x0  }
0x117: {  	[sflag:s19] =	ssyncadd.s32 $0xFFFFF000  }
0x118: {  	_ =	swait.ge [sflag:s20], $0x1000  }
0x119: {  	p1 =	seq.s32 s21, $0x4200;
	[sflag:s20] =	ssyncset.done $0x0  }
.Ltmp4:
0x11a: {  	s25 =	sadd.s32 $0x3E80, s5;
	[sflag:s20] =	ssyncadd.s32 $0xFFFFF000;
	(pc) =	sbr.rel @p1 .LBB2_7-.Ltmp4, $4  }
0x11b: {  	[spmem:s2] =	stream.indirect.scatter.add.f32 [tilespmem:s10], [sflag:$0x6], $0x40, s25, s23, $0xb8;
	[tilespmem:$0x1EC80] =	vst v63  }
0x11c: {  	_ =	swait.ge [sflag:s22], $0x2000  }
0x11d: {  	[sflag:s22] =	ssyncset.done $0x0  }
0x11e: {  	[sflag:s22] =	ssyncadd.s32 $0xFFFFE000  }
.Ltmp5:
0x11f: {  	(pc) =	sbr.rel .LBB2_5-.Ltmp5, $4  }
0x120: {  	s25 =	sadd.s32 $0x1780, s5  }
0x121: {  	[tilespmem:s4], [sflag:$0x2] =	stream.indirect.gather [spmem:s1], $0x40, s25, s30, $0xb8;
	[tilespmem:$0x1EC80] =	vst v63  }
0x122: {  	s21 =	sadd.s32 $0x600, s21;
	s25 =	sadd.s32 $0x17C0, s5  }
0x123: {  	[tilespmem:s6], [sflag:$0xA] =	stream.indirect.gather [spmem:s1], $0x40, s25, s30, $0xb8;
	[tilespmem:$0x1EC80] =	vst v63  }
.LBB2_7:
0x124: {  	_ =	swait.ge [sflag:s7], $0x1000  }
0x125: {  	[sflag:s7] =	ssyncset.done $0x0  }
0x126: {  	[sflag:s7] =	ssyncadd.s32 $0xFFFFF000  }
0x127: {  	_ =	swait.ge [sflag:s8], $0x1000  }
0x128: {  	[sflag:s8] =	ssyncset.done $0x0  }
0x129: {  	s5 =	simm.s32 $0x4F80;
	[sflag:s8] =	ssyncadd.s32 $0xFFFFF000  }
0x12a: {  	[spmem:s2] =	stream.indirect.scatter.add.f32 [tilespmem:s31], [sflag:$0x4], $0x40, s5, s23, $0xb8;
	[tilespmem:$0x1EC80] =	vst v63  }
0x12b: {  	_ =	swait.ge [sflag:s11], $0x2000  }
0x12c: {  	[sflag:s11] =	ssyncset.done $0x0  }
0x12d: {  	[sflag:s11] =	ssyncadd.s32 $0xFFFFE000  }
0x12e: {  	_ =	swait.ge [sflag:s16], $0x2000  }
0x12f: {  	[sflag:s16] =	ssyncset.done $0x0  }
0x130: {  	s21 =	rddreg [dreg:$0x11];
	[sflag:s16] =	ssyncadd.s32 $0xFFFFE000  }
0x131: {  	[tilespmem:s28], [sflag:$0x8] =	stream.strided.gather [hbm4b:s21+s23], $0x1400, s24, s23, $0x38;
	[tilespmem:$0x1EC80] =	vst v63  }
0x132: {  	s25 =	rddreg [dreg:$0x12];
	s21 =	simm.s32 $0x3C00  }
0x133: {  	[tilespmem:s21], [sflag:$0x8] =	stream.strided.gather [hbm4b:s25+s23], $0x1400, s24, s23, $0x38;
	[tilespmem:$0x1EC80] =	vst v63  }
0x134: {  	_ =	swait.ge [sflag:s29], $0x1400  }
0x135: {  	[sflag:s29] =	ssyncset.done $0x0  }
0x136: {  	[sflag:s29] =	ssyncadd.s32 $0xFFFFEC00  }
0x137: {  	_ =	swait.ge [sflag:s29], $0x1400  }
0x138: {  	[sflag:s29] =	ssyncset.done $0x0  }
0x139: {  	s21 =	simm.s32 $0x0;
	[sflag:s29] =	ssyncadd.s32 $0xFFFFEC00  }
0x13a: {  	[tilespmem:s31], [sflag:$0x1] =	stream.indirect.gather [spmem:s1], $0x40, s21, s30, $0xb8;
	[tilespmem:$0x1EC80] =	vst v63  }
0x13b: {  	_ = 	snop  }
0x13c: {  	[tilespmem:s0], [sflag:$0x9] =	stream.indirect.gather [spmem:s1], $0x40, s30, s30, $0xb8;
	[tilespmem:$0x1EC80] =	vst v63  }
0x13d: {  	_ = 	snop  }
0x13e: {  	[tilespmem:s4], [sflag:$0x2] =	stream.indirect.gather [spmem:s1], $0x40, s23, s30, $0xb8;
	[tilespmem:$0x1EC80] =	vst v63  }
0x13f: {  	s25 =	simm.s32 $0xC0  }
0x140: {  	[tilespmem:s6], [sflag:$0xA] =	stream.indirect.gather [spmem:s1], $0x40, s25, s30, $0xb8;
	[tilespmem:$0x1EC80] =	vst v63  }
0x141: {  	_ =	swait.ge [sflag:s7], $0x1000  }
0x142: {  	[sflag:s7] =	ssyncset.done $0x0  }
0x143: {  	[sflag:s7] =	ssyncadd.s32 $0xFFFFF000  }
0x144: {  	_ =	swait.ge [sflag:s8], $0x1000  }
0x145: {  	[sflag:s8] =	ssyncset.done $0x0  }
0x146: {  	[sflag:s8] =	ssyncadd.s32 $0xFFFFF000  }
0x147: {  	[spmem:s2] =	stream.indirect.scatter.add.f32 [tilespmem:s31], [sflag:$0x4], $0x40, s26, s23, $0xb8;
	[tilespmem:$0x1EC80] =	vst v63  }
0x148: {  	s25 =	simm.s32 $0x100  }
0x149: {  	[tilespmem:s10], [sflag:$0x3] =	stream.indirect.gather [spmem:s1], $0x40, s25, s30, $0xb8;
	[tilespmem:$0x1EC80] =	vst v63  }
0x14a: {  	s26 =	simm.s32 $0x140  }
0x14b: {  	[tilespmem:s12], [sflag:$0xB] =	stream.indirect.gather [spmem:s1], $0x40, s26, s30, $0xb8;
	[tilespmem:$0x1EC80] =	vst v63  }
0x14c: {  	_ =	swait.ge [sflag:s13], $0x1000  }
0x14d: {  	[sflag:s13] =	ssyncset.done $0x0  }
0x14e: {  	[sflag:s13] =	ssyncadd.s32 $0xFFFFF000  }
0x14f: {  	_ =	swait.ge [sflag:s14], $0x1000  }
0x150: {  	[sflag:s14] =	ssyncset.done $0x0  }
0x151: {  	s25 =	simm.s32 $0x2880;
	[sflag:s14] =	ssyncadd.s32 $0xFFFFF000  }
0x152: {  	[spmem:s2] =	stream.indirect.scatter.add.f32 [tilespmem:s4], [sflag:$0x5], $0x40, s25, s23, $0xb8;
	[tilespmem:$0x1EC80] =	vst v63  }
0x153: {  	_ =	swait.ge [sflag:s16], $0x2000  }
0x154: {  	[sflag:s16] =	ssyncset.done $0x0  }
0x155: {  	s26 =	simm.s32 $0x180;
	[sflag:s16] =	ssyncadd.s32 $0xFFFFE000  }
0x156: {  	[tilespmem:s31], [sflag:$0x1] =	stream.indirect.gather [spmem:s1], $0x40, s26, s30, $0xb8;
	[tilespmem:$0x1EC80] =	vst v63  }
0x157: {  	s25 =	simm.s32 $0x1C0  }
0x158: {  	[tilespmem:s0], [sflag:$0x9] =	stream.indirect.gather [spmem:s1], $0x40, s25, s30, $0xb8;
	[tilespmem:$0x1EC80] =	vst v63  }
0x159: {  	_ =	swait.ge [sflag:s19], $0x1000  }
0x15a: {  	[sflag:s19] =	ssyncset.done $0x0  }
0x15b: {  	[sflag:s19] =	ssyncadd.s32 $0xFFFFF000  }
0x15c: {  	_ =	swait.ge [sflag:s20], $0x1000  }
0x15d: {  	[sflag:s20] =	ssyncset.done $0x0  }
0x15e: {  	s26 =	simm.s32 $0x2900;
	[sflag:s20] =	ssyncadd.s32 $0xFFFFF000  }
0x15f: {  	[spmem:s2] =	stream.indirect.scatter.add.f32 [tilespmem:s10], [sflag:$0x6], $0x40, s26, s23, $0xb8;
	[tilespmem:$0x1EC80] =	vst v63  }
0x160: {  	_ =	swait.ge [sflag:s22], $0x2000  }
0x161: {  	[sflag:s22] =	ssyncset.done $0x0  }
0x162: {  	s25 =	simm.s32 $0x200;
	[sflag:s22] =	ssyncadd.s32 $0xFFFFE000  }
0x163: {  	[tilespmem:s4], [sflag:$0x2] =	stream.indirect.gather [spmem:s1], $0x40, s25, s30, $0xb8;
	[tilespmem:$0x1EC80] =	vst v63  }
0x164: {  	s26 =	simm.s32 $0x240  }
0x165: {  	[tilespmem:s6], [sflag:$0xA] =	stream.indirect.gather [spmem:s1], $0x40, s26, s30, $0xb8;
	[tilespmem:$0x1EC80] =	vst v63  }
.LBB2_8:
0x166: {  	_ =	swait.ge [sflag:s7], $0x1000  }
0x167: {  	[sflag:s7] =	ssyncset.done $0x0  }
0x168: {  	[sflag:s7] =	ssyncadd.s32 $0xFFFFF000  }
0x169: {  	_ =	swait.ge [sflag:s8], $0x1000  }
0x16a: {  	s5 =	sshra.s32 s21, $0x2;
	[sflag:s8] =	ssyncset.done $0x0  }
0x16b: {  	s25 =	sadd.s32 $0x2980, s5;
	[sflag:s8] =	ssyncadd.s32 $0xFFFFF000  }
0x16c: {  	[spmem:s2] =	stream.indirect.scatter.add.f32 [tilespmem:s31], [sflag:$0x4], $0x40, s25, s23, $0xb8;
	[tilespmem:$0x1EC80] =	vst v63  }
0x16d: {  	_ =	swait.ge [sflag:s11], $0x2000  }
0x16e: {  	[sflag:s11] =	ssyncset.done $0x0  }
0x16f: {  	s26 =	sadd.s32 $0x280, s5;
	[sflag:s11] =	ssyncadd.s32 $0xFFFFE000  }
0x170: {  	[tilespmem:s10], [sflag:$0x3] =	stream.indirect.gather [spmem:s1], $0x40, s26, s30, $0xb8;
	[tilespmem:$0x1EC80] =	vst v63  }
0x171: {  	s26 =	sadd.s32 $0x2C0, s5  }
0x172: {  	[tilespmem:s12], [sflag:$0xB] =	stream.indirect.gather [spmem:s1], $0x40, s26, s30, $0xb8;
	[tilespmem:$0x1EC80] =	vst v63  }
0x173: {  	_ =	swait.ge [sflag:s13], $0x1000  }
0x174: {  	[sflag:s13] =	ssyncset.done $0x0  }
0x175: {  	[sflag:s13] =	ssyncadd.s32 $0xFFFFF000  }
0x176: {  	_ =	swait.ge [sflag:s14], $0x1000  }
0x177: {  	[sflag:s14] =	ssyncset.done $0x0  }
0x178: {  	s26 =	sadd.s32 $0x2A00, s5;
	[sflag:s14] =	ssyncadd.s32 $0xFFFFF000  }
0x179: {  	[spmem:s2] =	stream.indirect.scatter.add.f32 [tilespmem:s4], [sflag:$0x5], $0x40, s26, s23, $0xb8;
	[tilespmem:$0x1EC80] =	vst v63  }
0x17a: {  	_ =	swait.ge [sflag:s16], $0x2000  }
0x17b: {  	[sflag:s16] =	ssyncset.done $0x0  }
0x17c: {  	s26 =	sadd.s32 $0x300, s5;
	[sflag:s16] =	ssyncadd.s32 $0xFFFFE000  }
0x17d: {  	[tilespmem:s31], [sflag:$0x1] =	stream.indirect.gather [spmem:s1], $0x40, s26, s30, $0xb8;
	[tilespmem:$0x1EC80] =	vst v63  }
0x17e: {  	s26 =	sadd.s32 $0x340, s5  }
0x17f: {  	[tilespmem:s0], [sflag:$0x9] =	stream.indirect.gather [spmem:s1], $0x40, s26, s30, $0xb8;
	[tilespmem:$0x1EC80] =	vst v63  }
0x180: {  	_ =	swait.ge [sflag:s19], $0x1000  }
0x181: {  	[sflag:s19] =	ssyncset.done $0x0  }
0x182: {  	[sflag:s19] =	ssyncadd.s32 $0xFFFFF000  }
0x183: {  	_ =	swait.ge [sflag:s20], $0x1000  }
0x184: {  	p1 =	seq.s32 s21, $0x4200;
	[sflag:s20] =	ssyncset.done $0x0  }
.Ltmp6:
0x185: {  	s26 =	sadd.s32 $0x2A80, s5;
	[sflag:s20] =	ssyncadd.s32 $0xFFFFF000;
	(pc) =	sbr.rel @p1 .LBB2_10-.Ltmp6, $4  }
0x186: {  	[spmem:s2] =	stream.indirect.scatter.add.f32 [tilespmem:s10], [sflag:$0x6], $0x40, s26, s23, $0xb8;
	[tilespmem:$0x1EC80] =	vst v63  }
0x187: {  	_ =	swait.ge [sflag:s22], $0x2000  }
0x188: {  	[sflag:s22] =	ssyncset.done $0x0  }
0x189: {  	[sflag:s22] =	ssyncadd.s32 $0xFFFFE000  }
.Ltmp7:
0x18a: {  	(pc) =	sbr.rel .LBB2_8-.Ltmp7, $4  }
0x18b: {  	s25 =	sadd.s32 $0x380, s5  }
0x18c: {  	[tilespmem:s4], [sflag:$0x2] =	stream.indirect.gather [spmem:s1], $0x40, s25, s30, $0xb8;
	[tilespmem:$0x1EC80] =	vst v63  }
0x18d: {  	s26 =	sadd.s32 $0x3C0, s5;
	s21 =	sadd.s32 $0x600, s21  }
0x18e: {  	[tilespmem:s6], [sflag:$0xA] =	stream.indirect.gather [spmem:s1], $0x40, s26, s30, $0xb8;
	[tilespmem:$0x1EC80] =	vst v63  }
.LBB2_10:
0x18f: {  	_ =	swait.ge [sflag:s7], $0x1000  }
0x190: {  	[sflag:s7] =	ssyncset.done $0x0  }
0x191: {  	[sflag:s7] =	ssyncadd.s32 $0xFFFFF000  }
0x192: {  	_ =	swait.ge [sflag:s8], $0x1000  }
0x193: {  	[sflag:s8] =	ssyncset.done $0x0  }
0x194: {  	s5 =	simm.s32 $0x3B80;
	[sflag:s8] =	ssyncadd.s32 $0xFFFFF000  }
0x195: {  	[spmem:s2] =	stream.indirect.scatter.add.f32 [tilespmem:s31], [sflag:$0x4], $0x40, s5, s23, $0xb8;
	[tilespmem:$0x1EC80] =	vst v63  }
0x196: {  	_ =	swait.ge [sflag:s11], $0x2000  }
0x197: {  	[sflag:s11] =	ssyncset.done $0x0  }
0x198: {  	[sflag:s11] =	ssyncadd.s32 $0xFFFFE000  }
0x199: {  	_ =	swait.ge [sflag:s16], $0x2000  }
0x19a: {  	[sflag:s16] =	ssyncset.done $0x0  }
0x19b: {  	[sflag:s16] =	ssyncadd.s32 $0xFFFFE000  }
0x19c: {  	_ =	swait.ge [sflag:s17], $0x1400  }
0x19d: {  	[sflag:s17] =	ssyncset.done $0x0  }
0x19e: {  	[sflag:s17] =	ssyncadd.s32 $0xFFFFEC00  }
0x19f: {  	_ =	swait.ge [sflag:s17], $0x1400  }
0x1a0: {  	[sflag:s17] =	ssyncset.done $0x0  }
0x1a1: {  	[sflag:s17] =	ssyncadd.s32 $0xFFFFEC00  }
0x1a2: {  	[tilespmem:s31], [sflag:$0x1] =	stream.indirect.gather [spmem:s1], $0x40, s28, s30, $0xb8;
	[tilespmem:$0x1EC80] =	vst v63  }
0x1a3: {  	s21 =	simm.s32 $0x1440  }
0x1a4: {  	[tilespmem:s0], [sflag:$0x9] =	stream.indirect.gather [spmem:s1], $0x40, s21, s30, $0xb8;
	[tilespmem:$0x1EC80] =	vst v63  }
0x1a5: {  	s25 =	simm.s32 $0x1480  }
0x1a6: {  	[tilespmem:s4], [sflag:$0x2] =	stream.indirect.gather [spmem:s1], $0x40, s25, s30, $0xb8;
	[tilespmem:$0x1EC80] =	vst v63  }
0x1a7: {  	s26 =	simm.s32 $0x14C0  }
0x1a8: {  	[tilespmem:s6], [sflag:$0xA] =	stream.indirect.gather [spmem:s1], $0x40, s26, s30, $0xb8;
	[tilespmem:$0x1EC80] =	vst v63  }
0x1a9: {  	_ =	swait.ge [sflag:s7], $0x1000  }
0x1aa: {  	[sflag:s7] =	ssyncset.done $0x0  }
0x1ab: {  	[sflag:s7] =	ssyncadd.s32 $0xFFFFF000  }
0x1ac: {  	_ =	swait.ge [sflag:s8], $0x1000  }
0x1ad: {  	[sflag:s8] =	ssyncset.done $0x0  }
0x1ae: {  	s28 =	simm.s32 $0x3C00;
	[sflag:s8] =	ssyncadd.s32 $0xFFFFF000  }
0x1af: {  	[spmem:s2] =	stream.indirect.scatter.add.f32 [tilespmem:s31], [sflag:$0x4], $0x40, s28, s23, $0xb8;
	[tilespmem:$0x1EC80] =	vst v63  }
0x1b0: {  	s21 =	simm.s32 $0x1500  }
0x1b1: {  	[tilespmem:s10], [sflag:$0x3] =	stream.indirect.gather [spmem:s1], $0x40, s21, s30, $0xb8;
	[tilespmem:$0x1EC80] =	vst v63  }
0x1b2: {  	s25 =	simm.s32 $0x1540  }
0x1b3: {  	[tilespmem:s12], [sflag:$0xB] =	stream.indirect.gather [spmem:s1], $0x40, s25, s30, $0xb8;
	[tilespmem:$0x1EC80] =	vst v63  }
0x1b4: {  	_ =	swait.ge [sflag:s13], $0x1000  }
0x1b5: {  	[sflag:s13] =	ssyncset.done $0x0  }
0x1b6: {  	[sflag:s13] =	ssyncadd.s32 $0xFFFFF000  }
0x1b7: {  	_ =	swait.ge [sflag:s14], $0x1000  }
0x1b8: {  	[sflag:s14] =	ssyncset.done $0x0  }
0x1b9: {  	s26 =	simm.s32 $0x3C80;
	[sflag:s14] =	ssyncadd.s32 $0xFFFFF000  }
0x1ba: {  	[spmem:s2] =	stream.indirect.scatter.add.f32 [tilespmem:s4], [sflag:$0x5], $0x40, s26, s23, $0xb8;
	[tilespmem:$0x1EC80] =	vst v63  }
0x1bb: {  	_ =	swait.ge [sflag:s16], $0x2000  }
0x1bc: {  	[sflag:s16] =	ssyncset.done $0x0  }
0x1bd: {  	s28 =	simm.s32 $0x1580;
	[sflag:s16] =	ssyncadd.s32 $0xFFFFE000  }
0x1be: {  	[tilespmem:s31], [sflag:$0x1] =	stream.indirect.gather [spmem:s1], $0x40, s28, s30, $0xb8;
	[tilespmem:$0x1EC80] =	vst v63  }
0x1bf: {  	s21 =	simm.s32 $0x15C0  }
0x1c0: {  	[tilespmem:s0], [sflag:$0x9] =	stream.indirect.gather [spmem:s1], $0x40, s21, s30, $0xb8;
	[tilespmem:$0x1EC80] =	vst v63  }
0x1c1: {  	_ =	swait.ge [sflag:s19], $0x1000  }
0x1c2: {  	[sflag:s19] =	ssyncset.done $0x0  }
0x1c3: {  	[sflag:s19] =	ssyncadd.s32 $0xFFFFF000  }
0x1c4: {  	_ =	swait.ge [sflag:s20], $0x1000  }
0x1c5: {  	[sflag:s20] =	ssyncset.done $0x0  }
0x1c6: {  	s25 =	simm.s32 $0x3D00;
	[sflag:s20] =	ssyncadd.s32 $0xFFFFF000  }
0x1c7: {  	[spmem:s2] =	stream.indirect.scatter.add.f32 [tilespmem:s10], [sflag:$0x6], $0x40, s25, s23, $0xb8;
	[tilespmem:$0x1EC80] =	vst v63  }
0x1c8: {  	_ =	swait.ge [sflag:s22], $0x2000  }
0x1c9: {  	[sflag:s22] =	ssyncset.done $0x0  }
0x1ca: {  	s26 =	simm.s32 $0x1600;
	[sflag:s22] =	ssyncadd.s32 $0xFFFFE000  }
0x1cb: {  	[tilespmem:s4], [sflag:$0x2] =	stream.indirect.gather [spmem:s1], $0x40, s26, s30, $0xb8;
	[tilespmem:$0x1EC80] =	vst v63  }
0x1cc: {  	s28 =	simm.s32 $0x1640;
	s21 =	simm.s32 $0x0  }
0x1cd: {  	[tilespmem:s6], [sflag:$0xA] =	stream.indirect.gather [spmem:s1], $0x40, s28, s30, $0xb8;
	[tilespmem:$0x1EC80] =	vst v63  }
.LBB2_11:
0x1ce: {  	_ =	swait.ge [sflag:s7], $0x1000  }
0x1cf: {  	[sflag:s7] =	ssyncset.done $0x0  }
0x1d0: {  	[sflag:s7] =	ssyncadd.s32 $0xFFFFF000  }
0x1d1: {  	_ =	swait.ge [sflag:s8], $0x1000  }
0x1d2: {  	s5 =	sshra.s32 s21, $0x2;
	[sflag:s8] =	ssyncset.done $0x0  }
0x1d3: {  	s25 =	sadd.s32 $0x3D80, s5;
	[sflag:s8] =	ssyncadd.s32 $0xFFFFF000  }
0x1d4: {  	[spmem:s2] =	stream.indirect.scatter.add.f32 [tilespmem:s31], [sflag:$0x4], $0x40, s25, s23, $0xb8;
	[tilespmem:$0x1EC80] =	vst v63  }
0x1d5: {  	_ =	swait.ge [sflag:s11], $0x2000  }
0x1d6: {  	[sflag:s11] =	ssyncset.done $0x0  }
0x1d7: {  	s26 =	sadd.s32 $0x1680, s5;
	[sflag:s11] =	ssyncadd.s32 $0xFFFFE000  }
0x1d8: {  	[tilespmem:s10], [sflag:$0x3] =	stream.indirect.gather [spmem:s1], $0x40, s26, s30, $0xb8;
	[tilespmem:$0x1EC80] =	vst v63  }
0x1d9: {  	s28 =	sadd.s32 $0x16C0, s5  }
0x1da: {  	[tilespmem:s12], [sflag:$0xB] =	stream.indirect.gather [spmem:s1], $0x40, s28, s30, $0xb8;
	[tilespmem:$0x1EC80] =	vst v63  }
0x1db: {  	_ =	swait.ge [sflag:s13], $0x1000  }
0x1dc: {  	[sflag:s13] =	ssyncset.done $0x0  }
0x1dd: {  	[sflag:s13] =	ssyncadd.s32 $0xFFFFF000  }
0x1de: {  	_ =	swait.ge [sflag:s14], $0x1000  }
0x1df: {  	[sflag:s14] =	ssyncset.done $0x0  }
0x1e0: {  	s26 =	sadd.s32 $0x3E00, s5;
	[sflag:s14] =	ssyncadd.s32 $0xFFFFF000  }
0x1e1: {  	[spmem:s2] =	stream.indirect.scatter.add.f32 [tilespmem:s4], [sflag:$0x5], $0x40, s26, s23, $0xb8;
	[tilespmem:$0x1EC80] =	vst v63  }
0x1e2: {  	_ =	swait.ge [sflag:s16], $0x2000  }
0x1e3: {  	[sflag:s16] =	ssyncset.done $0x0  }
0x1e4: {  	s28 =	sadd.s32 $0x1700, s5;
	[sflag:s16] =	ssyncadd.s32 $0xFFFFE000  }
0x1e5: {  	[tilespmem:s31], [sflag:$0x1] =	stream.indirect.gather [spmem:s1], $0x40, s28, s30, $0xb8;
	[tilespmem:$0x1EC80] =	vst v63  }
0x1e6: {  	s26 =	sadd.s32 $0x1740, s5  }
0x1e7: {  	[tilespmem:s0], [sflag:$0x9] =	stream.indirect.gather [spmem:s1], $0x40, s26, s30, $0xb8;
	[tilespmem:$0x1EC80] =	vst v63  }
0x1e8: {  	_ =	swait.ge [sflag:s19], $0x1000  }
0x1e9: {  	[sflag:s19] =	ssyncset.done $0x0  }
0x1ea: {  	[sflag:s19] =	ssyncadd.s32 $0xFFFFF000  }
0x1eb: {  	_ =	swait.ge [sflag:s20], $0x1000  }
0x1ec: {  	p1 =	seq.s32 s21, $0x4200;
	[sflag:s20] =	ssyncset.done $0x0  }
.Ltmp8:
0x1ed: {  	s28 =	sadd.s32 $0x3E80, s5;
	[sflag:s20] =	ssyncadd.s32 $0xFFFFF000;
	(pc) =	sbr.rel @p1 .LBB2_13-.Ltmp8, $4  }
0x1ee: {  	[spmem:s2] =	stream.indirect.scatter.add.f32 [tilespmem:s10], [sflag:$0x6], $0x40, s28, s23, $0xb8;
	[tilespmem:$0x1EC80] =	vst v63  }
0x1ef: {  	_ =	swait.ge [sflag:s22], $0x2000  }
0x1f0: {  	[sflag:s22] =	ssyncset.done $0x0  }
0x1f1: {  	[sflag:s22] =	ssyncadd.s32 $0xFFFFE000  }
.Ltmp9:
0x1f2: {  	(pc) =	sbr.rel .LBB2_11-.Ltmp9, $4  }
0x1f3: {  	s25 =	sadd.s32 $0x1780, s5  }
0x1f4: {  	[tilespmem:s4], [sflag:$0x2] =	stream.indirect.gather [spmem:s1], $0x40, s25, s30, $0xb8;
	[tilespmem:$0x1EC80] =	vst v63  }
0x1f5: {  	s28 =	sadd.s32 $0x17C0, s5;
	s21 =	sadd.s32 $0x600, s21  }
0x1f6: {  	[tilespmem:s6], [sflag:$0xA] =	stream.indirect.gather [spmem:s1], $0x40, s28, s30, $0xb8;
	[tilespmem:$0x1EC80] =	vst v63  }
.LBB2_14:
0x1f7: {  	_ =	sfence.sel $0x180000  }
0x1f8: {  	[bflag:$0x0] =	sbarrier.arrive $0xFFFF  }
0x1f9: {  	_ =	strace $0x90000047  }
0x1fa: {  	s0 =	stileid.u32;
	[bflag:$0x2] =	sbarrier.arrive $0xFFFF  }
0x1fb: {  	p0 =	sne.s32 s0, $0x0;
	s0 =	rddreg [dreg:$0x5]  }
0x1fc: {  	s0 =	sadd.s32 @!p0 $0x100000, s0  }
0x1fd: {  	[sflag:s0] =	ssyncadd.tile.s32 @!p0 $0x1;
	_ =	shalt  }
.Lfunc_end2:
_tile_overlayer_lowered:
.L_overlay_start_2:
0x1fe: {  	(tag) =	ssettag $0x2  }
0x1ff: {  	s0 =	rddreg [dreg:$0x0];
	s2 =	stileid.u32  }
0x200: {  	s1 =	rddreg [dreg:$0x1];
	p0 =	sne.s32 s2, $0x0  }
0x201: {  	s3 =	rddreg [dreg:$0x2];
	[bflag:$0x3] =	sbarrier.arrive $0xFFFF;
	s2 =	simm.s32 @!p0 $0x1C0C  }
0x202: {  	[timem:s3], [sflag:s2] =	dma.local @!p0 [hbm:s0], s1  }
0x203: {  	s0 =	simm.s32 @!p0 $0xC  }
0x204: {  	_ =	swait.ge @!p0 [sflag:s0], s1  }
0x205: {  	s1 =	ssub.s32 @!p0 $0x0, s1;
	[sflag:s0] =	ssyncset.done @!p0 $0x0  }
0x206: {  	[sflag:s0] =	ssyncadd.s32 @!p0 s1  }
0x207: {  	[bflag:$0x3] =	sbarrier.arrive $0xFFFF  }
0x208: {  	_ =	shalt  }

</sc_bundles>
